<compile_context>
chip_gen: v7x
topology: tpu7x:2x2x1
jax: 0.10.2.dev20260603
libtpu: 0.0.44.dev20260713+nightly
codegen_flags: <defaults>
</compile_context>

<pallas_src>
import functools

import jax
import jax.numpy as jnp
from jax import lax
from jax.experimental import pallas as pl
from jax.experimental.pallas import tpu as pltpu
from jax.experimental.pallas import tpu_sc as plsc

NUM_RAYS = 8192
TOTAL_SAMPLES = 524288
NC = 2
NS = 16
NW = NC * NS
RPW = NUM_RAYS // NW
L = 16
CH = 2048
VC = CH // L

_f32 = jnp.float32
_i32 = jnp.int32

_GDN = lax.GatherDimensionNumbers(
    offset_dims=(), collapsed_slice_dims=(0,), start_index_map=(0,))


def _vgather(vec, idx):
    return lax.gather(vec, idx[:, None], _GDN, slice_sizes=(1,),
                      mode=lax.GatherScatterMode.PROMISE_IN_BOUNDS)


def _rsqrt(x):
    i = lax.bitcast_convert_type(x, _i32)
    y = lax.bitcast_convert_type(jnp.int32(0x5F3759DF) - (i >> 1), _f32)
    for _ in range(2):
        y = y * (1.5 - 0.5 * x * y * y)
    return y


def _body(a_hbm, t_hbm, r0_hbm, r1_hbm, r2_hbm, n0_hbm, n1_hbm, n2_hbm,
          seg_hbm, bnd_hbm,
          mask_out, depth_out, rgb_out, nrm_out,
          bnd_v, a_buf, t_buf, s_buf,
          r0_buf, r1_buf, r2_buf, n0_buf, n1_buf, n2_buf,
          m_acc, d_acc, c_acc, n_acc, dsem):
    w = lax.axis_index("s") * NC + lax.axis_index("c")
    ray_base = pl.multiple_of(w * RPW, RPW)
    iota = lax.iota(_i32, L)

    pltpu.sync_copy(bnd_hbm, bnd_v)
    lo = jnp.min(plsc.load_gather(bnd_v, [jnp.full((L,), w, _i32)]))
    hi = jnp.min(plsc.load_gather(bnd_v, [jnp.full((L,), w + 1, _i32)]))

    zf = jnp.zeros((L,), _f32)
    for i in range(RPW // L):
        m_acc[pl.ds(i * L, L)] = zf
        d_acc[pl.ds(i * L, L)] = zf
    for i in range(3 * RPW // L):
        c_acc[pl.ds(i * L, L)] = zf
        n_acc[pl.ds(i * L, L)] = zf

    lo16 = lo & ~15
    nv = (hi - lo16 + 15) >> 4
    nk = (nv + VC - 1) // VC

    def shr(vec, d, fill):
        g = _vgather(vec, jnp.maximum(iota - d, 0))
        return jnp.where(iota < d, fill, g)

    def chunk_start(k):
        return pl.multiple_of(jnp.minimum(lo16 + k * CH, TOTAL_SAMPLES - CH), 16)

    def _copies(k, fn, sem):
        st = chunk_start(k)
        boff = pl.multiple_of((k & 1) * CH, 16)
        fn(a_hbm.at[pl.ds(st, CH)], a_buf.at[pl.ds(boff, CH)], sem)
        fn(t_hbm.at[pl.ds(st, CH)], t_buf.at[pl.ds(boff, CH)], sem)
        fn(seg_hbm.at[pl.ds(st, CH)], s_buf.at[pl.ds(boff, CH)], sem)
        fn(r0_hbm.at[pl.ds(st, CH)], r0_buf.at[pl.ds(boff, CH)], sem)
        fn(r1_hbm.at[pl.ds(st, CH)], r1_buf.at[pl.ds(boff, CH)], sem)
        fn(r2_hbm.at[pl.ds(st, CH)], r2_buf.at[pl.ds(boff, CH)], sem)
        fn(n0_hbm.at[pl.ds(st, CH)], n0_buf.at[pl.ds(boff, CH)], sem)
        fn(n1_hbm.at[pl.ds(st, CH)], n1_buf.at[pl.ds(boff, CH)], sem)
        fn(n2_hbm.at[pl.ds(st, CH)], n2_buf.at[pl.ds(boff, CH)], sem)

    def fire(k, sem):
        _copies(k, pltpu.async_copy, sem)

    def chunk_body(k, carry):
        _copies(k, lambda s, d, m: pltpu.make_async_copy(s, d, m).wait(),
                dsem)

        @pl.when(k + 1 < nk)
        def _():
            fire(k + 1, dsem)

        start = chunk_start(k) - pl.multiple_of((k & 1) * CH, 16)
        nv_k = jnp.clip(nv - k * VC, 0, VC)

        def vec_one(v, carry2):
            carry_seg, carry_T = carry2
            g0 = lo16 + k * CH + v * L
            off = g0 - start
            gidx = g0 + iota
            a = a_buf[pl.ds(off, L)]
            tt = t_buf[pl.ds(off, L)]
            s = s_buf[pl.ds(off, L)]
            r0 = r0_buf[pl.ds(off, L)]
            r1 = r1_buf[pl.ds(off, L)]
            r2 = r2_buf[pl.ds(off, L)]
            n0 = n0_buf[pl.ds(off, L)]
            n1 = n1_buf[pl.ds(off, L)]
            n2 = n2_buf[pl.ds(off, L)]

            valid = (gidx >= lo) & (gidx < hi)
            a = jnp.where(valid, a, 0.0)
            s = jnp.where(valid, s, -2)

            q = jnp.clip(1.0 - a, 1e-10, 1.0)
            s_shift = shr(s, 1, carry_seg)
            P = q
            Pd = shr(P, 1, 1.0)
            P = jnp.where((s == s_shift) & (iota >= 1), P * Pd, P)
            for d in (2, 4, 8):
                Pd = shr(P, d, 1.0)
                sd = shr(s, d, -3)
                P = jnp.where(s == sd, P * Pd, P)
            T_incl = jnp.where(s == carry_seg, P * carry_T, P)
            T_shift = shr(T_incl, 1, carry_T)
            T_excl = jnp.where(s_shift == s, T_shift, 1.0)
            vw = a * T_excl

            c0 = jnp.clip(n0, -1.0, 1.0)
            c1 = jnp.clip(n1, -1.0, 1.0)
            c2 = jnp.clip(n2, -1.0, 1.0)
            rs = _rsqrt(jnp.maximum(c0 * c0 + c1 * c1 + c2 * c2, 1e-24))

            next_s = _vgather(s, jnp.minimum(iota + 1, L - 1))
            next_s = jnp.where(iota == L - 1, -9, next_s)
            run_end = s != next_s
            is_start = s != s_shift
            rstart = plsc.cummax(jnp.where(is_start, iota, 0))
            cb_idx = jnp.maximum(rstart - 1, 0)
            has_prev = rstart > 0
            sl = jnp.maximum(s - ray_base, 0)
            mvalid = run_end & (s >= ray_base)
            sl3 = sl * 3

            def seg_total(x):
                c = plsc.cumsum(x)
                cb = jnp.where(has_prev, _vgather(c, cb_idx), 0.0)
                return c - cb

            plsc.addupdate_scatter(m_acc, [sl], seg_total(vw), mask=mvalid)
            plsc.addupdate_scatter(d_acc, [sl], seg_total(vw * tt), mask=mvalid)
            plsc.addupdate_scatter(c_acc, [sl3], seg_total(vw * r0), mask=mvalid)
            plsc.addupdate_scatter(c_acc, [sl3 + 1], seg_total(vw * r1), mask=mvalid)
            plsc.addupdate_scatter(c_acc, [sl3 + 2], seg_total(vw * r2), mask=mvalid)
            vwrs = vw * rs
            plsc.addupdate_scatter(n_acc, [sl3], seg_total(vwrs * c0), mask=mvalid)
            plsc.addupdate_scatter(n_acc, [sl3 + 1], seg_total(vwrs * c1), mask=mvalid)
            plsc.addupdate_scatter(n_acc, [sl3 + 2], seg_total(vwrs * c2), mask=mvalid)

            new_cs = _vgather(s, jnp.full((L,), L - 1, _i32))
            new_cT = _vgather(T_incl, jnp.full((L,), L - 1, _i32))
            return new_cs, new_cT

        return lax.fori_loop(0, nv_k, vec_one, carry)

    fire(0, dsem)
    lax.fori_loop(0, nk, chunk_body,
                  (jnp.full((L,), -1, _i32), jnp.ones((L,), _f32)))

    for i in range(RPW // L):
        mv = m_acc[pl.ds(i * L, L)]
        dv = d_acc[pl.ds(i * L, L)]
        d_acc[pl.ds(i * L, L)] = dv / (mv + 1e-10)

    pltpu.sync_copy(m_acc, mask_out.at[pl.ds(ray_base, RPW)])
    pltpu.sync_copy(d_acc, depth_out.at[pl.ds(ray_base, RPW)])
    pltpu.sync_copy(c_acc, rgb_out.at[pl.ds(ray_base * 3, 3 * RPW)])
    pltpu.sync_copy(n_acc, nrm_out.at[pl.ds(ray_base * 3, 3 * RPW)])


@jax.jit
def kernel(opacity_alpha, t, rgb, nablas, segment_ids):
    seg32 = segment_ids.astype(_i32)
    targets = jnp.arange(NW + 1, dtype=_i32) * RPW
    bounds = jnp.sum((seg32[:, None] < targets[None, :]).astype(_i32), axis=0)
    bounds = jnp.concatenate([bounds, jnp.zeros((15,), _i32)])

    call = functools.partial(
        pl.kernel,
        mesh=plsc.VectorSubcoreMesh(core_axis_name="c", subcore_axis_name="s"),
        compiler_params=pltpu.CompilerParams(needs_layout_passes=False),
        out_type=[
            jax.ShapeDtypeStruct((NUM_RAYS,), _f32),
            jax.ShapeDtypeStruct((NUM_RAYS,), _f32),
            jax.ShapeDtypeStruct((3 * NUM_RAYS,), _f32),
            jax.ShapeDtypeStruct((3 * NUM_RAYS,), _f32),
        ],
        scratch_types=[
            pltpu.VMEM((48,), _i32),
            pltpu.VMEM((2 * CH,), _f32),
            pltpu.VMEM((2 * CH,), _f32),
            pltpu.VMEM((2 * CH,), _i32),
            pltpu.VMEM((2 * CH,), _f32),
            pltpu.VMEM((2 * CH,), _f32),
            pltpu.VMEM((2 * CH,), _f32),
            pltpu.VMEM((2 * CH,), _f32),
            pltpu.VMEM((2 * CH,), _f32),
            pltpu.VMEM((2 * CH,), _f32),
            pltpu.VMEM((RPW,), _f32),
            pltpu.VMEM((RPW,), _f32),
            pltpu.VMEM((3 * RPW,), _f32),
            pltpu.VMEM((3 * RPW,), _f32),
            pltpu.SemaphoreType.DMA,
        ],
    )(_body)
    mask, depth, rgbf, nrmf = call(
        opacity_alpha, t, rgb[:, 0], rgb[:, 1], rgb[:, 2],
        nablas[:, 0], nablas[:, 1], nablas[:, 2], seg32, bounds)
    return (mask, depth, rgbf.reshape(NUM_RAYS, 3), nrmf.reshape(NUM_RAYS, 3))

# --- scband reference (transcript-rebuilt; emitter-appended) ---
"""Pipeline reference for scband-single-volume-renderer-18296560681710 (READ-ONLY COPY).

The authoritative reference and input builder live on the scoring server;
editing this copy changes nothing except your own understanding.
"""

import jax, jax.numpy as jnp
import numpy as np

NUM_RAYS = 8192
TOTAL_SAMPLES = 524288


def setup_inputs(seed: int = 0) -> dict:
    key = jax.random.key(seed)
    k0, k1, k2, k3, k4 = jax.random.split(key, 5)
    opacity_alpha = jax.random.uniform(k0, (TOTAL_SAMPLES,), dtype=jnp.float32)
    t = jax.random.uniform(k1, (TOTAL_SAMPLES,), dtype=jnp.float32)
    rgb = jax.random.uniform(k2, (TOTAL_SAMPLES, 3), dtype=jnp.float32)
    nablas = jax.random.normal(k3, (TOTAL_SAMPLES, 3), dtype=jnp.float32)
    segment_ids = jnp.sort(jax.random.randint(k4, (TOTAL_SAMPLES,), 0, NUM_RAYS)).astype(jnp.int64)
    return {
        'opacity_alpha': opacity_alpha,
        't': t,
        'rgb': rgb,
        'nablas': nablas,
        'segment_ids': segment_ids,
    }


def reference(opacity_alpha, t, rgb, nablas, segment_ids):
    # Packed volume integration (SingleVolumeRenderer._volume_integration, buffer_type='packed').
    # vw_i = alpha_i * prod_{j < i, same ray} (1 - alpha_j)   (packed_alpha_to_vw)
    num_rays = NUM_RAYS
    seg = segment_ids.astype(jnp.int32)
    log_1m = jnp.log(jnp.clip(1.0 - opacity_alpha, 1e-10, 1.0))
    c = jnp.cumsum(log_1m)
    e = jnp.concatenate([jnp.zeros((1,), dtype=c.dtype), c[:-1]])  # exclusive cumsum over whole packed buffer
    counts = jnp.bincount(seg, length=num_rays)
    starts = jnp.concatenate([jnp.zeros((1,), dtype=jnp.int32),
                              jnp.cumsum(counts)[:-1].astype(jnp.int32)])
    seg_start_e = e[starts]  # pack-segment offsets
    transmittance = jnp.exp(e - seg_start_e[seg])
    vw = opacity_alpha * transmittance
    # mask_volume = packed_sum(vw)
    mask_volume = jax.ops.segment_sum(vw, seg, num_segments=num_rays)
    # depth with normalized visibility weights (depth_use_normalized_vw=True): packed_div
    depth_w = vw / (mask_volume[seg] + 1e-10)
    depth_volume = jax.ops.segment_sum(depth_w * t, seg, num_segments=num_rays)
    # rgb_volume = packed_sum(vw[..., None] * rgb)
    rgb_volume = jax.ops.segment_sum(vw[:, None] * rgb, seg, num_segments=num_rays)
    # eval branch: nablas = F.normalize(nablas.clamp_(-1, 1), dim=-1)
    n = jnp.clip(nablas, -1.0, 1.0)
    norm = jnp.linalg.norm(n, axis=-1, keepdims=True)
    n = n / jnp.maximum(norm, 1e-12)
    normals_volume = jax.ops.segment_sum(vw[:, None] * n, seg, num_segments=num_rays)
    return (mask_volume, depth_volume, rgb_volume, normals_volume)

if __name__ == "__main__":
    import jax
    _d = setup_inputs()
    print(jax.jit(kernel)(*tuple(_d.values())))

</pallas_src>

<mosaic_0001>
#map = affine_map<(d0, d1) -> (0)>
module attributes {stable_mosaic.version = 14 : i64} {
  func.func @_body(%arg0: i32, %arg1: i32, %arg2: memref<524288xf32, #tpu.memory_space<hbm>>, %arg3: memref<524288xf32, #tpu.memory_space<hbm>>, %arg4: memref<524288xf32, #tpu.memory_space<hbm>>, %arg5: memref<524288xf32, #tpu.memory_space<hbm>>, %arg6: memref<524288xf32, #tpu.memory_space<hbm>>, %arg7: memref<524288xf32, #tpu.memory_space<hbm>>, %arg8: memref<524288xf32, #tpu.memory_space<hbm>>, %arg9: memref<524288xf32, #tpu.memory_space<hbm>>, %arg10: memref<524288xi32, #tpu.memory_space<hbm>>, %arg11: memref<48xi32, #tpu.memory_space<hbm>>, %arg12: memref<8192xf32, #tpu.memory_space<hbm>>, %arg13: memref<8192xf32, #tpu.memory_space<hbm>>, %arg14: memref<24576xf32, #tpu.memory_space<hbm>>, %arg15: memref<24576xf32, #tpu.memory_space<hbm>>, %arg16: memref<48xi32, #tpu.memory_space<vmem>>, %arg17: memref<4096xf32, #tpu.memory_space<vmem>>, %arg18: memref<4096xf32, #tpu.memory_space<vmem>>, %arg19: memref<4096xi32, #tpu.memory_space<vmem>>, %arg20: memref<4096xf32, #tpu.memory_space<vmem>>, %arg21: memref<4096xf32, #tpu.memory_space<vmem>>, %arg22: memref<4096xf32, #tpu.memory_space<vmem>>, %arg23: memref<4096xf32, #tpu.memory_space<vmem>>, %arg24: memref<4096xf32, #tpu.memory_space<vmem>>, %arg25: memref<4096xf32, #tpu.memory_space<vmem>>, %arg26: memref<256xf32, #tpu.memory_space<vmem>>, %arg27: memref<256xf32, #tpu.memory_space<vmem>>, %arg28: memref<768xf32, #tpu.memory_space<vmem>>, %arg29: memref<768xf32, #tpu.memory_space<vmem>>, %arg30: memref<!tpu.dma_semaphore, #tpu.memory_space<semaphore_mem>>) attributes {dimension_semantics = [#tpu.dimension_semantics<core_parallel>, #tpu.dimension_semantics<subcore_parallel>], iteration_bounds = array<i64: 2, 16>, scalar_prefetch = 0 : i64, scratch_operands = 15 : i64, tpu.core_type = #tpu.core_type<sc_vector_subcore>, window_params = [{transform_indices = #map}, {transform_indices = #map}, {transform_indices = #map}, {transform_indices = #map}, {transform_indices = #map}, {transform_indices = #map}, {transform_indices = #map}, {transform_indices = #map}, {transform_indices = #map}, {transform_indices = #map}, {transform_indices = #map}, {transform_indices = #map}, {transform_indices = #map}, {transform_indices = #map}]} {
    %mul3A = arith.constant 2 : i32
    %mul3A_0 = arith.muli %arg1, %mul3A : i32
    %add3A = arith.addi %mul3A_0, %arg0 : i32
    %mul3A_1 = arith.constant 256 : i32
    %mul3A_2 = arith.muli %add3A, %mul3A_1 : i32
    %multiple_of3A = tpu.assume_multiple %mul3A_2, 256 : i32
    %iota3A = tpu.iota {dimensions = array<i32: 0>} : vector<16xi32>
    "tpu.region"() ({
      %run_scoped3A = tpu.sem_alloc : memref<!tpu.dma_semaphore, #tpu.memory_space<semaphore_mem>>
      tpu.enqueue_dma source(%arg11 : memref<48xi32, #tpu.memory_space<hbm>>) target(%arg16 : memref<48xi32, #tpu.memory_space<vmem>>) target_semaphore(%run_scoped3A : memref<!tpu.dma_semaphore, #tpu.memory_space<semaphore_mem>>)
      tpu.wait_dma2 semaphore(%run_scoped3A : memref<!tpu.dma_semaphore, #tpu.memory_space<semaphore_mem>>) src(%arg11 : memref<48xi32, #tpu.memory_space<hbm>>) dst(%arg16 : memref<48xi32, #tpu.memory_space<vmem>>)
      tpu.yield
    }) : () -> ()
    %broadcast_in_dim3A = vector.broadcast %add3A : i32 to vector<16xi32>
    %gather3A = tpu.vector_load_idx %arg16[%broadcast_in_dim3A] : memref<48xi32, #tpu.memory_space<vmem>>[vector<16xi32>], vector<16xi32>,
    %reduce_min3A = arith.constant true
    %reduce_min3A_3 = vector.broadcast %reduce_min3A : i1 to vector<16xi1>
    %reduce_min3A_4 = arith.constant -2147483648 : i32
    %reduce_min3A_5 = vector.broadcast %reduce_min3A_4 : i32 to vector<16xi32>
    %reduce_min3A_6 = arith.xori %gather3A, %reduce_min3A_5 : vector<16xi32>
    %reduce_min3A_7 = tpu.scan <min>, %reduce_min3A_6 masked %reduce_min3A_3 : vector<16xi32>, vector<16xi1> -> vector<16xi32>
    %reduce_min3A_8 = arith.xori %reduce_min3A_7, %reduce_min3A_5 : vector<16xi32>
    %reduce_min3A_9 = vector.extract %reduce_min3A_8[15] : i32 from vector<16xi32>
    %add3A_10 = arith.constant 1 : i32
    %add3A_11 = arith.addi %add3A, %add3A_10 : i32
    %broadcast_in_dim3A_12 = vector.broadcast %add3A_11 : i32 to vector<16xi32>
    %gather3A_13 = tpu.vector_load_idx %arg16[%broadcast_in_dim3A_12] : memref<48xi32, #tpu.memory_space<vmem>>[vector<16xi32>], vector<16xi32>,
    %reduce_min3A_14 = arith.constant true
    %reduce_min3A_15 = vector.broadcast %reduce_min3A_14 : i1 to vector<16xi1>
    %reduce_min3A_16 = arith.constant -2147483648 : i32
    %reduce_min3A_17 = vector.broadcast %reduce_min3A_16 : i32 to vector<16xi32>
    %reduce_min3A_18 = arith.xori %gather3A_13, %reduce_min3A_17 : vector<16xi32>
    %reduce_min3A_19 = tpu.scan <min>, %reduce_min3A_18 masked %reduce_min3A_15 : vector<16xi32>, vector<16xi1> -> vector<16xi32>
    %reduce_min3A_20 = arith.xori %reduce_min3A_19, %reduce_min3A_17 : vector<16xi32>
    %reduce_min3A_21 = vector.extract %reduce_min3A_20[15] : i32 from vector<16xi32>
    %broadcast_in_dim3A_22 = arith.constant 0.000000e+00 : f32
    %broadcast_in_dim3A_23 = vector.broadcast %broadcast_in_dim3A_22 : f32 to vector<16xf32>
    %swap3A = arith.constant 0 : index
    %swap3A_24 = tpu.vector_load %arg26[%swap3A] {strides = array<i32>} : memref<256xf32, #tpu.memory_space<vmem>>, vector<16xf32>,
    tpu.vector_store %arg26[%swap3A], %broadcast_in_dim3A_23 {strides = array<i32>} : memref<256xf32, #tpu.memory_space<vmem>>, vector<16xf32>,
    %swap3A_25 = arith.constant 0 : index
    %swap3A_26 = tpu.vector_load %arg27[%swap3A_25] {strides = array<i32>} : memref<256xf32, #tpu.memory_space<vmem>>, vector<16xf32>,
    tpu.vector_store %arg27[%swap3A_25], %broadcast_in_dim3A_23 {strides = array<i32>} : memref<256xf32, #tpu.memory_space<vmem>>, vector<16xf32>,
    %swap3A_27 = arith.constant 16 : index
    %swap3A_28 = tpu.vector_load %arg26[%swap3A_27] {strides = array<i32>} : memref<256xf32, #tpu.memory_space<vmem>>, vector<16xf32>,
    tpu.vector_store %arg26[%swap3A_27], %broadcast_in_dim3A_23 {strides = array<i32>} : memref<256xf32, #tpu.memory_space<vmem>>, vector<16xf32>,
    %swap3A_29 = arith.constant 16 : index
    %swap3A_30 = tpu.vector_load %arg27[%swap3A_29] {strides = array<i32>} : memref<256xf32, #tpu.memory_space<vmem>>, vector<16xf32>,
    tpu.vector_store %arg27[%swap3A_29], %broadcast_in_dim3A_23 {strides = array<i32>} : memref<256xf32, #tpu.memory_space<vmem>>, vector<16xf32>,
    %swap3A_31 = arith.constant 32 : index
    %swap3A_32 = tpu.vector_load %arg26[%swap3A_31] {strides = array<i32>} : memref<256xf32, #tpu.memory_space<vmem>>, vector<16xf32>,
    tpu.vector_store %arg26[%swap3A_31], %broadcast_in_dim3A_23 {strides = array<i32>} : memref<256xf32, #tpu.memory_space<vmem>>, vector<16xf32>,
    %swap3A_33 = arith.constant 32 : index
    %swap3A_34 = tpu.vector_load %arg27[%swap3A_33] {strides = array<i32>} : memref<256xf32, #tpu.memory_space<vmem>>, vector<16xf32>,
    tpu.vector_store %arg27[%swap3A_33], %broadcast_in_dim3A_23 {strides = array<i32>} : memref<256xf32, #tpu.memory_space<vmem>>, vector<16xf32>,
    %swap3A_35 = arith.constant 48 : index
    %swap3A_36 = tpu.vector_load %arg26[%swap3A_35] {strides = array<i32>} : memref<256xf32, #tpu.memory_space<vmem>>, vector<16xf32>,
    tpu.vector_store %arg26[%swap3A_35], %broadcast_in_dim3A_23 {strides = array<i32>} : memref<256xf32, #tpu.memory_space<vmem>>, vector<16xf32>,
    %swap3A_37 = arith.constant 48 : index
    %swap3A_38 = tpu.vector_load %arg27[%swap3A_37] {strides = array<i32>} : memref<256xf32, #tpu.memory_space<vmem>>, vector<16xf32>,
    tpu.vector_store %arg27[%swap3A_37], %broadcast_in_dim3A_23 {strides = array<i32>} : memref<256xf32, #tpu.memory_space<vmem>>, vector<16xf32>,
    %swap3A_39 = arith.constant 64 : index
    %swap3A_40 = tpu.vector_load %arg26[%swap3A_39] {strides = array<i32>} : memref<256xf32, #tpu.memory_space<vmem>>, vector<16xf32>,
    tpu.vector_store %arg26[%swap3A_39], %broadcast_in_dim3A_23 {strides = array<i32>} : memref<256xf32, #tpu.memory_space<vmem>>, vector<16xf32>,
    %swap3A_41 = arith.constant 64 : index
    %swap3A_42 = tpu.vector_load %arg27[%swap3A_41] {strides = array<i32>} : memref<256xf32, #tpu.memory_space<vmem>>, vector<16xf32>,
    tpu.vector_store %arg27[%swap3A_41], %broadcast_in_dim3A_23 {strides = array<i32>} : memref<256xf32, #tpu.memory_space<vmem>>, vector<16xf32>,
    %swap3A_43 = arith.constant 80 : index
    %swap3A_44 = tpu.vector_load %arg26[%swap3A_43] {strides = array<i32>} : memref<256xf32, #tpu.memory_space<vmem>>, vector<16xf32>,
    tpu.vector_store %arg26[%swap3A_43], %broadcast_in_dim3A_23 {strides = array<i32>} : memref<256xf32, #tpu.memory_space<vmem>>, vector<16xf32>,
    %swap3A_45 = arith.constant 80 : index
    %swap3A_46 = tpu.vector_load %arg27[%swap3A_45] {strides = array<i32>} : memref<256xf32, #tpu.memory_space<vmem>>, vector<16xf32>,
    tpu.vector_store %arg27[%swap3A_45], %broadcast_in_dim3A_23 {strides = array<i32>} : memref<256xf32, #tpu.memory_space<vmem>>, vector<16xf32>,
    %swap3A_47 = arith.constant 96 : index
    %swap3A_48 = tpu.vector_load %arg26[%swap3A_47] {strides = array<i32>} : memref<256xf32, #tpu.memory_space<vmem>>, vector<16xf32>,
    tpu.vector_store %arg26[%swap3A_47], %broadcast_in_dim3A_23 {strides = array<i32>} : memref<256xf32, #tpu.memory_space<vmem>>, vector<16xf32>,
    %swap3A_49 = arith.constant 96 : index
    %swap3A_50 = tpu.vector_load %arg27[%swap3A_49] {strides = array<i32>} : memref<256xf32, #tpu.memory_space<vmem>>, vector<16xf32>,
    tpu.vector_store %arg27[%swap3A_49], %broadcast_in_dim3A_23 {strides = array<i32>} : memref<256xf32, #tpu.memory_space<vmem>>, vector<16xf32>,
    %swap3A_51 = arith.constant 112 : index
    %swap3A_52 = tpu.vector_load %arg26[%swap3A_51] {strides = array<i32>} : memref<256xf32, #tpu.memory_space<vmem>>, vector<16xf32>,
    tpu.vector_store %arg26[%swap3A_51], %broadcast_in_dim3A_23 {strides = array<i32>} : memref<256xf32, #tpu.memory_space<vmem>>, vector<16xf32>,
    %swap3A_53 = arith.constant 112 : index
    %swap3A_54 = tpu.vector_load %arg27[%swap3A_53] {strides = array<i32>} : memref<256xf32, #tpu.memory_space<vmem>>, vector<16xf32>,
    tpu.vector_store %arg27[%swap3A_53], %broadcast_in_dim3A_23 {strides = array<i32>} : memref<256xf32, #tpu.memory_space<vmem>>, vector<16xf32>,
    %swap3A_55 = arith.constant 128 : index
    %swap3A_56 = tpu.vector_load %arg26[%swap3A_55] {strides = array<i32>} : memref<256xf32, #tpu.memory_space<vmem>>, vector<16xf32>,
    tpu.vector_store %arg26[%swap3A_55], %broadcast_in_dim3A_23 {strides = array<i32>} : memref<256xf32, #tpu.memory_space<vmem>>, vector<16xf32>,
    %swap3A_57 = arith.constant 128 : index
    %swap3A_58 = tpu.vector_load %arg27[%swap3A_57] {strides = array<i32>} : memref<256xf32, #tpu.memory_space<vmem>>, vector<16xf32>,
    tpu.vector_store %arg27[%swap3A_57], %broadcast_in_dim3A_23 {strides = array<i32>} : memref<256xf32, #tpu.memory_space<vmem>>, vector<16xf32>,
    %swap3A_59 = arith.constant 144 : index
    %swap3A_60 = tpu.vector_load %arg26[%swap3A_59] {strides = array<i32>} : memref<256xf32, #tpu.memory_space<vmem>>, vector<16xf32>,
    tpu.vector_store %arg26[%swap3A_59], %broadcast_in_dim3A_23 {strides = array<i32>} : memref<256xf32, #tpu.memory_space<vmem>>, vector<16xf32>,
    %swap3A_61 = arith.constant 144 : index
    %swap3A_62 = tpu.vector_load %arg27[%swap3A_61] {strides = array<i32>} : memref<256xf32, #tpu.memory_space<vmem>>, vector<16xf32>,
    tpu.vector_store %arg27[%swap3A_61], %broadcast_in_dim3A_23 {strides = array<i32>} : memref<256xf32, #tpu.memory_space<vmem>>, vector<16xf32>,
    %swap3A_63 = arith.constant 160 : index
    %swap3A_64 = tpu.vector_load %arg26[%swap3A_63] {strides = array<i32>} : memref<256xf32, #tpu.memory_space<vmem>>, vector<16xf32>,
    tpu.vector_store %arg26[%swap3A_63], %broadcast_in_dim3A_23 {strides = array<i32>} : memref<256xf32, #tpu.memory_space<vmem>>, vector<16xf32>,
    %swap3A_65 = arith.constant 160 : index
    %swap3A_66 = tpu.vector_load %arg27[%swap3A_65] {strides = array<i32>} : memref<256xf32, #tpu.memory_space<vmem>>, vector<16xf32>,
    tpu.vector_store %arg27[%swap3A_65], %broadcast_in_dim3A_23 {strides = array<i32>} : memref<256xf32, #tpu.memory_space<vmem>>, vector<16xf32>,
    %swap3A_67 = arith.constant 176 : index
    %swap3A_68 = tpu.vector_load %arg26[%swap3A_67] {strides = array<i32>} : memref<256xf32, #tpu.memory_space<vmem>>, vector<16xf32>,
    tpu.vector_store %arg26[%swap3A_67], %broadcast_in_dim3A_23 {strides = array<i32>} : memref<256xf32, #tpu.memory_space<vmem>>, vector<16xf32>,
    %swap3A_69 = arith.constant 176 : index
    %swap3A_70 = tpu.vector_load %arg27[%swap3A_69] {strides = array<i32>} : memref<256xf32, #tpu.memory_space<vmem>>, vector<16xf32>,
    tpu.vector_store %arg27[%swap3A_69], %broadcast_in_dim3A_23 {strides = array<i32>} : memref<256xf32, #tpu.memory_space<vmem>>, vector<16xf32>,
    %swap3A_71 = arith.constant 192 : index
    %swap3A_72 = tpu.vector_load %arg26[%swap3A_71] {strides = array<i32>} : memref<256xf32, #tpu.memory_space<vmem>>, vector<16xf32>,
    tpu.vector_store %arg26[%swap3A_71], %broadcast_in_dim3A_23 {strides = array<i32>} : memref<256xf32, #tpu.memory_space<vmem>>, vector<16xf32>,
    %swap3A_73 = arith.constant 192 : index
    %swap3A_74 = tpu.vector_load %arg27[%swap3A_73] {strides = array<i32>} : memref<256xf32, #tpu.memory_space<vmem>>, vector<16xf32>,
    tpu.vector_store %arg27[%swap3A_73], %broadcast_in_dim3A_23 {strides = array<i32>} : memref<256xf32, #tpu.memory_space<vmem>>, vector<16xf32>,
    %swap3A_75 = arith.constant 208 : index
    %swap3A_76 = tpu.vector_load %arg26[%swap3A_75] {strides = array<i32>} : memref<256xf32, #tpu.memory_space<vmem>>, vector<16xf32>,
    tpu.vector_store %arg26[%swap3A_75], %broadcast_in_dim3A_23 {strides = array<i32>} : memref<256xf32, #tpu.memory_space<vmem>>, vector<16xf32>,
    %swap3A_77 = arith.constant 208 : index
    %swap3A_78 = tpu.vector_load %arg27[%swap3A_77] {strides = array<i32>} : memref<256xf32, #tpu.memory_space<vmem>>, vector<16xf32>,
    tpu.vector_store %arg27[%swap3A_77], %broadcast_in_dim3A_23 {strides = array<i32>} : memref<256xf32, #tpu.memory_space<vmem>>, vector<16xf32>,
    %swap3A_79 = arith.constant 224 : index
    %swap3A_80 = tpu.vector_load %arg26[%swap3A_79] {strides = array<i32>} : memref<256xf32, #tpu.memory_space<vmem>>, vector<16xf32>,
    tpu.vector_store %arg26[%swap3A_79], %broadcast_in_dim3A_23 {strides = array<i32>} : memref<256xf32, #tpu.memory_space<vmem>>, vector<16xf32>,
    %swap3A_81 = arith.constant 224 : index
    %swap3A_82 = tpu.vector_load %arg27[%swap3A_81] {strides = array<i32>} : memref<256xf32, #tpu.memory_space<vmem>>, vector<16xf32>,
    tpu.vector_store %arg27[%swap3A_81], %broadcast_in_dim3A_23 {strides = array<i32>} : memref<256xf32, #tpu.memory_space<vmem>>, vector<16xf32>,
    %swap3A_83 = arith.constant 240 : index
    %swap3A_84 = tpu.vector_load %arg26[%swap3A_83] {strides = array<i32>} : memref<256xf32, #tpu.memory_space<vmem>>, vector<16xf32>,
    tpu.vector_store %arg26[%swap3A_83], %broadcast_in_dim3A_23 {strides = array<i32>} : memref<256xf32, #tpu.memory_space<vmem>>, vector<16xf32>,
    %swap3A_85 = arith.constant 240 : index
    %swap3A_86 = tpu.vector_load %arg27[%swap3A_85] {strides = array<i32>} : memref<256xf32, #tpu.memory_space<vmem>>, vector<16xf32>,
    tpu.vector_store %arg27[%swap3A_85], %broadcast_in_dim3A_23 {strides = array<i32>} : memref<256xf32, #tpu.memory_space<vmem>>, vector<16xf32>,
    %swap3A_87 = arith.constant 0 : index
    %swap3A_88 = tpu.vector_load %arg28[%swap3A_87] {strides = array<i32>} : memref<768xf32, #tpu.memory_space<vmem>>, vector<16xf32>,
    tpu.vector_store %arg28[%swap3A_87], %broadcast_in_dim3A_23 {strides = array<i32>} : memref<768xf32, #tpu.memory_space<vmem>>, vector<16xf32>,
    %swap3A_89 = arith.constant 0 : index
    %swap3A_90 = tpu.vector_load %arg29[%swap3A_89] {strides = array<i32>} : memref<768xf32, #tpu.memory_space<vmem>>, vector<16xf32>,
    tpu.vector_store %arg29[%swap3A_89], %broadcast_in_dim3A_23 {strides = array<i32>} : memref<768xf32, #tpu.memory_space<vmem>>, vector<16xf32>,
    %swap3A_91 = arith.constant 16 : index
    %swap3A_92 = tpu.vector_load %arg28[%swap3A_91] {strides = array<i32>} : memref<768xf32, #tpu.memory_space<vmem>>, vector<16xf32>,
    tpu.vector_store %arg28[%swap3A_91], %broadcast_in_dim3A_23 {strides = array<i32>} : memref<768xf32, #tpu.memory_space<vmem>>, vector<16xf32>,
    %swap3A_93 = arith.constant 16 : index
    %swap3A_94 = tpu.vector_load %arg29[%swap3A_93] {strides = array<i32>} : memref<768xf32, #tpu.memory_space<vmem>>, vector<16xf32>,
    tpu.vector_store %arg29[%swap3A_93], %broadcast_in_dim3A_23 {strides = array<i32>} : memref<768xf32, #tpu.memory_space<vmem>>, vector<16xf32>,
    %swap3A_95 = arith.constant 32 : index
    %swap3A_96 = tpu.vector_load %arg28[%swap3A_95] {strides = array<i32>} : memref<768xf32, #tpu.memory_space<vmem>>, vector<16xf32>,
    tpu.vector_store %arg28[%swap3A_95], %broadcast_in_dim3A_23 {strides = array<i32>} : memref<768xf32, #tpu.memory_space<vmem>>, vector<16xf32>,
    %swap3A_97 = arith.constant 32 : index
    %swap3A_98 = tpu.vector_load %arg29[%swap3A_97] {strides = array<i32>} : memref<768xf32, #tpu.memory_space<vmem>>, vector<16xf32>,
    tpu.vector_store %arg29[%swap3A_97], %broadcast_in_dim3A_23 {strides = array<i32>} : memref<768xf32, #tpu.memory_space<vmem>>, vector<16xf32>,
    %swap3A_99 = arith.constant 48 : index
    %swap3A_100 = tpu.vector_load %arg28[%swap3A_99] {strides = array<i32>} : memref<768xf32, #tpu.memory_space<vmem>>, vector<16xf32>,
    tpu.vector_store %arg28[%swap3A_99], %broadcast_in_dim3A_23 {strides = array<i32>} : memref<768xf32, #tpu.memory_space<vmem>>, vector<16xf32>,
    %swap3A_101 = arith.constant 48 : index
    %swap3A_102 = tpu.vector_load %arg29[%swap3A_101] {strides = array<i32>} : memref<768xf32, #tpu.memory_space<vmem>>, vector<16xf32>,
    tpu.vector_store %arg29[%swap3A_101], %broadcast_in_dim3A_23 {strides = array<i32>} : memref<768xf32, #tpu.memory_space<vmem>>, vector<16xf32>,
    %swap3A_103 = arith.constant 64 : index
    %swap3A_104 = tpu.vector_load %arg28[%swap3A_103] {strides = array<i32>} : memref<768xf32, #tpu.memory_space<vmem>>, vector<16xf32>,
    tpu.vector_store %arg28[%swap3A_103], %broadcast_in_dim3A_23 {strides = array<i32>} : memref<768xf32, #tpu.memory_space<vmem>>, vector<16xf32>,
    %swap3A_105 = arith.constant 64 : index
    %swap3A_106 = tpu.vector_load %arg29[%swap3A_105] {strides = array<i32>} : memref<768xf32, #tpu.memory_space<vmem>>, vector<16xf32>,
    tpu.vector_store %arg29[%swap3A_105], %broadcast_in_dim3A_23 {strides = array<i32>} : memref<768xf32, #tpu.memory_space<vmem>>, vector<16xf32>,
    %swap3A_107 = arith.constant 80 : index
    %swap3A_108 = tpu.vector_load %arg28[%swap3A_107] {strides = array<i32>} : memref<768xf32, #tpu.memory_space<vmem>>, vector<16xf32>,
    tpu.vector_store %arg28[%swap3A_107], %broadcast_in_dim3A_23 {strides = array<i32>} : memref<768xf32, #tpu.memory_space<vmem>>, vector<16xf32>,
    %swap3A_109 = arith.constant 80 : index
    %swap3A_110 = tpu.vector_load %arg29[%swap3A_109] {strides = array<i32>} : memref<768xf32, #tpu.memory_space<vmem>>, vector<16xf32>,
    tpu.vector_store %arg29[%swap3A_109], %broadcast_in_dim3A_23 {strides = array<i32>} : memref<768xf32, #tpu.memory_space<vmem>>, vector<16xf32>,
    %swap3A_111 = arith.constant 96 : index
    %swap3A_112 = tpu.vector_load %arg28[%swap3A_111] {strides = array<i32>} : memref<768xf32, #tpu.memory_space<vmem>>, vector<16xf32>,
    tpu.vector_store %arg28[%swap3A_111], %broadcast_in_dim3A_23 {strides = array<i32>} : memref<768xf32, #tpu.memory_space<vmem>>, vector<16xf32>,
    %swap3A_113 = arith.constant 96 : index
    %swap3A_114 = tpu.vector_load %arg29[%swap3A_113] {strides = array<i32>} : memref<768xf32, #tpu.memory_space<vmem>>, vector<16xf32>,
    tpu.vector_store %arg29[%swap3A_113], %broadcast_in_dim3A_23 {strides = array<i32>} : memref<768xf32, #tpu.memory_space<vmem>>, vector<16xf32>,
    %swap3A_115 = arith.constant 112 : index
    %swap3A_116 = tpu.vector_load %arg28[%swap3A_115] {strides = array<i32>} : memref<768xf32, #tpu.memory_space<vmem>>, vector<16xf32>,
    tpu.vector_store %arg28[%swap3A_115], %broadcast_in_dim3A_23 {strides = array<i32>} : memref<768xf32, #tpu.memory_space<vmem>>, vector<16xf32>,
    %swap3A_117 = arith.constant 112 : index
    %swap3A_118 = tpu.vector_load %arg29[%swap3A_117] {strides = array<i32>} : memref<768xf32, #tpu.memory_space<vmem>>, vector<16xf32>,
    tpu.vector_store %arg29[%swap3A_117], %broadcast_in_dim3A_23 {strides = array<i32>} : memref<768xf32, #tpu.memory_space<vmem>>, vector<16xf32>,
    %swap3A_119 = arith.constant 128 : index
    %swap3A_120 = tpu.vector_load %arg28[%swap3A_119] {strides = array<i32>} : memref<768xf32, #tpu.memory_space<vmem>>, vector<16xf32>,
    tpu.vector_store %arg28[%swap3A_119], %broadcast_in_dim3A_23 {strides = array<i32>} : memref<768xf32, #tpu.memory_space<vmem>>, vector<16xf32>,
    %swap3A_121 = arith.constant 128 : index
    %swap3A_122 = tpu.vector_load %arg29[%swap3A_121] {strides = array<i32>} : memref<768xf32, #tpu.memory_space<vmem>>, vector<16xf32>,
    tpu.vector_store %arg29[%swap3A_121], %broadcast_in_dim3A_23 {strides = array<i32>} : memref<768xf32, #tpu.memory_space<vmem>>, vector<16xf32>,
    %swap3A_123 = arith.constant 144 : index
    %swap3A_124 = tpu.vector_load %arg28[%swap3A_123] {strides = array<i32>} : memref<768xf32, #tpu.memory_space<vmem>>, vector<16xf32>,
    tpu.vector_store %arg28[%swap3A_123], %broadcast_in_dim3A_23 {strides = array<i32>} : memref<768xf32, #tpu.memory_space<vmem>>, vector<16xf32>,
    %swap3A_125 = arith.constant 144 : index
    %swap3A_126 = tpu.vector_load %arg29[%swap3A_125] {strides = array<i32>} : memref<768xf32, #tpu.memory_space<vmem>>, vector<16xf32>,
    tpu.vector_store %arg29[%swap3A_125], %broadcast_in_dim3A_23 {strides = array<i32>} : memref<768xf32, #tpu.memory_space<vmem>>, vector<16xf32>,
    %swap3A_127 = arith.constant 160 : index
    %swap3A_128 = tpu.vector_load %arg28[%swap3A_127] {strides = array<i32>} : memref<768xf32, #tpu.memory_space<vmem>>, vector<16xf32>,
    tpu.vector_store %arg28[%swap3A_127], %broadcast_in_dim3A_23 {strides = array<i32>} : memref<768xf32, #tpu.memory_space<vmem>>, vector<16xf32>,
    %swap3A_129 = arith.constant 160 : index
    %swap3A_130 = tpu.vector_load %arg29[%swap3A_129] {strides = array<i32>} : memref<768xf32, #tpu.memory_space<vmem>>, vector<16xf32>,
    tpu.vector_store %arg29[%swap3A_129], %broadcast_in_dim3A_23 {strides = array<i32>} : memref<768xf32, #tpu.memory_space<vmem>>, vector<16xf32>,
    %swap3A_131 = arith.constant 176 : index
    %swap3A_132 = tpu.vector_load %arg28[%swap3A_131] {strides = array<i32>} : memref<768xf32, #tpu.memory_space<vmem>>, vector<16xf32>,
    tpu.vector_store %arg28[%swap3A_131], %broadcast_in_dim3A_23 {strides = array<i32>} : memref<768xf32, #tpu.memory_space<vmem>>, vector<16xf32>,
    %swap3A_133 = arith.constant 176 : index
    %swap3A_134 = tpu.vector_load %arg29[%swap3A_133] {strides = array<i32>} : memref<768xf32, #tpu.memory_space<vmem>>, vector<16xf32>,
    tpu.vector_store %arg29[%swap3A_133], %broadcast_in_dim3A_23 {strides = array<i32>} : memref<768xf32, #tpu.memory_space<vmem>>, vector<16xf32>,
    %swap3A_135 = arith.constant 192 : index
    %swap3A_136 = tpu.vector_load %arg28[%swap3A_135] {strides = array<i32>} : memref<768xf32, #tpu.memory_space<vmem>>, vector<16xf32>,
    tpu.vector_store %arg28[%swap3A_135], %broadcast_in_dim3A_23 {strides = array<i32>} : memref<768xf32, #tpu.memory_space<vmem>>, vector<16xf32>,
    %swap3A_137 = arith.constant 192 : index
    %swap3A_138 = tpu.vector_load %arg29[%swap3A_137] {strides = array<i32>} : memref<768xf32, #tpu.memory_space<vmem>>, vector<16xf32>,
    tpu.vector_store %arg29[%swap3A_137], %broadcast_in_dim3A_23 {strides = array<i32>} : memref<768xf32, #tpu.memory_space<vmem>>, vector<16xf32>,
    %swap3A_139 = arith.constant 208 : index
    %swap3A_140 = tpu.vector_load %arg28[%swap3A_139] {strides = array<i32>} : memref<768xf32, #tpu.memory_space<vmem>>, vector<16xf32>,
    tpu.vector_store %arg28[%swap3A_139], %broadcast_in_dim3A_23 {strides = array<i32>} : memref<768xf32, #tpu.memory_space<vmem>>, vector<16xf32>,
    %swap3A_141 = arith.constant 208 : index
    %swap3A_142 = tpu.vector_load %arg29[%swap3A_141] {strides = array<i32>} : memref<768xf32, #tpu.memory_space<vmem>>, vector<16xf32>,
    tpu.vector_store %arg29[%swap3A_141], %broadcast_in_dim3A_23 {strides = array<i32>} : memref<768xf32, #tpu.memory_space<vmem>>, vector<16xf32>,
    %swap3A_143 = arith.constant 224 : index
    %swap3A_144 = tpu.vector_load %arg28[%swap3A_143] {strides = array<i32>} : memref<768xf32, #tpu.memory_space<vmem>>, vector<16xf32>,
    tpu.vector_store %arg28[%swap3A_143], %broadcast_in_dim3A_23 {strides = array<i32>} : memref<768xf32, #tpu.memory_space<vmem>>, vector<16xf32>,
    %swap3A_145 = arith.constant 224 : index
    %swap3A_146 = tpu.vector_load %arg29[%swap3A_145] {strides = array<i32>} : memref<768xf32, #tpu.memory_space<vmem>>, vector<16xf32>,
    tpu.vector_store %arg29[%swap3A_145], %broadcast_in_dim3A_23 {strides = array<i32>} : memref<768xf32, #tpu.memory_space<vmem>>, vector<16xf32>,
    %swap3A_147 = arith.constant 240 : index
    %swap3A_148 = tpu.vector_load %arg28[%swap3A_147] {strides = array<i32>} : memref<768xf32, #tpu.memory_space<vmem>>, vector<16xf32>,
    tpu.vector_store %arg28[%swap3A_147], %broadcast_in_dim3A_23 {strides = array<i32>} : memref<768xf32, #tpu.memory_space<vmem>>, vector<16xf32>,
    %swap3A_149 = arith.constant 240 : index
    %swap3A_150 = tpu.vector_load %arg29[%swap3A_149] {strides = array<i32>} : memref<768xf32, #tpu.memory_space<vmem>>, vector<16xf32>,
    tpu.vector_store %arg29[%swap3A_149], %broadcast_in_dim3A_23 {strides = array<i32>} : memref<768xf32, #tpu.memory_space<vmem>>, vector<16xf32>,
    %swap3A_151 = arith.constant 256 : index
    %swap3A_152 = tpu.vector_load %arg28[%swap3A_151] {strides = array<i32>} : memref<768xf32, #tpu.memory_space<vmem>>, vector<16xf32>,
    tpu.vector_store %arg28[%swap3A_151], %broadcast_in_dim3A_23 {strides = array<i32>} : memref<768xf32, #tpu.memory_space<vmem>>, vector<16xf32>,
    %swap3A_153 = arith.constant 256 : index
    %swap3A_154 = tpu.vector_load %arg29[%swap3A_153] {strides = array<i32>} : memref<768xf32, #tpu.memory_space<vmem>>, vector<16xf32>,
    tpu.vector_store %arg29[%swap3A_153], %broadcast_in_dim3A_23 {strides = array<i32>} : memref<768xf32, #tpu.memory_space<vmem>>, vector<16xf32>,
    %swap3A_155 = arith.constant 272 : index
    %swap3A_156 = tpu.vector_load %arg28[%swap3A_155] {strides = array<i32>} : memref<768xf32, #tpu.memory_space<vmem>>, vector<16xf32>,
    tpu.vector_store %arg28[%swap3A_155], %broadcast_in_dim3A_23 {strides = array<i32>} : memref<768xf32, #tpu.memory_space<vmem>>, vector<16xf32>,
    %swap3A_157 = arith.constant 272 : index
    %swap3A_158 = tpu.vector_load %arg29[%swap3A_157] {strides = array<i32>} : memref<768xf32, #tpu.memory_space<vmem>>, vector<16xf32>,
    tpu.vector_store %arg29[%swap3A_157], %broadcast_in_dim3A_23 {strides = array<i32>} : memref<768xf32, #tpu.memory_space<vmem>>, vector<16xf32>,
    %swap3A_159 = arith.constant 288 : index
    %swap3A_160 = tpu.vector_load %arg28[%swap3A_159] {strides = array<i32>} : memref<768xf32, #tpu.memory_space<vmem>>, vector<16xf32>,
    tpu.vector_store %arg28[%swap3A_159], %broadcast_in_dim3A_23 {strides = array<i32>} : memref<768xf32, #tpu.memory_space<vmem>>, vector<16xf32>,
    %swap3A_161 = arith.constant 288 : index
    %swap3A_162 = tpu.vector_load %arg29[%swap3A_161] {strides = array<i32>} : memref<768xf32, #tpu.memory_space<vmem>>, vector<16xf32>,
    tpu.vector_store %arg29[%swap3A_161], %broadcast_in_dim3A_23 {strides = array<i32>} : memref<768xf32, #tpu.memory_space<vmem>>, vector<16xf32>,
    %swap3A_163 = arith.constant 304 : index
    %swap3A_164 = tpu.vector_load %arg28[%swap3A_163] {strides = array<i32>} : memref<768xf32, #tpu.memory_space<vmem>>, vector<16xf32>,
    tpu.vector_store %arg28[%swap3A_163], %broadcast_in_dim3A_23 {strides = array<i32>} : memref<768xf32, #tpu.memory_space<vmem>>, vector<16xf32>,
    %swap3A_165 = arith.constant 304 : index
    %swap3A_166 = tpu.vector_load %arg29[%swap3A_165] {strides = array<i32>} : memref<768xf32, #tpu.memory_space<vmem>>, vector<16xf32>,
    tpu.vector_store %arg29[%swap3A_165], %broadcast_in_dim3A_23 {strides = array<i32>} : memref<768xf32, #tpu.memory_space<vmem>>, vector<16xf32>,
    %swap3A_167 = arith.constant 320 : index
    %swap3A_168 = tpu.vector_load %arg28[%swap3A_167] {strides = array<i32>} : memref<768xf32, #tpu.memory_space<vmem>>, vector<16xf32>,
    tpu.vector_store %arg28[%swap3A_167], %broadcast_in_dim3A_23 {strides = array<i32>} : memref<768xf32, #tpu.memory_space<vmem>>, vector<16xf32>,
    %swap3A_169 = arith.constant 320 : index
    %swap3A_170 = tpu.vector_load %arg29[%swap3A_169] {strides = array<i32>} : memref<768xf32, #tpu.memory_space<vmem>>, vector<16xf32>,
    tpu.vector_store %arg29[%swap3A_169], %broadcast_in_dim3A_23 {strides = array<i32>} : memref<768xf32, #tpu.memory_space<vmem>>, vector<16xf32>,
    %swap3A_171 = arith.constant 336 : index
    %swap3A_172 = tpu.vector_load %arg28[%swap3A_171] {strides = array<i32>} : memref<768xf32, #tpu.memory_space<vmem>>, vector<16xf32>,
    tpu.vector_store %arg28[%swap3A_171], %broadcast_in_dim3A_23 {strides = array<i32>} : memref<768xf32, #tpu.memory_space<vmem>>, vector<16xf32>,
    %swap3A_173 = arith.constant 336 : index
    %swap3A_174 = tpu.vector_load %arg29[%swap3A_173] {strides = array<i32>} : memref<768xf32, #tpu.memory_space<vmem>>, vector<16xf32>,
    tpu.vector_store %arg29[%swap3A_173], %broadcast_in_dim3A_23 {strides = array<i32>} : memref<768xf32, #tpu.memory_space<vmem>>, vector<16xf32>,
    %swap3A_175 = arith.constant 352 : index
    %swap3A_176 = tpu.vector_load %arg28[%swap3A_175] {strides = array<i32>} : memref<768xf32, #tpu.memory_space<vmem>>, vector<16xf32>,
    tpu.vector_store %arg28[%swap3A_175], %broadcast_in_dim3A_23 {strides = array<i32>} : memref<768xf32, #tpu.memory_space<vmem>>, vector<16xf32>,
    %swap3A_177 = arith.constant 352 : index
    %swap3A_178 = tpu.vector_load %arg29[%swap3A_177] {strides = array<i32>} : memref<768xf32, #tpu.memory_space<vmem>>, vector<16xf32>,
    tpu.vector_store %arg29[%swap3A_177], %broadcast_in_dim3A_23 {strides = array<i32>} : memref<768xf32, #tpu.memory_space<vmem>>, vector<16xf32>,
    %swap3A_179 = arith.constant 368 : index
    %swap3A_180 = tpu.vector_load %arg28[%swap3A_179] {strides = array<i32>} : memref<768xf32, #tpu.memory_space<vmem>>, vector<16xf32>,
    tpu.vector_store %arg28[%swap3A_179], %broadcast_in_dim3A_23 {strides = array<i32>} : memref<768xf32, #tpu.memory_space<vmem>>, vector<16xf32>,
    %swap3A_181 = arith.constant 368 : index
    %swap3A_182 = tpu.vector_load %arg29[%swap3A_181] {strides = array<i32>} : memref<768xf32, #tpu.memory_space<vmem>>, vector<16xf32>,
    tpu.vector_store %arg29[%swap3A_181], %broadcast_in_dim3A_23 {strides = array<i32>} : memref<768xf32, #tpu.memory_space<vmem>>, vector<16xf32>,
    %swap3A_183 = arith.constant 384 : index
    %swap3A_184 = tpu.vector_load %arg28[%swap3A_183] {strides = array<i32>} : memref<768xf32, #tpu.memory_space<vmem>>, vector<16xf32>,
    tpu.vector_store %arg28[%swap3A_183], %broadcast_in_dim3A_23 {strides = array<i32>} : memref<768xf32, #tpu.memory_space<vmem>>, vector<16xf32>,
    %swap3A_185 = arith.constant 384 : index
    %swap3A_186 = tpu.vector_load %arg29[%swap3A_185] {strides = array<i32>} : memref<768xf32, #tpu.memory_space<vmem>>, vector<16xf32>,
    tpu.vector_store %arg29[%swap3A_185], %broadcast_in_dim3A_23 {strides = array<i32>} : memref<768xf32, #tpu.memory_space<vmem>>, vector<16xf32>,
    %swap3A_187 = arith.constant 400 : index
    %swap3A_188 = tpu.vector_load %arg28[%swap3A_187] {strides = array<i32>} : memref<768xf32, #tpu.memory_space<vmem>>, vector<16xf32>,
    tpu.vector_store %arg28[%swap3A_187], %broadcast_in_dim3A_23 {strides = array<i32>} : memref<768xf32, #tpu.memory_space<vmem>>, vector<16xf32>,
    %swap3A_189 = arith.constant 400 : index
    %swap3A_190 = tpu.vector_load %arg29[%swap3A_189] {strides = array<i32>} : memref<768xf32, #tpu.memory_space<vmem>>, vector<16xf32>,
    tpu.vector_store %arg29[%swap3A_189], %broadcast_in_dim3A_23 {strides = array<i32>} : memref<768xf32, #tpu.memory_space<vmem>>, vector<16xf32>,
    %swap3A_191 = arith.constant 416 : index
    %swap3A_192 = tpu.vector_load %arg28[%swap3A_191] {strides = array<i32>} : memref<768xf32, #tpu.memory_space<vmem>>, vector<16xf32>,
    tpu.vector_store %arg28[%swap3A_191], %broadcast_in_dim3A_23 {strides = array<i32>} : memref<768xf32, #tpu.memory_space<vmem>>, vector<16xf32>,
    %swap3A_193 = arith.constant 416 : index
    %swap3A_194 = tpu.vector_load %arg29[%swap3A_193] {strides = array<i32>} : memref<768xf32, #tpu.memory_space<vmem>>, vector<16xf32>,
    tpu.vector_store %arg29[%swap3A_193], %broadcast_in_dim3A_23 {strides = array<i32>} : memref<768xf32, #tpu.memory_space<vmem>>, vector<16xf32>,
    %swap3A_195 = arith.constant 432 : index
    %swap3A_196 = tpu.vector_load %arg28[%swap3A_195] {strides = array<i32>} : memref<768xf32, #tpu.memory_space<vmem>>, vector<16xf32>,
    tpu.vector_store %arg28[%swap3A_195], %broadcast_in_dim3A_23 {strides = array<i32>} : memref<768xf32, #tpu.memory_space<vmem>>, vector<16xf32>,
    %swap3A_197 = arith.constant 432 : index
    %swap3A_198 = tpu.vector_load %arg29[%swap3A_197] {strides = array<i32>} : memref<768xf32, #tpu.memory_space<vmem>>, vector<16xf32>,
    tpu.vector_store %arg29[%swap3A_197], %broadcast_in_dim3A_23 {strides = array<i32>} : memref<768xf32, #tpu.memory_space<vmem>>, vector<16xf32>,
    %swap3A_199 = arith.constant 448 : index
    %swap3A_200 = tpu.vector_load %arg28[%swap3A_199] {strides = array<i32>} : memref<768xf32, #tpu.memory_space<vmem>>, vector<16xf32>,
    tpu.vector_store %arg28[%swap3A_199], %broadcast_in_dim3A_23 {strides = array<i32>} : memref<768xf32, #tpu.memory_space<vmem>>, vector<16xf32>,
    %swap3A_201 = arith.constant 448 : index
    %swap3A_202 = tpu.vector_load %arg29[%swap3A_201] {strides = array<i32>} : memref<768xf32, #tpu.memory_space<vmem>>, vector<16xf32>,
    tpu.vector_store %arg29[%swap3A_201], %broadcast_in_dim3A_23 {strides = array<i32>} : memref<768xf32, #tpu.memory_space<vmem>>, vector<16xf32>,
    %swap3A_203 = arith.constant 464 : index
    %swap3A_204 = tpu.vector_load %arg28[%swap3A_203] {strides = array<i32>} : memref<768xf32, #tpu.memory_space<vmem>>, vector<16xf32>,
    tpu.vector_store %arg28[%swap3A_203], %broadcast_in_dim3A_23 {strides = array<i32>} : memref<768xf32, #tpu.memory_space<vmem>>, vector<16xf32>,
    %swap3A_205 = arith.constant 464 : index
    %swap3A_206 = tpu.vector_load %arg29[%swap3A_205] {strides = array<i32>} : memref<768xf32, #tpu.memory_space<vmem>>, vector<16xf32>,
    tpu.vector_store %arg29[%swap3A_205], %broadcast_in_dim3A_23 {strides = array<i32>} : memref<768xf32, #tpu.memory_space<vmem>>, vector<16xf32>,
    %swap3A_207 = arith.constant 480 : index
    %swap3A_208 = tpu.vector_load %arg28[%swap3A_207] {strides = array<i32>} : memref<768xf32, #tpu.memory_space<vmem>>, vector<16xf32>,
    tpu.vector_store %arg28[%swap3A_207], %broadcast_in_dim3A_23 {strides = array<i32>} : memref<768xf32, #tpu.memory_space<vmem>>, vector<16xf32>,
    %swap3A_209 = arith.constant 480 : index
    %swap3A_210 = tpu.vector_load %arg29[%swap3A_209] {strides = array<i32>} : memref<768xf32, #tpu.memory_space<vmem>>, vector<16xf32>,
    tpu.vector_store %arg29[%swap3A_209], %broadcast_in_dim3A_23 {strides = array<i32>} : memref<768xf32, #tpu.memory_space<vmem>>, vector<16xf32>,
    %swap3A_211 = arith.constant 496 : index
    %swap3A_212 = tpu.vector_load %arg28[%swap3A_211] {strides = array<i32>} : memref<768xf32, #tpu.memory_space<vmem>>, vector<16xf32>,
    tpu.vector_store %arg28[%swap3A_211], %broadcast_in_dim3A_23 {strides = array<i32>} : memref<768xf32, #tpu.memory_space<vmem>>, vector<16xf32>,
    %swap3A_213 = arith.constant 496 : index
    %swap3A_214 = tpu.vector_load %arg29[%swap3A_213] {strides = array<i32>} : memref<768xf32, #tpu.memory_space<vmem>>, vector<16xf32>,
    tpu.vector_store %arg29[%swap3A_213], %broadcast_in_dim3A_23 {strides = array<i32>} : memref<768xf32, #tpu.memory_space<vmem>>, vector<16xf32>,
    %swap3A_215 = arith.constant 512 : index
    %swap3A_216 = tpu.vector_load %arg28[%swap3A_215] {strides = array<i32>} : memref<768xf32, #tpu.memory_space<vmem>>, vector<16xf32>,
    tpu.vector_store %arg28[%swap3A_215], %broadcast_in_dim3A_23 {strides = array<i32>} : memref<768xf32, #tpu.memory_space<vmem>>, vector<16xf32>,
    %swap3A_217 = arith.constant 512 : index
    %swap3A_218 = tpu.vector_load %arg29[%swap3A_217] {strides = array<i32>} : memref<768xf32, #tpu.memory_space<vmem>>, vector<16xf32>,
    tpu.vector_store %arg29[%swap3A_217], %broadcast_in_dim3A_23 {strides = array<i32>} : memref<768xf32, #tpu.memory_space<vmem>>, vector<16xf32>,
    %swap3A_219 = arith.constant 528 : index
    %swap3A_220 = tpu.vector_load %arg28[%swap3A_219] {strides = array<i32>} : memref<768xf32, #tpu.memory_space<vmem>>, vector<16xf32>,
    tpu.vector_store %arg28[%swap3A_219], %broadcast_in_dim3A_23 {strides = array<i32>} : memref<768xf32, #tpu.memory_space<vmem>>, vector<16xf32>,
    %swap3A_221 = arith.constant 528 : index
    %swap3A_222 = tpu.vector_load %arg29[%swap3A_221] {strides = array<i32>} : memref<768xf32, #tpu.memory_space<vmem>>, vector<16xf32>,
    tpu.vector_store %arg29[%swap3A_221], %broadcast_in_dim3A_23 {strides = array<i32>} : memref<768xf32, #tpu.memory_space<vmem>>, vector<16xf32>,
    %swap3A_223 = arith.constant 544 : index
    %swap3A_224 = tpu.vector_load %arg28[%swap3A_223] {strides = array<i32>} : memref<768xf32, #tpu.memory_space<vmem>>, vector<16xf32>,
    tpu.vector_store %arg28[%swap3A_223], %broadcast_in_dim3A_23 {strides = array<i32>} : memref<768xf32, #tpu.memory_space<vmem>>, vector<16xf32>,
    %swap3A_225 = arith.constant 544 : index
    %swap3A_226 = tpu.vector_load %arg29[%swap3A_225] {strides = array<i32>} : memref<768xf32, #tpu.memory_space<vmem>>, vector<16xf32>,
    tpu.vector_store %arg29[%swap3A_225], %broadcast_in_dim3A_23 {strides = array<i32>} : memref<768xf32, #tpu.memory_space<vmem>>, vector<16xf32>,
    %swap3A_227 = arith.constant 560 : index
    %swap3A_228 = tpu.vector_load %arg28[%swap3A_227] {strides = array<i32>} : memref<768xf32, #tpu.memory_space<vmem>>, vector<16xf32>,
    tpu.vector_store %arg28[%swap3A_227], %broadcast_in_dim3A_23 {strides = array<i32>} : memref<768xf32, #tpu.memory_space<vmem>>, vector<16xf32>,
    %swap3A_229 = arith.constant 560 : index
    %swap3A_230 = tpu.vector_load %arg29[%swap3A_229] {strides = array<i32>} : memref<768xf32, #tpu.memory_space<vmem>>, vector<16xf32>,
    tpu.vector_store %arg29[%swap3A_229], %broadcast_in_dim3A_23 {strides = array<i32>} : memref<768xf32, #tpu.memory_space<vmem>>, vector<16xf32>,
    %swap3A_231 = arith.constant 576 : index
    %swap3A_232 = tpu.vector_load %arg28[%swap3A_231] {strides = array<i32>} : memref<768xf32, #tpu.memory_space<vmem>>, vector<16xf32>,
    tpu.vector_store %arg28[%swap3A_231], %broadcast_in_dim3A_23 {strides = array<i32>} : memref<768xf32, #tpu.memory_space<vmem>>, vector<16xf32>,
    %swap3A_233 = arith.constant 576 : index
    %swap3A_234 = tpu.vector_load %arg29[%swap3A_233] {strides = array<i32>} : memref<768xf32, #tpu.memory_space<vmem>>, vector<16xf32>,
    tpu.vector_store %arg29[%swap3A_233], %broadcast_in_dim3A_23 {strides = array<i32>} : memref<768xf32, #tpu.memory_space<vmem>>, vector<16xf32>,
    %swap3A_235 = arith.constant 592 : index
    %swap3A_236 = tpu.vector_load %arg28[%swap3A_235] {strides = array<i32>} : memref<768xf32, #tpu.memory_space<vmem>>, vector<16xf32>,
    tpu.vector_store %arg28[%swap3A_235], %broadcast_in_dim3A_23 {strides = array<i32>} : memref<768xf32, #tpu.memory_space<vmem>>, vector<16xf32>,
    %swap3A_237 = arith.constant 592 : index
    %swap3A_238 = tpu.vector_load %arg29[%swap3A_237] {strides = array<i32>} : memref<768xf32, #tpu.memory_space<vmem>>, vector<16xf32>,
    tpu.vector_store %arg29[%swap3A_237], %broadcast_in_dim3A_23 {strides = array<i32>} : memref<768xf32, #tpu.memory_space<vmem>>, vector<16xf32>,
    %swap3A_239 = arith.constant 608 : index
    %swap3A_240 = tpu.vector_load %arg28[%swap3A_239] {strides = array<i32>} : memref<768xf32, #tpu.memory_space<vmem>>, vector<16xf32>,
    tpu.vector_store %arg28[%swap3A_239], %broadcast_in_dim3A_23 {strides = array<i32>} : memref<768xf32, #tpu.memory_space<vmem>>, vector<16xf32>,
    %swap3A_241 = arith.constant 608 : index
    %swap3A_242 = tpu.vector_load %arg29[%swap3A_241] {strides = array<i32>} : memref<768xf32, #tpu.memory_space<vmem>>, vector<16xf32>,
    tpu.vector_store %arg29[%swap3A_241], %broadcast_in_dim3A_23 {strides = array<i32>} : memref<768xf32, #tpu.memory_space<vmem>>, vector<16xf32>,
    %swap3A_243 = arith.constant 624 : index
    %swap3A_244 = tpu.vector_load %arg28[%swap3A_243] {strides = array<i32>} : memref<768xf32, #tpu.memory_space<vmem>>, vector<16xf32>,
    tpu.vector_store %arg28[%swap3A_243], %broadcast_in_dim3A_23 {strides = array<i32>} : memref<768xf32, #tpu.memory_space<vmem>>, vector<16xf32>,
    %swap3A_245 = arith.constant 624 : index
    %swap3A_246 = tpu.vector_load %arg29[%swap3A_245] {strides = array<i32>} : memref<768xf32, #tpu.memory_space<vmem>>, vector<16xf32>,
    tpu.vector_store %arg29[%swap3A_245], %broadcast_in_dim3A_23 {strides = array<i32>} : memref<768xf32, #tpu.memory_space<vmem>>, vector<16xf32>,
    %swap3A_247 = arith.constant 640 : index
    %swap3A_248 = tpu.vector_load %arg28[%swap3A_247] {strides = array<i32>} : memref<768xf32, #tpu.memory_space<vmem>>, vector<16xf32>,
    tpu.vector_store %arg28[%swap3A_247], %broadcast_in_dim3A_23 {strides = array<i32>} : memref<768xf32, #tpu.memory_space<vmem>>, vector<16xf32>,
    %swap3A_249 = arith.constant 640 : index
    %swap3A_250 = tpu.vector_load %arg29[%swap3A_249] {strides = array<i32>} : memref<768xf32, #tpu.memory_space<vmem>>, vector<16xf32>,
    tpu.vector_store %arg29[%swap3A_249], %broadcast_in_dim3A_23 {strides = array<i32>} : memref<768xf32, #tpu.memory_space<vmem>>, vector<16xf32>,
    %swap3A_251 = arith.constant 656 : index
    %swap3A_252 = tpu.vector_load %arg28[%swap3A_251] {strides = array<i32>} : memref<768xf32, #tpu.memory_space<vmem>>, vector<16xf32>,
    tpu.vector_store %arg28[%swap3A_251], %broadcast_in_dim3A_23 {strides = array<i32>} : memref<768xf32, #tpu.memory_space<vmem>>, vector<16xf32>,
    %swap3A_253 = arith.constant 656 : index
    %swap3A_254 = tpu.vector_load %arg29[%swap3A_253] {strides = array<i32>} : memref<768xf32, #tpu.memory_space<vmem>>, vector<16xf32>,
    tpu.vector_store %arg29[%swap3A_253], %broadcast_in_dim3A_23 {strides = array<i32>} : memref<768xf32, #tpu.memory_space<vmem>>, vector<16xf32>,
    %swap3A_255 = arith.constant 672 : index
    %swap3A_256 = tpu.vector_load %arg28[%swap3A_255] {strides = array<i32>} : memref<768xf32, #tpu.memory_space<vmem>>, vector<16xf32>,
    tpu.vector_store %arg28[%swap3A_255], %broadcast_in_dim3A_23 {strides = array<i32>} : memref<768xf32, #tpu.memory_space<vmem>>, vector<16xf32>,
    %swap3A_257 = arith.constant 672 : index
    %swap3A_258 = tpu.vector_load %arg29[%swap3A_257] {strides = array<i32>} : memref<768xf32, #tpu.memory_space<vmem>>, vector<16xf32>,
    tpu.vector_store %arg29[%swap3A_257], %broadcast_in_dim3A_23 {strides = array<i32>} : memref<768xf32, #tpu.memory_space<vmem>>, vector<16xf32>,
    %swap3A_259 = arith.constant 688 : index
    %swap3A_260 = tpu.vector_load %arg28[%swap3A_259] {strides = array<i32>} : memref<768xf32, #tpu.memory_space<vmem>>, vector<16xf32>,
    tpu.vector_store %arg28[%swap3A_259], %broadcast_in_dim3A_23 {strides = array<i32>} : memref<768xf32, #tpu.memory_space<vmem>>, vector<16xf32>,
    %swap3A_261 = arith.constant 688 : index
    %swap3A_262 = tpu.vector_load %arg29[%swap3A_261] {strides = array<i32>} : memref<768xf32, #tpu.memory_space<vmem>>, vector<16xf32>,
    tpu.vector_store %arg29[%swap3A_261], %broadcast_in_dim3A_23 {strides = array<i32>} : memref<768xf32, #tpu.memory_space<vmem>>, vector<16xf32>,
    %swap3A_263 = arith.constant 704 : index
    %swap3A_264 = tpu.vector_load %arg28[%swap3A_263] {strides = array<i32>} : memref<768xf32, #tpu.memory_space<vmem>>, vector<16xf32>,
    tpu.vector_store %arg28[%swap3A_263], %broadcast_in_dim3A_23 {strides = array<i32>} : memref<768xf32, #tpu.memory_space<vmem>>, vector<16xf32>,
    %swap3A_265 = arith.constant 704 : index
    %swap3A_266 = tpu.vector_load %arg29[%swap3A_265] {strides = array<i32>} : memref<768xf32, #tpu.memory_space<vmem>>, vector<16xf32>,
    tpu.vector_store %arg29[%swap3A_265], %broadcast_in_dim3A_23 {strides = array<i32>} : memref<768xf32, #tpu.memory_space<vmem>>, vector<16xf32>,
    %swap3A_267 = arith.constant 720 : index
    %swap3A_268 = tpu.vector_load %arg28[%swap3A_267] {strides = array<i32>} : memref<768xf32, #tpu.memory_space<vmem>>, vector<16xf32>,
    tpu.vector_store %arg28[%swap3A_267], %broadcast_in_dim3A_23 {strides = array<i32>} : memref<768xf32, #tpu.memory_space<vmem>>, vector<16xf32>,
    %swap3A_269 = arith.constant 720 : index
    %swap3A_270 = tpu.vector_load %arg29[%swap3A_269] {strides = array<i32>} : memref<768xf32, #tpu.memory_space<vmem>>, vector<16xf32>,
    tpu.vector_store %arg29[%swap3A_269], %broadcast_in_dim3A_23 {strides = array<i32>} : memref<768xf32, #tpu.memory_space<vmem>>, vector<16xf32>,
    %swap3A_271 = arith.constant 736 : index
    %swap3A_272 = tpu.vector_load %arg28[%swap3A_271] {strides = array<i32>} : memref<768xf32, #tpu.memory_space<vmem>>, vector<16xf32>,
    tpu.vector_store %arg28[%swap3A_271], %broadcast_in_dim3A_23 {strides = array<i32>} : memref<768xf32, #tpu.memory_space<vmem>>, vector<16xf32>,
    %swap3A_273 = arith.constant 736 : index
    %swap3A_274 = tpu.vector_load %arg29[%swap3A_273] {strides = array<i32>} : memref<768xf32, #tpu.memory_space<vmem>>, vector<16xf32>,
    tpu.vector_store %arg29[%swap3A_273], %broadcast_in_dim3A_23 {strides = array<i32>} : memref<768xf32, #tpu.memory_space<vmem>>, vector<16xf32>,
    %swap3A_275 = arith.constant 752 : index
    %swap3A_276 = tpu.vector_load %arg28[%swap3A_275] {strides = array<i32>} : memref<768xf32, #tpu.memory_space<vmem>>, vector<16xf32>,
    tpu.vector_store %arg28[%swap3A_275], %broadcast_in_dim3A_23 {strides = array<i32>} : memref<768xf32, #tpu.memory_space<vmem>>, vector<16xf32>,
    %swap3A_277 = arith.constant 752 : index
    %swap3A_278 = tpu.vector_load %arg29[%swap3A_277] {strides = array<i32>} : memref<768xf32, #tpu.memory_space<vmem>>, vector<16xf32>,
    tpu.vector_store %arg29[%swap3A_277], %broadcast_in_dim3A_23 {strides = array<i32>} : memref<768xf32, #tpu.memory_space<vmem>>, vector<16xf32>,
    %and3A = arith.constant -16 : i32
    %and3A_279 = arith.andi %reduce_min3A_9, %and3A : i32
    %sub3A = arith.subi %reduce_min3A_21, %and3A_279 : i32
    %add3A_280 = arith.constant 15 : i32
    %add3A_281 = arith.addi %sub3A, %add3A_280 : i32
    %shift_right_arithmetic3A = arith.constant 4 : i32
    %shift_right_arithmetic3A_282 = arith.shrsi %add3A_281, %shift_right_arithmetic3A : i32
    %add3A_283 = arith.constant 128 : i32
    %add3A_284 = arith.addi %shift_right_arithmetic3A_282, %add3A_283 : i32
    %sub3A_285 = arith.constant 1 : i32
    %sub3A_286 = arith.subi %add3A_284, %sub3A_285 : i32
    %jit3A = arith.constant 128 : i32
    %div3A = arith.divsi %sub3A_286, %jit3A : i32
    %sign3A = arith.constant 0 : i32
    %sign3A_287 = arith.cmpi sgt, %sub3A_286, %sign3A : i32
    %sign3A_288 = arith.extui %sign3A_287 : i1 to i32
    %sign3A_289 = arith.constant 0 : i32
    %sign3A_290 = arith.cmpi slt, %sub3A_286, %sign3A_289 : i32
    %sign3A_291 = arith.extui %sign3A_290 : i1 to i32
    %sign3A_292 = arith.subi %sign3A_288, %sign3A_291 : i32
    %sign3A_293 = arith.constant 0 : i32
    %sign3A_294 = arith.cmpi sgt, %jit3A, %sign3A_293 : i32
    %sign3A_295 = arith.extui %sign3A_294 : i1 to i32
    %sign3A_296 = arith.constant 0 : i32
    %sign3A_297 = arith.cmpi slt, %jit3A, %sign3A_296 : i32
    %sign3A_298 = arith.extui %sign3A_297 : i1 to i32
    %sign3A_299 = arith.subi %sign3A_295, %sign3A_298 : i32
    %ne3A = arith.cmpi ne, %sign3A_292, %sign3A_299 : i32
    %rem3A = arith.remsi %sub3A_286, %jit3A : i32
    %ne3A_300 = arith.constant 0 : i32
    %ne3A_301 = arith.cmpi ne, %rem3A, %ne3A_300 : i32
    %and3A_302 = arith.andi %ne3A, %ne3A_301 : i1
    %sub3A_303 = arith.constant 1 : i32
    %sub3A_304 = arith.subi %div3A, %sub3A_303 : i32
    %select_n3A = arith.select %and3A_302, %sub3A_304, %div3A : i32
    %add3A_305 = arith.constant 0 : i32
    %add3A_306 = arith.addi %and3A_279, %add3A_305 : i32
    %min3A = arith.constant 522240 : i32
    %min3A_307 = arith.minsi %add3A_306, %min3A : i32
    %multiple_of3A_308 = tpu.assume_multiple %min3A_307, 16 : i32
    %multiple_of3A_309 = arith.constant 0 : i32
    %multiple_of3A_310 = tpu.assume_multiple %multiple_of3A_309, 16 : i32
    %dma_start3A = tpu.memref_slice %arg17[%multiple_of3A_310] : memref<4096xf32, #tpu.memory_space<vmem>> -> memref<2048xf32, #tpu.memory_space<vmem>>
    %dma_start3A_311 = tpu.memref_slice %arg2[%multiple_of3A_308] : memref<524288xf32, #tpu.memory_space<hbm>> -> memref<2048xf32, #tpu.memory_space<hbm>>
    %dma_start3A_312 = tpu.memref_slice %arg17[%multiple_of3A_310] : memref<4096xf32, #tpu.memory_space<vmem>> -> memref<2048xf32, #tpu.memory_space<vmem>>
    %dma_start3A_313 = tpu.memref_slice %arg2[%multiple_of3A_308] : memref<524288xf32, #tpu.memory_space<hbm>> -> memref<2048xf32, #tpu.memory_space<hbm>>
    tpu.enqueue_dma source(%dma_start3A_313 : memref<2048xf32, #tpu.memory_space<hbm>>) target(%dma_start3A_312 : memref<2048xf32, #tpu.memory_space<vmem>>) target_semaphore(%arg30 : memref<!tpu.dma_semaphore, #tpu.memory_space<semaphore_mem>>)
    %dma_start3A_314 = tpu.memref_slice %arg18[%multiple_of3A_310] : memref<4096xf32, #tpu.memory_space<vmem>> -> memref<2048xf32, #tpu.memory_space<vmem>>
    %dma_start3A_315 = tpu.memref_slice %arg3[%multiple_of3A_308] : memref<524288xf32, #tpu.memory_space<hbm>> -> memref<2048xf32, #tpu.memory_space<hbm>>
    %dma_start3A_316 = tpu.memref_slice %arg18[%multiple_of3A_310] : memref<4096xf32, #tpu.memory_space<vmem>> -> memref<2048xf32, #tpu.memory_space<vmem>>
    %dma_start3A_317 = tpu.memref_slice %arg3[%multiple_of3A_308] : memref<524288xf32, #tpu.memory_space<hbm>> -> memref<2048xf32, #tpu.memory_space<hbm>>
    tpu.enqueue_dma source(%dma_start3A_317 : memref<2048xf32, #tpu.memory_space<hbm>>) target(%dma_start3A_316 : memref<2048xf32, #tpu.memory_space<vmem>>) target_semaphore(%arg30 : memref<!tpu.dma_semaphore, #tpu.memory_space<semaphore_mem>>)
    %dma_start3A_318 = tpu.memref_slice %arg19[%multiple_of3A_310] : memref<4096xi32, #tpu.memory_space<vmem>> -> memref<2048xi32, #tpu.memory_space<vmem>>
    %dma_start3A_319 = tpu.memref_slice %arg10[%multiple_of3A_308] : memref<524288xi32, #tpu.memory_space<hbm>> -> memref<2048xi32, #tpu.memory_space<hbm>>
    %dma_start3A_320 = tpu.memref_slice %arg19[%multiple_of3A_310] : memref<4096xi32, #tpu.memory_space<vmem>> -> memref<2048xi32, #tpu.memory_space<vmem>>
    %dma_start3A_321 = tpu.memref_slice %arg10[%multiple_of3A_308] : memref<524288xi32, #tpu.memory_space<hbm>> -> memref<2048xi32, #tpu.memory_space<hbm>>
    tpu.enqueue_dma source(%dma_start3A_321 : memref<2048xi32, #tpu.memory_space<hbm>>) target(%dma_start3A_320 : memref<2048xi32, #tpu.memory_space<vmem>>) target_semaphore(%arg30 : memref<!tpu.dma_semaphore, #tpu.memory_space<semaphore_mem>>)
    %dma_start3A_322 = tpu.memref_slice %arg20[%multiple_of3A_310] : memref<4096xf32, #tpu.memory_space<vmem>> -> memref<2048xf32, #tpu.memory_space<vmem>>
    %dma_start3A_323 = tpu.memref_slice %arg4[%multiple_of3A_308] : memref<524288xf32, #tpu.memory_space<hbm>> -> memref<2048xf32, #tpu.memory_space<hbm>>
    %dma_start3A_324 = tpu.memref_slice %arg20[%multiple_of3A_310] : memref<4096xf32, #tpu.memory_space<vmem>> -> memref<2048xf32, #tpu.memory_space<vmem>>
    %dma_start3A_325 = tpu.memref_slice %arg4[%multiple_of3A_308] : memref<524288xf32, #tpu.memory_space<hbm>> -> memref<2048xf32, #tpu.memory_space<hbm>>
    tpu.enqueue_dma source(%dma_start3A_325 : memref<2048xf32, #tpu.memory_space<hbm>>) target(%dma_start3A_324 : memref<2048xf32, #tpu.memory_space<vmem>>) target_semaphore(%arg30 : memref<!tpu.dma_semaphore, #tpu.memory_space<semaphore_mem>>)
    %dma_start3A_326 = tpu.memref_slice %arg21[%multiple_of3A_310] : memref<4096xf32, #tpu.memory_space<vmem>> -> memref<2048xf32, #tpu.memory_space<vmem>>
    %dma_start3A_327 = tpu.memref_slice %arg5[%multiple_of3A_308] : memref<524288xf32, #tpu.memory_space<hbm>> -> memref<2048xf32, #tpu.memory_space<hbm>>
    %dma_start3A_328 = tpu.memref_slice %arg21[%multiple_of3A_310] : memref<4096xf32, #tpu.memory_space<vmem>> -> memref<2048xf32, #tpu.memory_space<vmem>>
    %dma_start3A_329 = tpu.memref_slice %arg5[%multiple_of3A_308] : memref<524288xf32, #tpu.memory_space<hbm>> -> memref<2048xf32, #tpu.memory_space<hbm>>
    tpu.enqueue_dma source(%dma_start3A_329 : memref<2048xf32, #tpu.memory_space<hbm>>) target(%dma_start3A_328 : memref<2048xf32, #tpu.memory_space<vmem>>) target_semaphore(%arg30 : memref<!tpu.dma_semaphore, #tpu.memory_space<semaphore_mem>>)
    %dma_start3A_330 = tpu.memref_slice %arg22[%multiple_of3A_310] : memref<4096xf32, #tpu.memory_space<vmem>> -> memref<2048xf32, #tpu.memory_space<vmem>>
    %dma_start3A_331 = tpu.memref_slice %arg6[%multiple_of3A_308] : memref<524288xf32, #tpu.memory_space<hbm>> -> memref<2048xf32, #tpu.memory_space<hbm>>
    %dma_start3A_332 = tpu.memref_slice %arg22[%multiple_of3A_310] : memref<4096xf32, #tpu.memory_space<vmem>> -> memref<2048xf32, #tpu.memory_space<vmem>>
    %dma_start3A_333 = tpu.memref_slice %arg6[%multiple_of3A_308] : memref<524288xf32, #tpu.memory_space<hbm>> -> memref<2048xf32, #tpu.memory_space<hbm>>
    tpu.enqueue_dma source(%dma_start3A_333 : memref<2048xf32, #tpu.memory_space<hbm>>) target(%dma_start3A_332 : memref<2048xf32, #tpu.memory_space<vmem>>) target_semaphore(%arg30 : memref<!tpu.dma_semaphore, #tpu.memory_space<semaphore_mem>>)
    %dma_start3A_334 = tpu.memref_slice %arg23[%multiple_of3A_310] : memref<4096xf32, #tpu.memory_space<vmem>> -> memref<2048xf32, #tpu.memory_space<vmem>>
    %dma_start3A_335 = tpu.memref_slice %arg7[%multiple_of3A_308] : memref<524288xf32, #tpu.memory_space<hbm>> -> memref<2048xf32, #tpu.memory_space<hbm>>
    %dma_start3A_336 = tpu.memref_slice %arg23[%multiple_of3A_310] : memref<4096xf32, #tpu.memory_space<vmem>> -> memref<2048xf32, #tpu.memory_space<vmem>>
    %dma_start3A_337 = tpu.memref_slice %arg7[%multiple_of3A_308] : memref<524288xf32, #tpu.memory_space<hbm>> -> memref<2048xf32, #tpu.memory_space<hbm>>
    tpu.enqueue_dma source(%dma_start3A_337 : memref<2048xf32, #tpu.memory_space<hbm>>) target(%dma_start3A_336 : memref<2048xf32, #tpu.memory_space<vmem>>) target_semaphore(%arg30 : memref<!tpu.dma_semaphore, #tpu.memory_space<semaphore_mem>>)
    %dma_start3A_338 = tpu.memref_slice %arg24[%multiple_of3A_310] : memref<4096xf32, #tpu.memory_space<vmem>> -> memref<2048xf32, #tpu.memory_space<vmem>>
    %dma_start3A_339 = tpu.memref_slice %arg8[%multiple_of3A_308] : memref<524288xf32, #tpu.memory_space<hbm>> -> memref<2048xf32, #tpu.memory_space<hbm>>
    %dma_start3A_340 = tpu.memref_slice %arg24[%multiple_of3A_310] : memref<4096xf32, #tpu.memory_space<vmem>> -> memref<2048xf32, #tpu.memory_space<vmem>>
    %dma_start3A_341 = tpu.memref_slice %arg8[%multiple_of3A_308] : memref<524288xf32, #tpu.memory_space<hbm>> -> memref<2048xf32, #tpu.memory_space<hbm>>
    tpu.enqueue_dma source(%dma_start3A_341 : memref<2048xf32, #tpu.memory_space<hbm>>) target(%dma_start3A_340 : memref<2048xf32, #tpu.memory_space<vmem>>) target_semaphore(%arg30 : memref<!tpu.dma_semaphore, #tpu.memory_space<semaphore_mem>>)
    %dma_start3A_342 = tpu.memref_slice %arg25[%multiple_of3A_310] : memref<4096xf32, #tpu.memory_space<vmem>> -> memref<2048xf32, #tpu.memory_space<vmem>>
    %dma_start3A_343 = tpu.memref_slice %arg9[%multiple_of3A_308] : memref<524288xf32, #tpu.memory_space<hbm>> -> memref<2048xf32, #tpu.memory_space<hbm>>
    %dma_start3A_344 = tpu.memref_slice %arg25[%multiple_of3A_310] : memref<4096xf32, #tpu.memory_space<vmem>> -> memref<2048xf32, #tpu.memory_space<vmem>>
    %dma_start3A_345 = tpu.memref_slice %arg9[%multiple_of3A_308] : memref<524288xf32, #tpu.memory_space<hbm>> -> memref<2048xf32, #tpu.memory_space<hbm>>
    tpu.enqueue_dma source(%dma_start3A_345 : memref<2048xf32, #tpu.memory_space<hbm>>) target(%dma_start3A_344 : memref<2048xf32, #tpu.memory_space<vmem>>) target_semaphore(%arg30 : memref<!tpu.dma_semaphore, #tpu.memory_space<semaphore_mem>>)
    %broadcast_in_dim3A_346 = arith.constant -1 : i32
    %broadcast_in_dim3A_347 = vector.broadcast %broadcast_in_dim3A_346 : i32 to vector<16xi32>
    %broadcast_in_dim3A_348 = arith.constant 1.000000e+00 : f32
    %broadcast_in_dim3A_349 = vector.broadcast %broadcast_in_dim3A_348 : f32 to vector<16xf32>
    %while3A = arith.constant 0 : i32
    %while3A_350 = arith.subi %select_n3A, %while3A : i32
    %while3A_351 = arith.addi %while3A, %while3A_350 : i32
    %while3A_352 = arith.constant 1 : i32
    %while3A_353 = arith.divsi %while3A_350, %while3A_352 : i32
    %while3A_354 = arith.muli %while3A_353, %while3A_352 : i32
    %while3A_355 = arith.addi %while3A, %while3A_354 : i32
    %while3A_356 = arith.constant 1 : i32
    %while3A_357:2 = scf.for %while3A_523 = %while3A to %while3A_355 step %while3A_356 iter_args(%while3A_524 = %broadcast_in_dim3A_347, %while3A_525 = %broadcast_in_dim3A_349) -> (vector<16xi32>, vector<16xf32>)  : i32 {
      %mul3A_526 = arith.constant 2048 : i32
      %mul3A_527 = arith.muli %while3A_523, %mul3A_526 : i32
      %add3A_528 = arith.addi %and3A_279, %mul3A_527 : i32
      %min3A_529 = arith.constant 522240 : i32
      %min3A_530 = arith.minsi %add3A_528, %min3A_529 : i32
      %multiple_of3A_531 = tpu.assume_multiple %min3A_530, 16 : i32
      %and3A_532 = arith.constant 1 : i32
      %and3A_533 = arith.andi %while3A_523, %and3A_532 : i32
      %mul3A_534 = arith.constant 2048 : i32
      %mul3A_535 = arith.muli %and3A_533, %mul3A_534 : i32
      %multiple_of3A_536 = tpu.assume_multiple %mul3A_535, 16 : i32
      %dma_wait3A = tpu.memref_slice %arg17[%multiple_of3A_536] : memref<4096xf32, #tpu.memory_space<vmem>> -> memref<2048xf32, #tpu.memory_space<vmem>>
      %dma_wait3A_537 = tpu.memref_slice %arg2[%multiple_of3A_531] : memref<524288xf32, #tpu.memory_space<hbm>> -> memref<2048xf32, #tpu.memory_space<hbm>>
      %dma_wait3A_538 = tpu.memref_slice %arg17[%multiple_of3A_536] : memref<4096xf32, #tpu.memory_space<vmem>> -> memref<2048xf32, #tpu.memory_space<vmem>>
      %dma_wait3A_539 = tpu.memref_slice %arg2[%multiple_of3A_531] : memref<524288xf32, #tpu.memory_space<hbm>> -> memref<2048xf32, #tpu.memory_space<hbm>>
      tpu.wait_dma2 semaphore(%arg30 : memref<!tpu.dma_semaphore, #tpu.memory_space<semaphore_mem>>) src(%dma_wait3A_539 : memref<2048xf32, #tpu.memory_space<hbm>>) dst(%dma_wait3A_538 : memref<2048xf32, #tpu.memory_space<vmem>>)
      %dma_wait3A_540 = tpu.memref_slice %arg18[%multiple_of3A_536] : memref<4096xf32, #tpu.memory_space<vmem>> -> memref<2048xf32, #tpu.memory_space<vmem>>
      %dma_wait3A_541 = tpu.memref_slice %arg3[%multiple_of3A_531] : memref<524288xf32, #tpu.memory_space<hbm>> -> memref<2048xf32, #tpu.memory_space<hbm>>
      %dma_wait3A_542 = tpu.memref_slice %arg18[%multiple_of3A_536] : memref<4096xf32, #tpu.memory_space<vmem>> -> memref<2048xf32, #tpu.memory_space<vmem>>
      %dma_wait3A_543 = tpu.memref_slice %arg3[%multiple_of3A_531] : memref<524288xf32, #tpu.memory_space<hbm>> -> memref<2048xf32, #tpu.memory_space<hbm>>
      tpu.wait_dma2 semaphore(%arg30 : memref<!tpu.dma_semaphore, #tpu.memory_space<semaphore_mem>>) src(%dma_wait3A_543 : memref<2048xf32, #tpu.memory_space<hbm>>) dst(%dma_wait3A_542 : memref<2048xf32, #tpu.memory_space<vmem>>)
      %dma_wait3A_544 = tpu.memref_slice %arg19[%multiple_of3A_536] : memref<4096xi32, #tpu.memory_space<vmem>> -> memref<2048xi32, #tpu.memory_space<vmem>>
      %dma_wait3A_545 = tpu.memref_slice %arg10[%multiple_of3A_531] : memref<524288xi32, #tpu.memory_space<hbm>> -> memref<2048xi32, #tpu.memory_space<hbm>>
      %dma_wait3A_546 = tpu.memref_slice %arg19[%multiple_of3A_536] : memref<4096xi32, #tpu.memory_space<vmem>> -> memref<2048xi32, #tpu.memory_space<vmem>>
      %dma_wait3A_547 = tpu.memref_slice %arg10[%multiple_of3A_531] : memref<524288xi32, #tpu.memory_space<hbm>> -> memref<2048xi32, #tpu.memory_space<hbm>>
      tpu.wait_dma2 semaphore(%arg30 : memref<!tpu.dma_semaphore, #tpu.memory_space<semaphore_mem>>) src(%dma_wait3A_547 : memref<2048xi32, #tpu.memory_space<hbm>>) dst(%dma_wait3A_546 : memref<2048xi32, #tpu.memory_space<vmem>>)
      %dma_wait3A_548 = tpu.memref_slice %arg20[%multiple_of3A_536] : memref<4096xf32, #tpu.memory_space<vmem>> -> memref<2048xf32, #tpu.memory_space<vmem>>
      %dma_wait3A_549 = tpu.memref_slice %arg4[%multiple_of3A_531] : memref<524288xf32, #tpu.memory_space<hbm>> -> memref<2048xf32, #tpu.memory_space<hbm>>
      %dma_wait3A_550 = tpu.memref_slice %arg20[%multiple_of3A_536] : memref<4096xf32, #tpu.memory_space<vmem>> -> memref<2048xf32, #tpu.memory_space<vmem>>
      %dma_wait3A_551 = tpu.memref_slice %arg4[%multiple_of3A_531] : memref<524288xf32, #tpu.memory_space<hbm>> -> memref<2048xf32, #tpu.memory_space<hbm>>
      tpu.wait_dma2 semaphore(%arg30 : memref<!tpu.dma_semaphore, #tpu.memory_space<semaphore_mem>>) src(%dma_wait3A_551 : memref<2048xf32, #tpu.memory_space<hbm>>) dst(%dma_wait3A_550 : memref<2048xf32, #tpu.memory_space<vmem>>)
      %dma_wait3A_552 = tpu.memref_slice %arg21[%multiple_of3A_536] : memref<4096xf32, #tpu.memory_space<vmem>> -> memref<2048xf32, #tpu.memory_space<vmem>>
      %dma_wait3A_553 = tpu.memref_slice %arg5[%multiple_of3A_531] : memref<524288xf32, #tpu.memory_space<hbm>> -> memref<2048xf32, #tpu.memory_space<hbm>>
      %dma_wait3A_554 = tpu.memref_slice %arg21[%multiple_of3A_536] : memref<4096xf32, #tpu.memory_space<vmem>> -> memref<2048xf32, #tpu.memory_space<vmem>>
      %dma_wait3A_555 = tpu.memref_slice %arg5[%multiple_of3A_531] : memref<524288xf32, #tpu.memory_space<hbm>> -> memref<2048xf32, #tpu.memory_space<hbm>>
      tpu.wait_dma2 semaphore(%arg30 : memref<!tpu.dma_semaphore, #tpu.memory_space<semaphore_mem>>) src(%dma_wait3A_555 : memref<2048xf32, #tpu.memory_space<hbm>>) dst(%dma_wait3A_554 : memref<2048xf32, #tpu.memory_space<vmem>>)
      %dma_wait3A_556 = tpu.memref_slice %arg22[%multiple_of3A_536] : memref<4096xf32, #tpu.memory_space<vmem>> -> memref<2048xf32, #tpu.memory_space<vmem>>
      %dma_wait3A_557 = tpu.memref_slice %arg6[%multiple_of3A_531] : memref<524288xf32, #tpu.memory_space<hbm>> -> memref<2048xf32, #tpu.memory_space<hbm>>
      %dma_wait3A_558 = tpu.memref_slice %arg22[%multiple_of3A_536] : memref<4096xf32, #tpu.memory_space<vmem>> -> memref<2048xf32, #tpu.memory_space<vmem>>
      %dma_wait3A_559 = tpu.memref_slice %arg6[%multiple_of3A_531] : memref<524288xf32, #tpu.memory_space<hbm>> -> memref<2048xf32, #tpu.memory_space<hbm>>
      tpu.wait_dma2 semaphore(%arg30 : memref<!tpu.dma_semaphore, #tpu.memory_space<semaphore_mem>>) src(%dma_wait3A_559 : memref<2048xf32, #tpu.memory_space<hbm>>) dst(%dma_wait3A_558 : memref<2048xf32, #tpu.memory_space<vmem>>)
      %dma_wait3A_560 = tpu.memref_slice %arg23[%multiple_of3A_536] : memref<4096xf32, #tpu.memory_space<vmem>> -> memref<2048xf32, #tpu.memory_space<vmem>>
      %dma_wait3A_561 = tpu.memref_slice %arg7[%multiple_of3A_531] : memref<524288xf32, #tpu.memory_space<hbm>> -> memref<2048xf32, #tpu.memory_space<hbm>>
      %dma_wait3A_562 = tpu.memref_slice %arg23[%multiple_of3A_536] : memref<4096xf32, #tpu.memory_space<vmem>> -> memref<2048xf32, #tpu.memory_space<vmem>>
      %dma_wait3A_563 = tpu.memref_slice %arg7[%multiple_of3A_531] : memref<524288xf32, #tpu.memory_space<hbm>> -> memref<2048xf32, #tpu.memory_space<hbm>>
      tpu.wait_dma2 semaphore(%arg30 : memref<!tpu.dma_semaphore, #tpu.memory_space<semaphore_mem>>) src(%dma_wait3A_563 : memref<2048xf32, #tpu.memory_space<hbm>>) dst(%dma_wait3A_562 : memref<2048xf32, #tpu.memory_space<vmem>>)
      %dma_wait3A_564 = tpu.memref_slice %arg24[%multiple_of3A_536] : memref<4096xf32, #tpu.memory_space<vmem>> -> memref<2048xf32, #tpu.memory_space<vmem>>
      %dma_wait3A_565 = tpu.memref_slice %arg8[%multiple_of3A_531] : memref<524288xf32, #tpu.memory_space<hbm>> -> memref<2048xf32, #tpu.memory_space<hbm>>
      %dma_wait3A_566 = tpu.memref_slice %arg24[%multiple_of3A_536] : memref<4096xf32, #tpu.memory_space<vmem>> -> memref<2048xf32, #tpu.memory_space<vmem>>
      %dma_wait3A_567 = tpu.memref_slice %arg8[%multiple_of3A_531] : memref<524288xf32, #tpu.memory_space<hbm>> -> memref<2048xf32, #tpu.memory_space<hbm>>
      tpu.wait_dma2 semaphore(%arg30 : memref<!tpu.dma_semaphore, #tpu.memory_space<semaphore_mem>>) src(%dma_wait3A_567 : memref<2048xf32, #tpu.memory_space<hbm>>) dst(%dma_wait3A_566 : memref<2048xf32, #tpu.memory_space<vmem>>)
      %dma_wait3A_568 = tpu.memref_slice %arg25[%multiple_of3A_536] : memref<4096xf32, #tpu.memory_space<vmem>> -> memref<2048xf32, #tpu.memory_space<vmem>>
      %dma_wait3A_569 = tpu.memref_slice %arg9[%multiple_of3A_531] : memref<524288xf32, #tpu.memory_space<hbm>> -> memref<2048xf32, #tpu.memory_space<hbm>>
      %dma_wait3A_570 = tpu.memref_slice %arg25[%multiple_of3A_536] : memref<4096xf32, #tpu.memory_space<vmem>> -> memref<2048xf32, #tpu.memory_space<vmem>>
      %dma_wait3A_571 = tpu.memref_slice %arg9[%multiple_of3A_531] : memref<524288xf32, #tpu.memory_space<hbm>> -> memref<2048xf32, #tpu.memory_space<hbm>>
      tpu.wait_dma2 semaphore(%arg30 : memref<!tpu.dma_semaphore, #tpu.memory_space<semaphore_mem>>) src(%dma_wait3A_571 : memref<2048xf32, #tpu.memory_space<hbm>>) dst(%dma_wait3A_570 : memref<2048xf32, #tpu.memory_space<vmem>>)
      %add3A_572 = arith.constant 1 : i32
      %add3A_573 = arith.addi %while3A_523, %add3A_572 : i32
      %lt3A = arith.cmpi slt, %add3A_573, %select_n3A : i32
      %convert_element_type3A = arith.extui %lt3A : i1 to i32
      %cond3A = arith.constant 0 : i32
      %cond3A_574 = arith.cmpi ne, %convert_element_type3A, %cond3A : i32
      scf.if %cond3A_574 {
        %add3A_604 = arith.constant 1 : i32
        %add3A_605 = arith.addi %while3A_523, %add3A_604 : i32
        %mul3A_606 = arith.constant 2048 : i32
        %mul3A_607 = arith.muli %add3A_605, %mul3A_606 : i32
        %add3A_608 = arith.addi %and3A_279, %mul3A_607 : i32
        %min3A_609 = arith.constant 522240 : i32
        %min3A_610 = arith.minsi %add3A_608, %min3A_609 : i32
        %multiple_of3A_611 = tpu.assume_multiple %min3A_610, 16 : i32
        %and3A_612 = arith.constant 1 : i32
        %and3A_613 = arith.andi %add3A_605, %and3A_612 : i32
        %mul3A_614 = arith.constant 2048 : i32
        %mul3A_615 = arith.muli %and3A_613, %mul3A_614 : i32
        %multiple_of3A_616 = tpu.assume_multiple %mul3A_615, 16 : i32
        %dma_start3A_617 = tpu.memref_slice %arg17[%multiple_of3A_616] : memref<4096xf32, #tpu.memory_space<vmem>> -> memref<2048xf32, #tpu.memory_space<vmem>>
        %dma_start3A_618 = tpu.memref_slice %arg2[%multiple_of3A_611] : memref<524288xf32, #tpu.memory_space<hbm>> -> memref<2048xf32, #tpu.memory_space<hbm>>
        %dma_start3A_619 = tpu.memref_slice %arg17[%multiple_of3A_616] : memref<4096xf32, #tpu.memory_space<vmem>> -> memref<2048xf32, #tpu.memory_space<vmem>>
        %dma_start3A_620 = tpu.memref_slice %arg2[%multiple_of3A_611] : memref<524288xf32, #tpu.memory_space<hbm>> -> memref<2048xf32, #tpu.memory_space<hbm>>
        tpu.enqueue_dma source(%dma_start3A_620 : memref<2048xf32, #tpu.memory_space<hbm>>) target(%dma_start3A_619 : memref<2048xf32, #tpu.memory_space<vmem>>) target_semaphore(%arg30 : memref<!tpu.dma_semaphore, #tpu.memory_space<semaphore_mem>>)
        %dma_start3A_621 = tpu.memref_slice %arg18[%multiple_of3A_616] : memref<4096xf32, #tpu.memory_space<vmem>> -> memref<2048xf32, #tpu.memory_space<vmem>>
        %dma_start3A_622 = tpu.memref_slice %arg3[%multiple_of3A_611] : memref<524288xf32, #tpu.memory_space<hbm>> -> memref<2048xf32, #tpu.memory_space<hbm>>
        %dma_start3A_623 = tpu.memref_slice %arg18[%multiple_of3A_616] : memref<4096xf32, #tpu.memory_space<vmem>> -> memref<2048xf32, #tpu.memory_space<vmem>>
        %dma_start3A_624 = tpu.memref_slice %arg3[%multiple_of3A_611] : memref<524288xf32, #tpu.memory_space<hbm>> -> memref<2048xf32, #tpu.memory_space<hbm>>
        tpu.enqueue_dma source(%dma_start3A_624 : memref<2048xf32, #tpu.memory_space<hbm>>) target(%dma_start3A_623 : memref<2048xf32, #tpu.memory_space<vmem>>) target_semaphore(%arg30 : memref<!tpu.dma_semaphore, #tpu.memory_space<semaphore_mem>>)
        %dma_start3A_625 = tpu.memref_slice %arg19[%multiple_of3A_616] : memref<4096xi32, #tpu.memory_space<vmem>> -> memref<2048xi32, #tpu.memory_space<vmem>>
        %dma_start3A_626 = tpu.memref_slice %arg10[%multiple_of3A_611] : memref<524288xi32, #tpu.memory_space<hbm>> -> memref<2048xi32, #tpu.memory_space<hbm>>
        %dma_start3A_627 = tpu.memref_slice %arg19[%multiple_of3A_616] : memref<4096xi32, #tpu.memory_space<vmem>> -> memref<2048xi32, #tpu.memory_space<vmem>>
        %dma_start3A_628 = tpu.memref_slice %arg10[%multiple_of3A_611] : memref<524288xi32, #tpu.memory_space<hbm>> -> memref<2048xi32, #tpu.memory_space<hbm>>
        tpu.enqueue_dma source(%dma_start3A_628 : memref<2048xi32, #tpu.memory_space<hbm>>) target(%dma_start3A_627 : memref<2048xi32, #tpu.memory_space<vmem>>) target_semaphore(%arg30 : memref<!tpu.dma_semaphore, #tpu.memory_space<semaphore_mem>>)
        %dma_start3A_629 = tpu.memref_slice %arg20[%multiple_of3A_616] : memref<4096xf32, #tpu.memory_space<vmem>> -> memref<2048xf32, #tpu.memory_space<vmem>>
        %dma_start3A_630 = tpu.memref_slice %arg4[%multiple_of3A_611] : memref<524288xf32, #tpu.memory_space<hbm>> -> memref<2048xf32, #tpu.memory_space<hbm>>
        %dma_start3A_631 = tpu.memref_slice %arg20[%multiple_of3A_616] : memref<4096xf32, #tpu.memory_space<vmem>> -> memref<2048xf32, #tpu.memory_space<vmem>>
        %dma_start3A_632 = tpu.memref_slice %arg4[%multiple_of3A_611] : memref<524288xf32, #tpu.memory_space<hbm>> -> memref<2048xf32, #tpu.memory_space<hbm>>
        tpu.enqueue_dma source(%dma_start3A_632 : memref<2048xf32, #tpu.memory_space<hbm>>) target(%dma_start3A_631 : memref<2048xf32, #tpu.memory_space<vmem>>) target_semaphore(%arg30 : memref<!tpu.dma_semaphore, #tpu.memory_space<semaphore_mem>>)
        %dma_start3A_633 = tpu.memref_slice %arg21[%multiple_of3A_616] : memref<4096xf32, #tpu.memory_space<vmem>> -> memref<2048xf32, #tpu.memory_space<vmem>>
        %dma_start3A_634 = tpu.memref_slice %arg5[%multiple_of3A_611] : memref<524288xf32, #tpu.memory_space<hbm>> -> memref<2048xf32, #tpu.memory_space<hbm>>
        %dma_start3A_635 = tpu.memref_slice %arg21[%multiple_of3A_616] : memref<4096xf32, #tpu.memory_space<vmem>> -> memref<2048xf32, #tpu.memory_space<vmem>>
        %dma_start3A_636 = tpu.memref_slice %arg5[%multiple_of3A_611] : memref<524288xf32, #tpu.memory_space<hbm>> -> memref<2048xf32, #tpu.memory_space<hbm>>
        tpu.enqueue_dma source(%dma_start3A_636 : memref<2048xf32, #tpu.memory_space<hbm>>) target(%dma_start3A_635 : memref<2048xf32, #tpu.memory_space<vmem>>) target_semaphore(%arg30 : memref<!tpu.dma_semaphore, #tpu.memory_space<semaphore_mem>>)
        %dma_start3A_637 = tpu.memref_slice %arg22[%multiple_of3A_616] : memref<4096xf32, #tpu.memory_space<vmem>> -> memref<2048xf32, #tpu.memory_space<vmem>>
        %dma_start3A_638 = tpu.memref_slice %arg6[%multiple_of3A_611] : memref<524288xf32, #tpu.memory_space<hbm>> -> memref<2048xf32, #tpu.memory_space<hbm>>
        %dma_start3A_639 = tpu.memref_slice %arg22[%multiple_of3A_616] : memref<4096xf32, #tpu.memory_space<vmem>> -> memref<2048xf32, #tpu.memory_space<vmem>>
        %dma_start3A_640 = tpu.memref_slice %arg6[%multiple_of3A_611] : memref<524288xf32, #tpu.memory_space<hbm>> -> memref<2048xf32, #tpu.memory_space<hbm>>
        tpu.enqueue_dma source(%dma_start3A_640 : memref<2048xf32, #tpu.memory_space<hbm>>) target(%dma_start3A_639 : memref<2048xf32, #tpu.memory_space<vmem>>) target_semaphore(%arg30 : memref<!tpu.dma_semaphore, #tpu.memory_space<semaphore_mem>>)
        %dma_start3A_641 = tpu.memref_slice %arg23[%multiple_of3A_616] : memref<4096xf32, #tpu.memory_space<vmem>> -> memref<2048xf32, #tpu.memory_space<vmem>>
        %dma_start3A_642 = tpu.memref_slice %arg7[%multiple_of3A_611] : memref<524288xf32, #tpu.memory_space<hbm>> -> memref<2048xf32, #tpu.memory_space<hbm>>
        %dma_start3A_643 = tpu.memref_slice %arg23[%multiple_of3A_616] : memref<4096xf32, #tpu.memory_space<vmem>> -> memref<2048xf32, #tpu.memory_space<vmem>>
        %dma_start3A_644 = tpu.memref_slice %arg7[%multiple_of3A_611] : memref<524288xf32, #tpu.memory_space<hbm>> -> memref<2048xf32, #tpu.memory_space<hbm>>
        tpu.enqueue_dma source(%dma_start3A_644 : memref<2048xf32, #tpu.memory_space<hbm>>) target(%dma_start3A_643 : memref<2048xf32, #tpu.memory_space<vmem>>) target_semaphore(%arg30 : memref<!tpu.dma_semaphore, #tpu.memory_space<semaphore_mem>>)
        %dma_start3A_645 = tpu.memref_slice %arg24[%multiple_of3A_616] : memref<4096xf32, #tpu.memory_space<vmem>> -> memref<2048xf32, #tpu.memory_space<vmem>>
        %dma_start3A_646 = tpu.memref_slice %arg8[%multiple_of3A_611] : memref<524288xf32, #tpu.memory_space<hbm>> -> memref<2048xf32, #tpu.memory_space<hbm>>
        %dma_start3A_647 = tpu.memref_slice %arg24[%multiple_of3A_616] : memref<4096xf32, #tpu.memory_space<vmem>> -> memref<2048xf32, #tpu.memory_space<vmem>>
        %dma_start3A_648 = tpu.memref_slice %arg8[%multiple_of3A_611] : memref<524288xf32, #tpu.memory_space<hbm>> -> memref<2048xf32, #tpu.memory_space<hbm>>
        tpu.enqueue_dma source(%dma_start3A_648 : memref<2048xf32, #tpu.memory_space<hbm>>) target(%dma_start3A_647 : memref<2048xf32, #tpu.memory_space<vmem>>) target_semaphore(%arg30 : memref<!tpu.dma_semaphore, #tpu.memory_space<semaphore_mem>>)
        %dma_start3A_649 = tpu.memref_slice %arg25[%multiple_of3A_616] : memref<4096xf32, #tpu.memory_space<vmem>> -> memref<2048xf32, #tpu.memory_space<vmem>>
        %dma_start3A_650 = tpu.memref_slice %arg9[%multiple_of3A_611] : memref<524288xf32, #tpu.memory_space<hbm>> -> memref<2048xf32, #tpu.memory_space<hbm>>
        %dma_start3A_651 = tpu.memref_slice %arg25[%multiple_of3A_616] : memref<4096xf32, #tpu.memory_space<vmem>> -> memref<2048xf32, #tpu.memory_space<vmem>>
        %dma_start3A_652 = tpu.memref_slice %arg9[%multiple_of3A_611] : memref<524288xf32, #tpu.memory_space<hbm>> -> memref<2048xf32, #tpu.memory_space<hbm>>
        tpu.enqueue_dma source(%dma_start3A_652 : memref<2048xf32, #tpu.memory_space<hbm>>) target(%dma_start3A_651 : memref<2048xf32, #tpu.memory_space<vmem>>) target_semaphore(%arg30 : memref<!tpu.dma_semaphore, #tpu.memory_space<semaphore_mem>>)
      } else {
      }
      %mul3A_575 = arith.constant 2048 : i32
      %mul3A_576 = arith.muli %while3A_523, %mul3A_575 : i32
      %add3A_577 = arith.addi %and3A_279, %mul3A_576 : i32
      %min3A_578 = arith.constant 522240 : i32
      %min3A_579 = arith.minsi %add3A_577, %min3A_578 : i32
      %multiple_of3A_580 = tpu.assume_multiple %min3A_579, 16 : i32
      %and3A_581 = arith.constant 1 : i32
      %and3A_582 = arith.andi %while3A_523, %and3A_581 : i32
      %mul3A_583 = arith.constant 2048 : i32
      %mul3A_584 = arith.muli %and3A_582, %mul3A_583 : i32
      %multiple_of3A_585 = tpu.assume_multiple %mul3A_584, 16 : i32
      %sub3A_586 = arith.subi %multiple_of3A_580, %multiple_of3A_585 : i32
      %mul3A_587 = arith.constant 128 : i32
      %mul3A_588 = arith.muli %while3A_523, %mul3A_587 : i32
      %sub3A_589 = arith.subi %shift_right_arithmetic3A_282, %mul3A_588 : i32
      %jit3A_590 = arith.constant 0 : i32
      %jit3A_591 = arith.constant 128 : i32
      %max3A = arith.maxsi %jit3A_590, %sub3A_589 : i32
      %min3A_592 = arith.minsi %jit3A_591, %max3A : i32
      %while3A_593 = arith.constant 0 : i32
      %while3A_594 = arith.subi %min3A_592, %while3A_593 : i32
      %while3A_595 = arith.addi %while3A_593, %while3A_594 : i32
      %while3A_596 = arith.constant 1 : i32
      %while3A_597 = arith.divsi %while3A_594, %while3A_596 : i32
      %while3A_598 = arith.muli %while3A_597, %while3A_596 : i32
      %while3A_599 = arith.addi %while3A_593, %while3A_598 : i32
      %while3A_600 = arith.constant 1 : i32
      %while3A_601:2 = scf.for %while3A_604 = %while3A_593 to %while3A_599 step %while3A_600 iter_args(%while3A_605 = %while3A_524, %while3A_606 = %while3A_525) -> (vector<16xi32>, vector<16xf32>)  : i32 {
        %mul3A_607 = arith.constant 2048 : i32
        %mul3A_608 = arith.muli %while3A_523, %mul3A_607 : i32
        %add3A_609 = arith.addi %and3A_279, %mul3A_608 : i32
        %mul3A_610 = arith.constant 16 : i32
        %mul3A_611 = arith.muli %while3A_604, %mul3A_610 : i32
        %add3A_612 = arith.addi %add3A_609, %mul3A_611 : i32
        %sub3A_613 = arith.subi %add3A_612, %sub3A_586 : i32
        %add3A_614 = vector.broadcast %add3A_612 : i32 to vector<16xi32>
        %add3A_615 = arith.addi %add3A_614, %iota3A : vector<16xi32>
        %get3A_616 = arith.index_cast %sub3A_613 : i32 to index
        %get3A_617 = tpu.vector_load %arg17[%get3A_616] {strides = array<i32>} : memref<4096xf32, #tpu.memory_space<vmem>>, vector<16xf32>,
        %get3A_618 = arith.index_cast %sub3A_613 : i32 to index
        %get3A_619 = tpu.vector_load %arg18[%get3A_618] {strides = array<i32>} : memref<4096xf32, #tpu.memory_space<vmem>>, vector<16xf32>,
        %get3A_620 = arith.index_cast %sub3A_613 : i32 to index
        %get3A_621 = tpu.vector_load %arg19[%get3A_620] {strides = array<i32>} : memref<4096xi32, #tpu.memory_space<vmem>>, vector<16xi32>,
        %get3A_622 = arith.index_cast %sub3A_613 : i32 to index
        %get3A_623 = tpu.vector_load %arg20[%get3A_622] {strides = array<i32>} : memref<4096xf32, #tpu.memory_space<vmem>>, vector<16xf32>,
        %get3A_624 = arith.index_cast %sub3A_613 : i32 to index
        %get3A_625 = tpu.vector_load %arg21[%get3A_624] {strides = array<i32>} : memref<4096xf32, #tpu.memory_space<vmem>>, vector<16xf32>,
        %get3A_626 = arith.index_cast %sub3A_613 : i32 to index
        %get3A_627 = tpu.vector_load %arg22[%get3A_626] {strides = array<i32>} : memref<4096xf32, #tpu.memory_space<vmem>>, vector<16xf32>,
        %get3A_628 = arith.index_cast %sub3A_613 : i32 to index
        %get3A_629 = tpu.vector_load %arg23[%get3A_628] {strides = array<i32>} : memref<4096xf32, #tpu.memory_space<vmem>>, vector<16xf32>,
        %get3A_630 = arith.index_cast %sub3A_613 : i32 to index
        %get3A_631 = tpu.vector_load %arg24[%get3A_630] {strides = array<i32>} : memref<4096xf32, #tpu.memory_space<vmem>>, vector<16xf32>,
        %get3A_632 = arith.index_cast %sub3A_613 : i32 to index
        %get3A_633 = tpu.vector_load %arg25[%get3A_632] {strides = array<i32>} : memref<4096xf32, #tpu.memory_space<vmem>>, vector<16xf32>,
        %ge3A = vector.broadcast %reduce_min3A_9 : i32 to vector<16xi32>
        %ge3A_634 = arith.cmpi sge, %add3A_615, %ge3A : vector<16xi32>
        %lt3A_635 = vector.broadcast %reduce_min3A_21 : i32 to vector<16xi32>
        %lt3A_636 = arith.cmpi slt, %add3A_615, %lt3A_635 : vector<16xi32>
        %and3A_637 = arith.andi %ge3A_634, %lt3A_636 : vector<16xi1>
        %jit3A_638 = arith.constant 0.000000e+00 : f32
        %broadcast_in_dim3A_639 = vector.broadcast %jit3A_638 : f32 to vector<16xf32>
        %select_n3A_640 = arith.select %and3A_637, %get3A_617, %broadcast_in_dim3A_639 : vector<16xi1>, vector<16xf32>
        %jit3A_641 = arith.constant -2 : i32
        %broadcast_in_dim3A_642 = vector.broadcast %jit3A_641 : i32 to vector<16xi32>
        %select_n3A_643 = arith.select %and3A_637, %get3A_621, %broadcast_in_dim3A_642 : vector<16xi1>, vector<16xi32>
        %sub3A_644 = arith.constant 1.000000e+00 : f32
        %sub3A_645 = vector.broadcast %sub3A_644 : f32 to vector<16xf32>
        %sub3A_646 = arith.subf %sub3A_645, %select_n3A_640 : vector<16xf32>
        %jit3A_647 = arith.constant 1.000000e-10 : f32
        %jit3A_648 = arith.constant 1.000000e+00 : f32
        %max3A_649 = vector.broadcast %jit3A_647 : f32 to vector<16xf32>
        %max3A_650 = arith.maximumf %max3A_649, %sub3A_646 : vector<16xf32>
        %min3A_651 = vector.broadcast %jit3A_648 : f32 to vector<16xf32>
        %min3A_652 = arith.minimumf %min3A_651, %max3A_650 : vector<16xf32>
        %sub3A_653 = arith.constant 1 : i32
        %sub3A_654 = vector.broadcast %sub3A_653 : i32 to vector<16xi32>
        %sub3A_655 = arith.subi %iota3A, %sub3A_654 : vector<16xi32>
        %max3A_656 = arith.constant 0 : i32
        %max3A_657 = vector.broadcast %max3A_656 : i32 to vector<16xi32>
        %max3A_658 = arith.maxsi %sub3A_655, %max3A_657 : vector<16xi32>
        %broadcast_in_dim3A_659 = vector.shape_cast %max3A_658 : vector<16xi32> to vector<16x1xi32>
        %gather3A_660 = vector.shape_cast %broadcast_in_dim3A_659 : vector<16x1xi32> to vector<16xi32>
        %gather3A_661 = tpu.dynamic_gather %select_n3A_643[%gather3A_660] in [0] : vector<16xi32>, vector<16xi32> -> vector<16xi32>
        %lt3A_662 = arith.constant 1 : i32
        %lt3A_663 = vector.broadcast %lt3A_662 : i32 to vector<16xi32>
        %lt3A_664 = arith.cmpi slt, %iota3A, %lt3A_663 : vector<16xi32>
        %select_n3A_665 = arith.select %lt3A_664, %while3A_605, %gather3A_661 : vector<16xi1>, vector<16xi32>
        %sub3A_666 = arith.constant 1 : i32
        %sub3A_667 = vector.broadcast %sub3A_666 : i32 to vector<16xi32>
        %sub3A_668 = arith.subi %iota3A, %sub3A_667 : vector<16xi32>
        %max3A_669 = arith.constant 0 : i32
        %max3A_670 = vector.broadcast %max3A_669 : i32 to vector<16xi32>
        %max3A_671 = arith.maxsi %sub3A_668, %max3A_670 : vector<16xi32>
        %broadcast_in_dim3A_672 = vector.shape_cast %max3A_671 : vector<16xi32> to vector<16x1xi32>
        %gather3A_673 = vector.shape_cast %broadcast_in_dim3A_672 : vector<16x1xi32> to vector<16xi32>
        %gather3A_674 = tpu.dynamic_gather %min3A_652[%gather3A_673] in [0] : vector<16xf32>, vector<16xi32> -> vector<16xf32>
        %lt3A_675 = arith.constant 1 : i32
        %lt3A_676 = vector.broadcast %lt3A_675 : i32 to vector<16xi32>
        %lt3A_677 = arith.cmpi slt, %iota3A, %lt3A_676 : vector<16xi32>
        %jit3A_678 = arith.constant 1.000000e+00 : f32
        %broadcast_in_dim3A_679 = vector.broadcast %jit3A_678 : f32 to vector<16xf32>
        %select_n3A_680 = arith.select %lt3A_677, %broadcast_in_dim3A_679, %gather3A_674 : vector<16xi1>, vector<16xf32>
        %eq3A = arith.cmpi eq, %select_n3A_643, %select_n3A_665 : vector<16xi32>
        %ge3A_681 = arith.constant 1 : i32
        %ge3A_682 = vector.broadcast %ge3A_681 : i32 to vector<16xi32>
        %ge3A_683 = arith.cmpi sge, %iota3A, %ge3A_682 : vector<16xi32>
        %and3A_684 = arith.andi %eq3A, %ge3A_683 : vector<16xi1>
        %mul3A_685 = arith.mulf %min3A_652, %select_n3A_680 : vector<16xf32>
        %select_n3A_686 = arith.select %and3A_684, %mul3A_685, %min3A_652 : vector<16xi1>, vector<16xf32>
        %sub3A_687 = arith.constant 2 : i32
        %sub3A_688 = vector.broadcast %sub3A_687 : i32 to vector<16xi32>
        %sub3A_689 = arith.subi %iota3A, %sub3A_688 : vector<16xi32>
        %max3A_690 = arith.constant 0 : i32
        %max3A_691 = vector.broadcast %max3A_690 : i32 to vector<16xi32>
        %max3A_692 = arith.maxsi %sub3A_689, %max3A_691 : vector<16xi32>
        %broadcast_in_dim3A_693 = vector.shape_cast %max3A_692 : vector<16xi32> to vector<16x1xi32>
        %gather3A_694 = vector.shape_cast %broadcast_in_dim3A_693 : vector<16x1xi32> to vector<16xi32>
        %gather3A_695 = tpu.dynamic_gather %select_n3A_686[%gather3A_694] in [0] : vector<16xf32>, vector<16xi32> -> vector<16xf32>
        %lt3A_696 = arith.constant 2 : i32
        %lt3A_697 = vector.broadcast %lt3A_696 : i32 to vector<16xi32>
        %lt3A_698 = arith.cmpi slt, %iota3A, %lt3A_697 : vector<16xi32>
        %jit3A_699 = arith.constant 1.000000e+00 : f32
        %broadcast_in_dim3A_700 = vector.broadcast %jit3A_699 : f32 to vector<16xf32>
        %select_n3A_701 = arith.select %lt3A_698, %broadcast_in_dim3A_700, %gather3A_695 : vector<16xi1>, vector<16xf32>
        %sub3A_702 = arith.constant 2 : i32
        %sub3A_703 = vector.broadcast %sub3A_702 : i32 to vector<16xi32>
        %sub3A_704 = arith.subi %iota3A, %sub3A_703 : vector<16xi32>
        %max3A_705 = arith.constant 0 : i32
        %max3A_706 = vector.broadcast %max3A_705 : i32 to vector<16xi32>
        %max3A_707 = arith.maxsi %sub3A_704, %max3A_706 : vector<16xi32>
        %broadcast_in_dim3A_708 = vector.shape_cast %max3A_707 : vector<16xi32> to vector<16x1xi32>
        %gather3A_709 = vector.shape_cast %broadcast_in_dim3A_708 : vector<16x1xi32> to vector<16xi32>
        %gather3A_710 = tpu.dynamic_gather %select_n3A_643[%gather3A_709] in [0] : vector<16xi32>, vector<16xi32> -> vector<16xi32>
        %lt3A_711 = arith.constant 2 : i32
        %lt3A_712 = vector.broadcast %lt3A_711 : i32 to vector<16xi32>
        %lt3A_713 = arith.cmpi slt, %iota3A, %lt3A_712 : vector<16xi32>
        %jit3A_714 = arith.constant -3 : i32
        %broadcast_in_dim3A_715 = vector.broadcast %jit3A_714 : i32 to vector<16xi32>
        %select_n3A_716 = arith.select %lt3A_713, %broadcast_in_dim3A_715, %gather3A_710 : vector<16xi1>, vector<16xi32>
        %eq3A_717 = arith.cmpi eq, %select_n3A_643, %select_n3A_716 : vector<16xi32>
        %mul3A_718 = arith.mulf %select_n3A_686, %select_n3A_701 : vector<16xf32>
        %select_n3A_719 = arith.select %eq3A_717, %mul3A_718, %select_n3A_686 : vector<16xi1>, vector<16xf32>
        %sub3A_720 = arith.constant 4 : i32
        %sub3A_721 = vector.broadcast %sub3A_720 : i32 to vector<16xi32>
        %sub3A_722 = arith.subi %iota3A, %sub3A_721 : vector<16xi32>
        %max3A_723 = arith.constant 0 : i32
        %max3A_724 = vector.broadcast %max3A_723 : i32 to vector<16xi32>
        %max3A_725 = arith.maxsi %sub3A_722, %max3A_724 : vector<16xi32>
        %broadcast_in_dim3A_726 = vector.shape_cast %max3A_725 : vector<16xi32> to vector<16x1xi32>
        %gather3A_727 = vector.shape_cast %broadcast_in_dim3A_726 : vector<16x1xi32> to vector<16xi32>
        %gather3A_728 = tpu.dynamic_gather %select_n3A_719[%gather3A_727] in [0] : vector<16xf32>, vector<16xi32> -> vector<16xf32>
        %lt3A_729 = arith.constant 4 : i32
        %lt3A_730 = vector.broadcast %lt3A_729 : i32 to vector<16xi32>
        %lt3A_731 = arith.cmpi slt, %iota3A, %lt3A_730 : vector<16xi32>
        %jit3A_732 = arith.constant 1.000000e+00 : f32
        %broadcast_in_dim3A_733 = vector.broadcast %jit3A_732 : f32 to vector<16xf32>
        %select_n3A_734 = arith.select %lt3A_731, %broadcast_in_dim3A_733, %gather3A_728 : vector<16xi1>, vector<16xf32>
        %sub3A_735 = arith.constant 4 : i32
        %sub3A_736 = vector.broadcast %sub3A_735 : i32 to vector<16xi32>
        %sub3A_737 = arith.subi %iota3A, %sub3A_736 : vector<16xi32>
        %max3A_738 = arith.constant 0 : i32
        %max3A_739 = vector.broadcast %max3A_738 : i32 to vector<16xi32>
        %max3A_740 = arith.maxsi %sub3A_737, %max3A_739 : vector<16xi32>
        %broadcast_in_dim3A_741 = vector.shape_cast %max3A_740 : vector<16xi32> to vector<16x1xi32>
        %gather3A_742 = vector.shape_cast %broadcast_in_dim3A_741 : vector<16x1xi32> to vector<16xi32>
        %gather3A_743 = tpu.dynamic_gather %select_n3A_643[%gather3A_742] in [0] : vector<16xi32>, vector<16xi32> -> vector<16xi32>
        %lt3A_744 = arith.constant 4 : i32
        %lt3A_745 = vector.broadcast %lt3A_744 : i32 to vector<16xi32>
        %lt3A_746 = arith.cmpi slt, %iota3A, %lt3A_745 : vector<16xi32>
        %jit3A_747 = arith.constant -3 : i32
        %broadcast_in_dim3A_748 = vector.broadcast %jit3A_747 : i32 to vector<16xi32>
        %select_n3A_749 = arith.select %lt3A_746, %broadcast_in_dim3A_748, %gather3A_743 : vector<16xi1>, vector<16xi32>
        %eq3A_750 = arith.cmpi eq, %select_n3A_643, %select_n3A_749 : vector<16xi32>
        %mul3A_751 = arith.mulf %select_n3A_719, %select_n3A_734 : vector<16xf32>
        %select_n3A_752 = arith.select %eq3A_750, %mul3A_751, %select_n3A_719 : vector<16xi1>, vector<16xf32>
        %sub3A_753 = arith.constant 8 : i32
        %sub3A_754 = vector.broadcast %sub3A_753 : i32 to vector<16xi32>
        %sub3A_755 = arith.subi %iota3A, %sub3A_754 : vector<16xi32>
        %max3A_756 = arith.constant 0 : i32
        %max3A_757 = vector.broadcast %max3A_756 : i32 to vector<16xi32>
        %max3A_758 = arith.maxsi %sub3A_755, %max3A_757 : vector<16xi32>
        %broadcast_in_dim3A_759 = vector.shape_cast %max3A_758 : vector<16xi32> to vector<16x1xi32>
        %gather3A_760 = vector.shape_cast %broadcast_in_dim3A_759 : vector<16x1xi32> to vector<16xi32>
        %gather3A_761 = tpu.dynamic_gather %select_n3A_752[%gather3A_760] in [0] : vector<16xf32>, vector<16xi32> -> vector<16xf32>
        %lt3A_762 = arith.constant 8 : i32
        %lt3A_763 = vector.broadcast %lt3A_762 : i32 to vector<16xi32>
        %lt3A_764 = arith.cmpi slt, %iota3A, %lt3A_763 : vector<16xi32>
        %jit3A_765 = arith.constant 1.000000e+00 : f32
        %broadcast_in_dim3A_766 = vector.broadcast %jit3A_765 : f32 to vector<16xf32>
        %select_n3A_767 = arith.select %lt3A_764, %broadcast_in_dim3A_766, %gather3A_761 : vector<16xi1>, vector<16xf32>
        %sub3A_768 = arith.constant 8 : i32
        %sub3A_769 = vector.broadcast %sub3A_768 : i32 to vector<16xi32>
        %sub3A_770 = arith.subi %iota3A, %sub3A_769 : vector<16xi32>
        %max3A_771 = arith.constant 0 : i32
        %max3A_772 = vector.broadcast %max3A_771 : i32 to vector<16xi32>
        %max3A_773 = arith.maxsi %sub3A_770, %max3A_772 : vector<16xi32>
        %broadcast_in_dim3A_774 = vector.shape_cast %max3A_773 : vector<16xi32> to vector<16x1xi32>
        %gather3A_775 = vector.shape_cast %broadcast_in_dim3A_774 : vector<16x1xi32> to vector<16xi32>
        %gather3A_776 = tpu.dynamic_gather %select_n3A_643[%gather3A_775] in [0] : vector<16xi32>, vector<16xi32> -> vector<16xi32>
        %lt3A_777 = arith.constant 8 : i32
        %lt3A_778 = vector.broadcast %lt3A_777 : i32 to vector<16xi32>
        %lt3A_779 = arith.cmpi slt, %iota3A, %lt3A_778 : vector<16xi32>
        %jit3A_780 = arith.constant -3 : i32
        %broadcast_in_dim3A_781 = vector.broadcast %jit3A_780 : i32 to vector<16xi32>
        %select_n3A_782 = arith.select %lt3A_779, %broadcast_in_dim3A_781, %gather3A_776 : vector<16xi1>, vector<16xi32>
        %eq3A_783 = arith.cmpi eq, %select_n3A_643, %select_n3A_782 : vector<16xi32>
        %mul3A_784 = arith.mulf %select_n3A_752, %select_n3A_767 : vector<16xf32>
        %select_n3A_785 = arith.select %eq3A_783, %mul3A_784, %select_n3A_752 : vector<16xi1>, vector<16xf32>
        %eq3A_786 = arith.cmpi eq, %select_n3A_643, %while3A_605 : vector<16xi32>
        %mul3A_787 = arith.mulf %select_n3A_785, %while3A_606 : vector<16xf32>
        %select_n3A_788 = arith.select %eq3A_786, %mul3A_787, %select_n3A_785 : vector<16xi1>, vector<16xf32>
        %sub3A_789 = arith.constant 1 : i32
        %sub3A_790 = vector.broadcast %sub3A_789 : i32 to vector<16xi32>
        %sub3A_791 = arith.subi %iota3A, %sub3A_790 : vector<16xi32>
        %max3A_792 = arith.constant 0 : i32
        %max3A_793 = vector.broadcast %max3A_792 : i32 to vector<16xi32>
        %max3A_794 = arith.maxsi %sub3A_791, %max3A_793 : vector<16xi32>
        %broadcast_in_dim3A_795 = vector.shape_cast %max3A_794 : vector<16xi32> to vector<16x1xi32>
        %gather3A_796 = vector.shape_cast %broadcast_in_dim3A_795 : vector<16x1xi32> to vector<16xi32>
        %gather3A_797 = tpu.dynamic_gather %select_n3A_788[%gather3A_796] in [0] : vector<16xf32>, vector<16xi32> -> vector<16xf32>
        %lt3A_798 = arith.constant 1 : i32
        %lt3A_799 = vector.broadcast %lt3A_798 : i32 to vector<16xi32>
        %lt3A_800 = arith.cmpi slt, %iota3A, %lt3A_799 : vector<16xi32>
        %select_n3A_801 = arith.select %lt3A_800, %while3A_606, %gather3A_797 : vector<16xi1>, vector<16xf32>
        %eq3A_802 = arith.cmpi eq, %select_n3A_665, %select_n3A_643 : vector<16xi32>
        %jit3A_803 = arith.constant 1.000000e+00 : f32
        %broadcast_in_dim3A_804 = vector.broadcast %jit3A_803 : f32 to vector<16xf32>
        %select_n3A_805 = arith.select %eq3A_802, %select_n3A_801, %broadcast_in_dim3A_804 : vector<16xi1>, vector<16xf32>
        %mul3A_806 = arith.mulf %select_n3A_640, %select_n3A_805 : vector<16xf32>
        %jit3A_807 = arith.constant -1.000000e+00 : f32
        %jit3A_808 = arith.constant 1.000000e+00 : f32
        %max3A_809 = vector.broadcast %jit3A_807 : f32 to vector<16xf32>
        %max3A_810 = arith.maximumf %max3A_809, %get3A_629 : vector<16xf32>
        %min3A_811 = vector.broadcast %jit3A_808 : f32 to vector<16xf32>
        %min3A_812 = arith.minimumf %min3A_811, %max3A_810 : vector<16xf32>
        %jit3A_813 = arith.constant -1.000000e+00 : f32
        %jit3A_814 = arith.constant 1.000000e+00 : f32
        %max3A_815 = vector.broadcast %jit3A_813 : f32 to vector<16xf32>
        %max3A_816 = arith.maximumf %max3A_815, %get3A_631 : vector<16xf32>
        %min3A_817 = vector.broadcast %jit3A_814 : f32 to vector<16xf32>
        %min3A_818 = arith.minimumf %min3A_817, %max3A_816 : vector<16xf32>
        %jit3A_819 = arith.constant -1.000000e+00 : f32
        %jit3A_820 = arith.constant 1.000000e+00 : f32
        %max3A_821 = vector.broadcast %jit3A_819 : f32 to vector<16xf32>
        %max3A_822 = arith.maximumf %max3A_821, %get3A_633 : vector<16xf32>
        %min3A_823 = vector.broadcast %jit3A_820 : f32 to vector<16xf32>
        %min3A_824 = arith.minimumf %min3A_823, %max3A_822 : vector<16xf32>
        %mul3A_825 = arith.mulf %min3A_812, %min3A_812 : vector<16xf32>
        %mul3A_826 = arith.mulf %min3A_818, %min3A_818 : vector<16xf32>
        %add3A_827 = arith.addf %mul3A_825, %mul3A_826 : vector<16xf32>
        %mul3A_828 = arith.mulf %min3A_824, %min3A_824 : vector<16xf32>
        %add3A_829 = arith.addf %add3A_827, %mul3A_828 : vector<16xf32>
        %max3A_830 = arith.constant 1.000000e-24 : f32
        %max3A_831 = vector.broadcast %max3A_830 : f32 to vector<16xf32>
        %max3A_832 = arith.maximumf %add3A_829, %max3A_831 : vector<16xf32>
        %bitcast_convert_type3A = tpu.bitcast %max3A_832 : vector<16xf32> -> vector<16xi32>
        %shift_right_arithmetic3A_833 = arith.constant 1 : i32
        %shift_right_arithmetic3A_834 = vector.broadcast %shift_right_arithmetic3A_833 : i32 to vector<16xi32>
        %shift_right_arithmetic3A_835 = arith.shrsi %bitcast_convert_type3A, %shift_right_arithmetic3A_834 : vector<16xi32>
        %sub3A_836 = arith.constant 1597463007 : i32
        %sub3A_837 = vector.broadcast %sub3A_836 : i32 to vector<16xi32>
        %sub3A_838 = arith.subi %sub3A_837, %shift_right_arithmetic3A_835 : vector<16xi32>
        %bitcast_convert_type3A_839 = tpu.bitcast %sub3A_838 : vector<16xi32> -> vector<16xf32>
        %mul3A_840 = arith.constant 5.000000e-01 : f32
        %mul3A_841 = vector.broadcast %mul3A_840 : f32 to vector<16xf32>
        %mul3A_842 = arith.mulf %mul3A_841, %max3A_832 : vector<16xf32>
        %mul3A_843 = arith.mulf %mul3A_842, %bitcast_convert_type3A_839 : vector<16xf32>
        %mul3A_844 = arith.mulf %mul3A_843, %bitcast_convert_type3A_839 : vector<16xf32>
        %sub3A_845 = arith.constant 1.500000e+00 : f32
        %sub3A_846 = vector.broadcast %sub3A_845 : f32 to vector<16xf32>
        %sub3A_847 = arith.subf %sub3A_846, %mul3A_844 : vector<16xf32>
        %mul3A_848 = arith.mulf %bitcast_convert_type3A_839, %sub3A_847 : vector<16xf32>
        %mul3A_849 = arith.constant 5.000000e-01 : f32
        %mul3A_850 = vector.broadcast %mul3A_849 : f32 to vector<16xf32>
        %mul3A_851 = arith.mulf %mul3A_850, %max3A_832 : vector<16xf32>
        %mul3A_852 = arith.mulf %mul3A_851, %mul3A_848 : vector<16xf32>
        %mul3A_853 = arith.mulf %mul3A_852, %mul3A_848 : vector<16xf32>
        %sub3A_854 = arith.constant 1.500000e+00 : f32
        %sub3A_855 = vector.broadcast %sub3A_854 : f32 to vector<16xf32>
        %sub3A_856 = arith.subf %sub3A_855, %mul3A_853 : vector<16xf32>
        %mul3A_857 = arith.mulf %mul3A_848, %sub3A_856 : vector<16xf32>
        %add3A_858 = arith.constant 1 : i32
        %add3A_859 = vector.broadcast %add3A_858 : i32 to vector<16xi32>
        %add3A_860 = arith.addi %iota3A, %add3A_859 : vector<16xi32>
        %min3A_861 = arith.constant 15 : i32
        %min3A_862 = vector.broadcast %min3A_861 : i32 to vector<16xi32>
        %min3A_863 = arith.minsi %add3A_860, %min3A_862 : vector<16xi32>
        %broadcast_in_dim3A_864 = vector.shape_cast %min3A_863 : vector<16xi32> to vector<16x1xi32>
        %gather3A_865 = vector.shape_cast %broadcast_in_dim3A_864 : vector<16x1xi32> to vector<16xi32>
        %gather3A_866 = tpu.dynamic_gather %select_n3A_643[%gather3A_865] in [0] : vector<16xi32>, vector<16xi32> -> vector<16xi32>
        %eq3A_867 = arith.constant 15 : i32
        %eq3A_868 = vector.broadcast %eq3A_867 : i32 to vector<16xi32>
        %eq3A_869 = arith.cmpi eq, %iota3A, %eq3A_868 : vector<16xi32>
        %jit3A_870 = arith.constant -9 : i32
        %broadcast_in_dim3A_871 = vector.broadcast %jit3A_870 : i32 to vector<16xi32>
        %select_n3A_872 = arith.select %eq3A_869, %broadcast_in_dim3A_871, %gather3A_866 : vector<16xi1>, vector<16xi32>
        %ne3A_873 = arith.cmpi ne, %select_n3A_643, %select_n3A_872 : vector<16xi32>
        %ne3A_874 = arith.cmpi ne, %select_n3A_643, %select_n3A_665 : vector<16xi32>
        %jit3A_875 = arith.constant 0 : i32
        %broadcast_in_dim3A_876 = vector.broadcast %jit3A_875 : i32 to vector<16xi32>
        %select_n3A_877 = arith.select %ne3A_874, %iota3A, %broadcast_in_dim3A_876 : vector<16xi1>, vector<16xi32>
        %broadcast_in_dim3A_878 = arith.constant true
        %broadcast_in_dim3A_879 = vector.broadcast %broadcast_in_dim3A_878 : i1 to vector<16xi1>
        %masked_cummax3A = arith.constant -2147483648 : i32
        %masked_cummax3A_880 = vector.broadcast %masked_cummax3A : i32 to vector<16xi32>
        %masked_cummax3A_881 = arith.xori %select_n3A_877, %masked_cummax3A_880 : vector<16xi32>
        %masked_cummax3A_882 = tpu.scan <max>, %masked_cummax3A_881 masked %broadcast_in_dim3A_879 : vector<16xi32>, vector<16xi1> -> vector<16xi32>
        %masked_cummax3A_883 = arith.xori %masked_cummax3A_882, %masked_cummax3A_880 : vector<16xi32>
        %sub3A_884 = arith.constant 1 : i32
        %sub3A_885 = vector.broadcast %sub3A_884 : i32 to vector<16xi32>
        %sub3A_886 = arith.subi %masked_cummax3A_883, %sub3A_885 : vector<16xi32>
        %max3A_887 = arith.constant 0 : i32
        %max3A_888 = vector.broadcast %max3A_887 : i32 to vector<16xi32>
        %max3A_889 = arith.maxsi %sub3A_886, %max3A_888 : vector<16xi32>
        %gt3A = arith.constant 0 : i32
        %gt3A_890 = vector.broadcast %gt3A : i32 to vector<16xi32>
        %gt3A_891 = arith.cmpi sgt, %masked_cummax3A_883, %gt3A_890 : vector<16xi32>
        %sub3A_892 = vector.broadcast %multiple_of3A : i32 to vector<16xi32>
        %sub3A_893 = arith.subi %select_n3A_643, %sub3A_892 : vector<16xi32>
        %max3A_894 = arith.constant 0 : i32
        %max3A_895 = vector.broadcast %max3A_894 : i32 to vector<16xi32>
        %max3A_896 = arith.maxsi %sub3A_893, %max3A_895 : vector<16xi32>
        %ge3A_897 = vector.broadcast %multiple_of3A : i32 to vector<16xi32>
        %ge3A_898 = arith.cmpi sge, %select_n3A_643, %ge3A_897 : vector<16xi32>
        %and3A_899 = arith.andi %ne3A_873, %ge3A_898 : vector<16xi1>
        %mul3A_900 = arith.constant 3 : i32
        %mul3A_901 = vector.broadcast %mul3A_900 : i32 to vector<16xi32>
        %mul3A_902 = arith.muli %max3A_896, %mul3A_901 : vector<16xi32>
        %broadcast_in_dim3A_903 = arith.constant true
        %broadcast_in_dim3A_904 = vector.broadcast %broadcast_in_dim3A_903 : i1 to vector<16xi1>
        %masked_cumsum3A = tpu.scan <sum>, %mul3A_806 masked %broadcast_in_dim3A_904 : vector<16xf32>, vector<16xi1> -> vector<16xf32>
        %broadcast_in_dim3A_905 = vector.shape_cast %max3A_889 : vector<16xi32> to vector<16x1xi32>
        %gather3A_906 = vector.shape_cast %broadcast_in_dim3A_905 : vector<16x1xi32> to vector<16xi32>
        %gather3A_907 = tpu.dynamic_gather %masked_cumsum3A[%gather3A_906] in [0] : vector<16xf32>, vector<16xi32> -> vector<16xf32>
        %jit3A_908 = arith.constant 0.000000e+00 : f32
        %broadcast_in_dim3A_909 = vector.broadcast %jit3A_908 : f32 to vector<16xf32>
        %select_n3A_910 = arith.select %gt3A_891, %gather3A_907, %broadcast_in_dim3A_909 : vector<16xi1>, vector<16xf32>
        %sub3A_911 = arith.subf %masked_cumsum3A, %select_n3A_910 : vector<16xf32>
        tpu.vector_store_idx %arg26[%max3A_896], %sub3A_911 masked %and3A_899 {add = true} : memref<256xf32, #tpu.memory_space<vmem>>[vector<16xi32>], vector<16xf32>, vector<16xi1>
        %mul3A_912 = arith.mulf %mul3A_806, %get3A_619 : vector<16xf32>
        %broadcast_in_dim3A_913 = arith.constant true
        %broadcast_in_dim3A_914 = vector.broadcast %broadcast_in_dim3A_913 : i1 to vector<16xi1>
        %masked_cumsum3A_915 = tpu.scan <sum>, %mul3A_912 masked %broadcast_in_dim3A_914 : vector<16xf32>, vector<16xi1> -> vector<16xf32>
        %broadcast_in_dim3A_916 = vector.shape_cast %max3A_889 : vector<16xi32> to vector<16x1xi32>
        %gather3A_917 = vector.shape_cast %broadcast_in_dim3A_916 : vector<16x1xi32> to vector<16xi32>
        %gather3A_918 = tpu.dynamic_gather %masked_cumsum3A_915[%gather3A_917] in [0] : vector<16xf32>, vector<16xi32> -> vector<16xf32>
        %jit3A_919 = arith.constant 0.000000e+00 : f32
        %broadcast_in_dim3A_920 = vector.broadcast %jit3A_919 : f32 to vector<16xf32>
        %select_n3A_921 = arith.select %gt3A_891, %gather3A_918, %broadcast_in_dim3A_920 : vector<16xi1>, vector<16xf32>
        %sub3A_922 = arith.subf %masked_cumsum3A_915, %select_n3A_921 : vector<16xf32>
        tpu.vector_store_idx %arg27[%max3A_896], %sub3A_922 masked %and3A_899 {add = true} : memref<256xf32, #tpu.memory_space<vmem>>[vector<16xi32>], vector<16xf32>, vector<16xi1>
        %mul3A_923 = arith.mulf %mul3A_806, %get3A_623 : vector<16xf32>
        %broadcast_in_dim3A_924 = arith.constant true
        %broadcast_in_dim3A_925 = vector.broadcast %broadcast_in_dim3A_924 : i1 to vector<16xi1>
        %masked_cumsum3A_926 = tpu.scan <sum>, %mul3A_923 masked %broadcast_in_dim3A_925 : vector<16xf32>, vector<16xi1> -> vector<16xf32>
        %broadcast_in_dim3A_927 = vector.shape_cast %max3A_889 : vector<16xi32> to vector<16x1xi32>
        %gather3A_928 = vector.shape_cast %broadcast_in_dim3A_927 : vector<16x1xi32> to vector<16xi32>
        %gather3A_929 = tpu.dynamic_gather %masked_cumsum3A_926[%gather3A_928] in [0] : vector<16xf32>, vector<16xi32> -> vector<16xf32>
        %jit3A_930 = arith.constant 0.000000e+00 : f32
        %broadcast_in_dim3A_931 = vector.broadcast %jit3A_930 : f32 to vector<16xf32>
        %select_n3A_932 = arith.select %gt3A_891, %gather3A_929, %broadcast_in_dim3A_931 : vector<16xi1>, vector<16xf32>
        %sub3A_933 = arith.subf %masked_cumsum3A_926, %select_n3A_932 : vector<16xf32>
        tpu.vector_store_idx %arg28[%mul3A_902], %sub3A_933 masked %and3A_899 {add = true} : memref<768xf32, #tpu.memory_space<vmem>>[vector<16xi32>], vector<16xf32>, vector<16xi1>
        %add3A_934 = arith.constant 1 : i32
        %add3A_935 = vector.broadcast %add3A_934 : i32 to vector<16xi32>
        %add3A_936 = arith.addi %mul3A_902, %add3A_935 : vector<16xi32>
        %mul3A_937 = arith.mulf %mul3A_806, %get3A_625 : vector<16xf32>
        %broadcast_in_dim3A_938 = arith.constant true
        %broadcast_in_dim3A_939 = vector.broadcast %broadcast_in_dim3A_938 : i1 to vector<16xi1>
        %masked_cumsum3A_940 = tpu.scan <sum>, %mul3A_937 masked %broadcast_in_dim3A_939 : vector<16xf32>, vector<16xi1> -> vector<16xf32>
        %broadcast_in_dim3A_941 = vector.shape_cast %max3A_889 : vector<16xi32> to vector<16x1xi32>
        %gather3A_942 = vector.shape_cast %broadcast_in_dim3A_941 : vector<16x1xi32> to vector<16xi32>
        %gather3A_943 = tpu.dynamic_gather %masked_cumsum3A_940[%gather3A_942] in [0] : vector<16xf32>, vector<16xi32> -> vector<16xf32>
        %jit3A_944 = arith.constant 0.000000e+00 : f32
        %broadcast_in_dim3A_945 = vector.broadcast %jit3A_944 : f32 to vector<16xf32>
        %select_n3A_946 = arith.select %gt3A_891, %gather3A_943, %broadcast_in_dim3A_945 : vector<16xi1>, vector<16xf32>
        %sub3A_947 = arith.subf %masked_cumsum3A_940, %select_n3A_946 : vector<16xf32>
        tpu.vector_store_idx %arg28[%add3A_936], %sub3A_947 masked %and3A_899 {add = true} : memref<768xf32, #tpu.memory_space<vmem>>[vector<16xi32>], vector<16xf32>, vector<16xi1>
        %add3A_948 = arith.constant 2 : i32
        %add3A_949 = vector.broadcast %add3A_948 : i32 to vector<16xi32>
        %add3A_950 = arith.addi %mul3A_902, %add3A_949 : vector<16xi32>
        %mul3A_951 = arith.mulf %mul3A_806, %get3A_627 : vector<16xf32>
        %broadcast_in_dim3A_952 = arith.constant true
        %broadcast_in_dim3A_953 = vector.broadcast %broadcast_in_dim3A_952 : i1 to vector<16xi1>
        %masked_cumsum3A_954 = tpu.scan <sum>, %mul3A_951 masked %broadcast_in_dim3A_953 : vector<16xf32>, vector<16xi1> -> vector<16xf32>
        %broadcast_in_dim3A_955 = vector.shape_cast %max3A_889 : vector<16xi32> to vector<16x1xi32>
        %gather3A_956 = vector.shape_cast %broadcast_in_dim3A_955 : vector<16x1xi32> to vector<16xi32>
        %gather3A_957 = tpu.dynamic_gather %masked_cumsum3A_954[%gather3A_956] in [0] : vector<16xf32>, vector<16xi32> -> vector<16xf32>
        %jit3A_958 = arith.constant 0.000000e+00 : f32
        %broadcast_in_dim3A_959 = vector.broadcast %jit3A_958 : f32 to vector<16xf32>
        %select_n3A_960 = arith.select %gt3A_891, %gather3A_957, %broadcast_in_dim3A_959 : vector<16xi1>, vector<16xf32>
        %sub3A_961 = arith.subf %masked_cumsum3A_954, %select_n3A_960 : vector<16xf32>
        tpu.vector_store_idx %arg28[%add3A_950], %sub3A_961 masked %and3A_899 {add = true} : memref<768xf32, #tpu.memory_space<vmem>>[vector<16xi32>], vector<16xf32>, vector<16xi1>
        %mul3A_962 = arith.mulf %mul3A_806, %mul3A_857 : vector<16xf32>
        %mul3A_963 = arith.mulf %mul3A_962, %min3A_812 : vector<16xf32>
        %broadcast_in_dim3A_964 = arith.constant true
        %broadcast_in_dim3A_965 = vector.broadcast %broadcast_in_dim3A_964 : i1 to vector<16xi1>
        %masked_cumsum3A_966 = tpu.scan <sum>, %mul3A_963 masked %broadcast_in_dim3A_965 : vector<16xf32>, vector<16xi1> -> vector<16xf32>
        %broadcast_in_dim3A_967 = vector.shape_cast %max3A_889 : vector<16xi32> to vector<16x1xi32>
        %gather3A_968 = vector.shape_cast %broadcast_in_dim3A_967 : vector<16x1xi32> to vector<16xi32>
        %gather3A_969 = tpu.dynamic_gather %masked_cumsum3A_966[%gather3A_968] in [0] : vector<16xf32>, vector<16xi32> -> vector<16xf32>
        %jit3A_970 = arith.constant 0.000000e+00 : f32
        %broadcast_in_dim3A_971 = vector.broadcast %jit3A_970 : f32 to vector<16xf32>
        %select_n3A_972 = arith.select %gt3A_891, %gather3A_969, %broadcast_in_dim3A_971 : vector<16xi1>, vector<16xf32>
        %sub3A_973 = arith.subf %masked_cumsum3A_966, %select_n3A_972 : vector<16xf32>
        tpu.vector_store_idx %arg29[%mul3A_902], %sub3A_973 masked %and3A_899 {add = true} : memref<768xf32, #tpu.memory_space<vmem>>[vector<16xi32>], vector<16xf32>, vector<16xi1>
        %add3A_974 = arith.constant 1 : i32
        %add3A_975 = vector.broadcast %add3A_974 : i32 to vector<16xi32>
        %add3A_976 = arith.addi %mul3A_902, %add3A_975 : vector<16xi32>
        %mul3A_977 = arith.mulf %mul3A_962, %min3A_818 : vector<16xf32>
        %broadcast_in_dim3A_978 = arith.constant true
        %broadcast_in_dim3A_979 = vector.broadcast %broadcast_in_dim3A_978 : i1 to vector<16xi1>
        %masked_cumsum3A_980 = tpu.scan <sum>, %mul3A_977 masked %broadcast_in_dim3A_979 : vector<16xf32>, vector<16xi1> -> vector<16xf32>
        %broadcast_in_dim3A_981 = vector.shape_cast %max3A_889 : vector<16xi32> to vector<16x1xi32>
        %gather3A_982 = vector.shape_cast %broadcast_in_dim3A_981 : vector<16x1xi32> to vector<16xi32>
        %gather3A_983 = tpu.dynamic_gather %masked_cumsum3A_980[%gather3A_982] in [0] : vector<16xf32>, vector<16xi32> -> vector<16xf32>
        %jit3A_984 = arith.constant 0.000000e+00 : f32
        %broadcast_in_dim3A_985 = vector.broadcast %jit3A_984 : f32 to vector<16xf32>
        %select_n3A_986 = arith.select %gt3A_891, %gather3A_983, %broadcast_in_dim3A_985 : vector<16xi1>, vector<16xf32>
        %sub3A_987 = arith.subf %masked_cumsum3A_980, %select_n3A_986 : vector<16xf32>
        tpu.vector_store_idx %arg29[%add3A_976], %sub3A_987 masked %and3A_899 {add = true} : memref<768xf32, #tpu.memory_space<vmem>>[vector<16xi32>], vector<16xf32>, vector<16xi1>
        %add3A_988 = arith.constant 2 : i32
        %add3A_989 = vector.broadcast %add3A_988 : i32 to vector<16xi32>
        %add3A_990 = arith.addi %mul3A_902, %add3A_989 : vector<16xi32>
        %mul3A_991 = arith.mulf %mul3A_962, %min3A_824 : vector<16xf32>
        %broadcast_in_dim3A_992 = arith.constant true
        %broadcast_in_dim3A_993 = vector.broadcast %broadcast_in_dim3A_992 : i1 to vector<16xi1>
        %masked_cumsum3A_994 = tpu.scan <sum>, %mul3A_991 masked %broadcast_in_dim3A_993 : vector<16xf32>, vector<16xi1> -> vector<16xf32>
        %broadcast_in_dim3A_995 = vector.shape_cast %max3A_889 : vector<16xi32> to vector<16x1xi32>
        %gather3A_996 = vector.shape_cast %broadcast_in_dim3A_995 : vector<16x1xi32> to vector<16xi32>
        %gather3A_997 = tpu.dynamic_gather %masked_cumsum3A_994[%gather3A_996] in [0] : vector<16xf32>, vector<16xi32> -> vector<16xf32>
        %jit3A_998 = arith.constant 0.000000e+00 : f32
        %broadcast_in_dim3A_999 = vector.broadcast %jit3A_998 : f32 to vector<16xf32>
        %select_n3A_1000 = arith.select %gt3A_891, %gather3A_997, %broadcast_in_dim3A_999 : vector<16xi1>, vector<16xf32>
        %sub3A_1001 = arith.subf %masked_cumsum3A_994, %select_n3A_1000 : vector<16xf32>
        tpu.vector_store_idx %arg29[%add3A_990], %sub3A_1001 masked %and3A_899 {add = true} : memref<768xf32, #tpu.memory_space<vmem>>[vector<16xi32>], vector<16xf32>, vector<16xi1>
        %broadcast_in_dim3A_1002 = arith.constant 15 : i32
        %broadcast_in_dim3A_1003 = vector.broadcast %broadcast_in_dim3A_1002 : i32 to vector<16xi32>
        %broadcast_in_dim3A_1004 = vector.shape_cast %broadcast_in_dim3A_1003 : vector<16xi32> to vector<16x1xi32>
        %gather3A_1005 = vector.shape_cast %broadcast_in_dim3A_1004 : vector<16x1xi32> to vector<16xi32>
        %gather3A_1006 = tpu.dynamic_gather %select_n3A_643[%gather3A_1005] in [0] : vector<16xi32>, vector<16xi32> -> vector<16xi32>
        %broadcast_in_dim3A_1007 = arith.constant 15 : i32
        %broadcast_in_dim3A_1008 = vector.broadcast %broadcast_in_dim3A_1007 : i32 to vector<16xi32>
        %broadcast_in_dim3A_1009 = vector.shape_cast %broadcast_in_dim3A_1008 : vector<16xi32> to vector<16x1xi32>
        %gather3A_1010 = vector.shape_cast %broadcast_in_dim3A_1009 : vector<16x1xi32> to vector<16xi32>
        %gather3A_1011 = tpu.dynamic_gather %select_n3A_788[%gather3A_1010] in [0] : vector<16xf32>, vector<16xi32> -> vector<16xf32>
        scf.yield %gather3A_1006, %gather3A_1011 : vector<16xi32>, vector<16xf32>
      }
      %while3A_602 = arith.constant 1 : i32
      %while3A_603:2 = scf.for %while3A_604 = %while3A_599 to %while3A_595 step %while3A_602 iter_args(%while3A_605 = %while3A_601#0, %while3A_606 = %while3A_601#1) -> (vector<16xi32>, vector<16xf32>)  : i32 {
        %mul3A_607 = arith.constant 2048 : i32
        %mul3A_608 = arith.muli %while3A_523, %mul3A_607 : i32
        %add3A_609 = arith.addi %and3A_279, %mul3A_608 : i32
        %mul3A_610 = arith.constant 16 : i32
        %mul3A_611 = arith.muli %while3A_604, %mul3A_610 : i32
        %add3A_612 = arith.addi %add3A_609, %mul3A_611 : i32
        %sub3A_613 = arith.subi %add3A_612, %sub3A_586 : i32
        %add3A_614 = vector.broadcast %add3A_612 : i32 to vector<16xi32>
        %add3A_615 = arith.addi %add3A_614, %iota3A : vector<16xi32>
        %get3A_616 = arith.index_cast %sub3A_613 : i32 to index
        %get3A_617 = tpu.vector_load %arg17[%get3A_616] {strides = array<i32>} : memref<4096xf32, #tpu.memory_space<vmem>>, vector<16xf32>,
        %get3A_618 = arith.index_cast %sub3A_613 : i32 to index
        %get3A_619 = tpu.vector_load %arg18[%get3A_618] {strides = array<i32>} : memref<4096xf32, #tpu.memory_space<vmem>>, vector<16xf32>,
        %get3A_620 = arith.index_cast %sub3A_613 : i32 to index
        %get3A_621 = tpu.vector_load %arg19[%get3A_620] {strides = array<i32>} : memref<4096xi32, #tpu.memory_space<vmem>>, vector<16xi32>,
        %get3A_622 = arith.index_cast %sub3A_613 : i32 to index
        %get3A_623 = tpu.vector_load %arg20[%get3A_622] {strides = array<i32>} : memref<4096xf32, #tpu.memory_space<vmem>>, vector<16xf32>,
        %get3A_624 = arith.index_cast %sub3A_613 : i32 to index
        %get3A_625 = tpu.vector_load %arg21[%get3A_624] {strides = array<i32>} : memref<4096xf32, #tpu.memory_space<vmem>>, vector<16xf32>,
        %get3A_626 = arith.index_cast %sub3A_613 : i32 to index
        %get3A_627 = tpu.vector_load %arg22[%get3A_626] {strides = array<i32>} : memref<4096xf32, #tpu.memory_space<vmem>>, vector<16xf32>,
        %get3A_628 = arith.index_cast %sub3A_613 : i32 to index
        %get3A_629 = tpu.vector_load %arg23[%get3A_628] {strides = array<i32>} : memref<4096xf32, #tpu.memory_space<vmem>>, vector<16xf32>,
        %get3A_630 = arith.index_cast %sub3A_613 : i32 to index
        %get3A_631 = tpu.vector_load %arg24[%get3A_630] {strides = array<i32>} : memref<4096xf32, #tpu.memory_space<vmem>>, vector<16xf32>,
        %get3A_632 = arith.index_cast %sub3A_613 : i32 to index
        %get3A_633 = tpu.vector_load %arg25[%get3A_632] {strides = array<i32>} : memref<4096xf32, #tpu.memory_space<vmem>>, vector<16xf32>,
        %ge3A = vector.broadcast %reduce_min3A_9 : i32 to vector<16xi32>
        %ge3A_634 = arith.cmpi sge, %add3A_615, %ge3A : vector<16xi32>
        %lt3A_635 = vector.broadcast %reduce_min3A_21 : i32 to vector<16xi32>
        %lt3A_636 = arith.cmpi slt, %add3A_615, %lt3A_635 : vector<16xi32>
        %and3A_637 = arith.andi %ge3A_634, %lt3A_636 : vector<16xi1>
        %jit3A_638 = arith.constant 0.000000e+00 : f32
        %broadcast_in_dim3A_639 = vector.broadcast %jit3A_638 : f32 to vector<16xf32>
        %select_n3A_640 = arith.select %and3A_637, %get3A_617, %broadcast_in_dim3A_639 : vector<16xi1>, vector<16xf32>
        %jit3A_641 = arith.constant -2 : i32
        %broadcast_in_dim3A_642 = vector.broadcast %jit3A_641 : i32 to vector<16xi32>
        %select_n3A_643 = arith.select %and3A_637, %get3A_621, %broadcast_in_dim3A_642 : vector<16xi1>, vector<16xi32>
        %sub3A_644 = arith.constant 1.000000e+00 : f32
        %sub3A_645 = vector.broadcast %sub3A_644 : f32 to vector<16xf32>
        %sub3A_646 = arith.subf %sub3A_645, %select_n3A_640 : vector<16xf32>
        %jit3A_647 = arith.constant 1.000000e-10 : f32
        %jit3A_648 = arith.constant 1.000000e+00 : f32
        %max3A_649 = vector.broadcast %jit3A_647 : f32 to vector<16xf32>
        %max3A_650 = arith.maximumf %max3A_649, %sub3A_646 : vector<16xf32>
        %min3A_651 = vector.broadcast %jit3A_648 : f32 to vector<16xf32>
        %min3A_652 = arith.minimumf %min3A_651, %max3A_650 : vector<16xf32>
        %sub3A_653 = arith.constant 1 : i32
        %sub3A_654 = vector.broadcast %sub3A_653 : i32 to vector<16xi32>
        %sub3A_655 = arith.subi %iota3A, %sub3A_654 : vector<16xi32>
        %max3A_656 = arith.constant 0 : i32
        %max3A_657 = vector.broadcast %max3A_656 : i32 to vector<16xi32>
        %max3A_658 = arith.maxsi %sub3A_655, %max3A_657 : vector<16xi32>
        %broadcast_in_dim3A_659 = vector.shape_cast %max3A_658 : vector<16xi32> to vector<16x1xi32>
        %gather3A_660 = vector.shape_cast %broadcast_in_dim3A_659 : vector<16x1xi32> to vector<16xi32>
        %gather3A_661 = tpu.dynamic_gather %select_n3A_643[%gather3A_660] in [0] : vector<16xi32>, vector<16xi32> -> vector<16xi32>
        %lt3A_662 = arith.constant 1 : i32
        %lt3A_663 = vector.broadcast %lt3A_662 : i32 to vector<16xi32>
        %lt3A_664 = arith.cmpi slt, %iota3A, %lt3A_663 : vector<16xi32>
        %select_n3A_665 = arith.select %lt3A_664, %while3A_605, %gather3A_661 : vector<16xi1>, vector<16xi32>
        %sub3A_666 = arith.constant 1 : i32
        %sub3A_667 = vector.broadcast %sub3A_666 : i32 to vector<16xi32>
        %sub3A_668 = arith.subi %iota3A, %sub3A_667 : vector<16xi32>
        %max3A_669 = arith.constant 0 : i32
        %max3A_670 = vector.broadcast %max3A_669 : i32 to vector<16xi32>
        %max3A_671 = arith.maxsi %sub3A_668, %max3A_670 : vector<16xi32>
        %broadcast_in_dim3A_672 = vector.shape_cast %max3A_671 : vector<16xi32> to vector<16x1xi32>
        %gather3A_673 = vector.shape_cast %broadcast_in_dim3A_672 : vector<16x1xi32> to vector<16xi32>
        %gather3A_674 = tpu.dynamic_gather %min3A_652[%gather3A_673] in [0] : vector<16xf32>, vector<16xi32> -> vector<16xf32>
        %lt3A_675 = arith.constant 1 : i32
        %lt3A_676 = vector.broadcast %lt3A_675 : i32 to vector<16xi32>
        %lt3A_677 = arith.cmpi slt, %iota3A, %lt3A_676 : vector<16xi32>
        %jit3A_678 = arith.constant 1.000000e+00 : f32
        %broadcast_in_dim3A_679 = vector.broadcast %jit3A_678 : f32 to vector<16xf32>
        %select_n3A_680 = arith.select %lt3A_677, %broadcast_in_dim3A_679, %gather3A_674 : vector<16xi1>, vector<16xf32>
        %eq3A = arith.cmpi eq, %select_n3A_643, %select_n3A_665 : vector<16xi32>
        %ge3A_681 = arith.constant 1 : i32
        %ge3A_682 = vector.broadcast %ge3A_681 : i32 to vector<16xi32>
        %ge3A_683 = arith.cmpi sge, %iota3A, %ge3A_682 : vector<16xi32>
        %and3A_684 = arith.andi %eq3A, %ge3A_683 : vector<16xi1>
        %mul3A_685 = arith.mulf %min3A_652, %select_n3A_680 : vector<16xf32>
        %select_n3A_686 = arith.select %and3A_684, %mul3A_685, %min3A_652 : vector<16xi1>, vector<16xf32>
        %sub3A_687 = arith.constant 2 : i32
        %sub3A_688 = vector.broadcast %sub3A_687 : i32 to vector<16xi32>
        %sub3A_689 = arith.subi %iota3A, %sub3A_688 : vector<16xi32>
        %max3A_690 = arith.constant 0 : i32
        %max3A_691 = vector.broadcast %max3A_690 : i32 to vector<16xi32>
        %max3A_692 = arith.maxsi %sub3A_689, %max3A_691 : vector<16xi32>
        %broadcast_in_dim3A_693 = vector.shape_cast %max3A_692 : vector<16xi32> to vector<16x1xi32>
        %gather3A_694 = vector.shape_cast %broadcast_in_dim3A_693 : vector<16x1xi32> to vector<16xi32>
        %gather3A_695 = tpu.dynamic_gather %select_n3A_686[%gather3A_694] in [0] : vector<16xf32>, vector<16xi32> -> vector<16xf32>
        %lt3A_696 = arith.constant 2 : i32
        %lt3A_697 = vector.broadcast %lt3A_696 : i32 to vector<16xi32>
        %lt3A_698 = arith.cmpi slt, %iota3A, %lt3A_697 : vector<16xi32>
        %jit3A_699 = arith.constant 1.000000e+00 : f32
        %broadcast_in_dim3A_700 = vector.broadcast %jit3A_699 : f32 to vector<16xf32>
        %select_n3A_701 = arith.select %lt3A_698, %broadcast_in_dim3A_700, %gather3A_695 : vector<16xi1>, vector<16xf32>
        %sub3A_702 = arith.constant 2 : i32
        %sub3A_703 = vector.broadcast %sub3A_702 : i32 to vector<16xi32>
        %sub3A_704 = arith.subi %iota3A, %sub3A_703 : vector<16xi32>
        %max3A_705 = arith.constant 0 : i32
        %max3A_706 = vector.broadcast %max3A_705 : i32 to vector<16xi32>
        %max3A_707 = arith.maxsi %sub3A_704, %max3A_706 : vector<16xi32>
        %broadcast_in_dim3A_708 = vector.shape_cast %max3A_707 : vector<16xi32> to vector<16x1xi32>
        %gather3A_709 = vector.shape_cast %broadcast_in_dim3A_708 : vector<16x1xi32> to vector<16xi32>
        %gather3A_710 = tpu.dynamic_gather %select_n3A_643[%gather3A_709] in [0] : vector<16xi32>, vector<16xi32> -> vector<16xi32>
        %lt3A_711 = arith.constant 2 : i32
        %lt3A_712 = vector.broadcast %lt3A_711 : i32 to vector<16xi32>
        %lt3A_713 = arith.cmpi slt, %iota3A, %lt3A_712 : vector<16xi32>
        %jit3A_714 = arith.constant -3 : i32
        %broadcast_in_dim3A_715 = vector.broadcast %jit3A_714 : i32 to vector<16xi32>
        %select_n3A_716 = arith.select %lt3A_713, %broadcast_in_dim3A_715, %gather3A_710 : vector<16xi1>, vector<16xi32>
        %eq3A_717 = arith.cmpi eq, %select_n3A_643, %select_n3A_716 : vector<16xi32>
        %mul3A_718 = arith.mulf %select_n3A_686, %select_n3A_701 : vector<16xf32>
        %select_n3A_719 = arith.select %eq3A_717, %mul3A_718, %select_n3A_686 : vector<16xi1>, vector<16xf32>
        %sub3A_720 = arith.constant 4 : i32
        %sub3A_721 = vector.broadcast %sub3A_720 : i32 to vector<16xi32>
        %sub3A_722 = arith.subi %iota3A, %sub3A_721 : vector<16xi32>
        %max3A_723 = arith.constant 0 : i32
        %max3A_724 = vector.broadcast %max3A_723 : i32 to vector<16xi32>
        %max3A_725 = arith.maxsi %sub3A_722, %max3A_724 : vector<16xi32>
        %broadcast_in_dim3A_726 = vector.shape_cast %max3A_725 : vector<16xi32> to vector<16x1xi32>
        %gather3A_727 = vector.shape_cast %broadcast_in_dim3A_726 : vector<16x1xi32> to vector<16xi32>
        %gather3A_728 = tpu.dynamic_gather %select_n3A_719[%gather3A_727] in [0] : vector<16xf32>, vector<16xi32> -> vector<16xf32>
        %lt3A_729 = arith.constant 4 : i32
        %lt3A_730 = vector.broadcast %lt3A_729 : i32 to vector<16xi32>
        %lt3A_731 = arith.cmpi slt, %iota3A, %lt3A_730 : vector<16xi32>
        %jit3A_732 = arith.constant 1.000000e+00 : f32
        %broadcast_in_dim3A_733 = vector.broadcast %jit3A_732 : f32 to vector<16xf32>
        %select_n3A_734 = arith.select %lt3A_731, %broadcast_in_dim3A_733, %gather3A_728 : vector<16xi1>, vector<16xf32>
        %sub3A_735 = arith.constant 4 : i32
        %sub3A_736 = vector.broadcast %sub3A_735 : i32 to vector<16xi32>
        %sub3A_737 = arith.subi %iota3A, %sub3A_736 : vector<16xi32>
        %max3A_738 = arith.constant 0 : i32
        %max3A_739 = vector.broadcast %max3A_738 : i32 to vector<16xi32>
        %max3A_740 = arith.maxsi %sub3A_737, %max3A_739 : vector<16xi32>
        %broadcast_in_dim3A_741 = vector.shape_cast %max3A_740 : vector<16xi32> to vector<16x1xi32>
        %gather3A_742 = vector.shape_cast %broadcast_in_dim3A_741 : vector<16x1xi32> to vector<16xi32>
        %gather3A_743 = tpu.dynamic_gather %select_n3A_643[%gather3A_742] in [0] : vector<16xi32>, vector<16xi32> -> vector<16xi32>
        %lt3A_744 = arith.constant 4 : i32
        %lt3A_745 = vector.broadcast %lt3A_744 : i32 to vector<16xi32>
        %lt3A_746 = arith.cmpi slt, %iota3A, %lt3A_745 : vector<16xi32>
        %jit3A_747 = arith.constant -3 : i32
        %broadcast_in_dim3A_748 = vector.broadcast %jit3A_747 : i32 to vector<16xi32>
        %select_n3A_749 = arith.select %lt3A_746, %broadcast_in_dim3A_748, %gather3A_743 : vector<16xi1>, vector<16xi32>
        %eq3A_750 = arith.cmpi eq, %select_n3A_643, %select_n3A_749 : vector<16xi32>
        %mul3A_751 = arith.mulf %select_n3A_719, %select_n3A_734 : vector<16xf32>
        %select_n3A_752 = arith.select %eq3A_750, %mul3A_751, %select_n3A_719 : vector<16xi1>, vector<16xf32>
        %sub3A_753 = arith.constant 8 : i32
        %sub3A_754 = vector.broadcast %sub3A_753 : i32 to vector<16xi32>
        %sub3A_755 = arith.subi %iota3A, %sub3A_754 : vector<16xi32>
        %max3A_756 = arith.constant 0 : i32
        %max3A_757 = vector.broadcast %max3A_756 : i32 to vector<16xi32>
        %max3A_758 = arith.maxsi %sub3A_755, %max3A_757 : vector<16xi32>
        %broadcast_in_dim3A_759 = vector.shape_cast %max3A_758 : vector<16xi32> to vector<16x1xi32>
        %gather3A_760 = vector.shape_cast %broadcast_in_dim3A_759 : vector<16x1xi32> to vector<16xi32>
        %gather3A_761 = tpu.dynamic_gather %select_n3A_752[%gather3A_760] in [0] : vector<16xf32>, vector<16xi32> -> vector<16xf32>
        %lt3A_762 = arith.constant 8 : i32
        %lt3A_763 = vector.broadcast %lt3A_762 : i32 to vector<16xi32>
        %lt3A_764 = arith.cmpi slt, %iota3A, %lt3A_763 : vector<16xi32>
        %jit3A_765 = arith.constant 1.000000e+00 : f32
        %broadcast_in_dim3A_766 = vector.broadcast %jit3A_765 : f32 to vector<16xf32>
        %select_n3A_767 = arith.select %lt3A_764, %broadcast_in_dim3A_766, %gather3A_761 : vector<16xi1>, vector<16xf32>
        %sub3A_768 = arith.constant 8 : i32
        %sub3A_769 = vector.broadcast %sub3A_768 : i32 to vector<16xi32>
        %sub3A_770 = arith.subi %iota3A, %sub3A_769 : vector<16xi32>
        %max3A_771 = arith.constant 0 : i32
        %max3A_772 = vector.broadcast %max3A_771 : i32 to vector<16xi32>
        %max3A_773 = arith.maxsi %sub3A_770, %max3A_772 : vector<16xi32>
        %broadcast_in_dim3A_774 = vector.shape_cast %max3A_773 : vector<16xi32> to vector<16x1xi32>
        %gather3A_775 = vector.shape_cast %broadcast_in_dim3A_774 : vector<16x1xi32> to vector<16xi32>
        %gather3A_776 = tpu.dynamic_gather %select_n3A_643[%gather3A_775] in [0] : vector<16xi32>, vector<16xi32> -> vector<16xi32>
        %lt3A_777 = arith.constant 8 : i32
        %lt3A_778 = vector.broadcast %lt3A_777 : i32 to vector<16xi32>
        %lt3A_779 = arith.cmpi slt, %iota3A, %lt3A_778 : vector<16xi32>
        %jit3A_780 = arith.constant -3 : i32
        %broadcast_in_dim3A_781 = vector.broadcast %jit3A_780 : i32 to vector<16xi32>
        %select_n3A_782 = arith.select %lt3A_779, %broadcast_in_dim3A_781, %gather3A_776 : vector<16xi1>, vector<16xi32>
        %eq3A_783 = arith.cmpi eq, %select_n3A_643, %select_n3A_782 : vector<16xi32>
        %mul3A_784 = arith.mulf %select_n3A_752, %select_n3A_767 : vector<16xf32>
        %select_n3A_785 = arith.select %eq3A_783, %mul3A_784, %select_n3A_752 : vector<16xi1>, vector<16xf32>
        %eq3A_786 = arith.cmpi eq, %select_n3A_643, %while3A_605 : vector<16xi32>
        %mul3A_787 = arith.mulf %select_n3A_785, %while3A_606 : vector<16xf32>
        %select_n3A_788 = arith.select %eq3A_786, %mul3A_787, %select_n3A_785 : vector<16xi1>, vector<16xf32>
        %sub3A_789 = arith.constant 1 : i32
        %sub3A_790 = vector.broadcast %sub3A_789 : i32 to vector<16xi32>
        %sub3A_791 = arith.subi %iota3A, %sub3A_790 : vector<16xi32>
        %max3A_792 = arith.constant 0 : i32
        %max3A_793 = vector.broadcast %max3A_792 : i32 to vector<16xi32>
        %max3A_794 = arith.maxsi %sub3A_791, %max3A_793 : vector<16xi32>
        %broadcast_in_dim3A_795 = vector.shape_cast %max3A_794 : vector<16xi32> to vector<16x1xi32>
        %gather3A_796 = vector.shape_cast %broadcast_in_dim3A_795 : vector<16x1xi32> to vector<16xi32>
        %gather3A_797 = tpu.dynamic_gather %select_n3A_788[%gather3A_796] in [0] : vector<16xf32>, vector<16xi32> -> vector<16xf32>
        %lt3A_798 = arith.constant 1 : i32
        %lt3A_799 = vector.broadcast %lt3A_798 : i32 to vector<16xi32>
        %lt3A_800 = arith.cmpi slt, %iota3A, %lt3A_799 : vector<16xi32>
        %select_n3A_801 = arith.select %lt3A_800, %while3A_606, %gather3A_797 : vector<16xi1>, vector<16xf32>
        %eq3A_802 = arith.cmpi eq, %select_n3A_665, %select_n3A_643 : vector<16xi32>
        %jit3A_803 = arith.constant 1.000000e+00 : f32
        %broadcast_in_dim3A_804 = vector.broadcast %jit3A_803 : f32 to vector<16xf32>
        %select_n3A_805 = arith.select %eq3A_802, %select_n3A_801, %broadcast_in_dim3A_804 : vector<16xi1>, vector<16xf32>
        %mul3A_806 = arith.mulf %select_n3A_640, %select_n3A_805 : vector<16xf32>
        %jit3A_807 = arith.constant -1.000000e+00 : f32
        %jit3A_808 = arith.constant 1.000000e+00 : f32
        %max3A_809 = vector.broadcast %jit3A_807 : f32 to vector<16xf32>
        %max3A_810 = arith.maximumf %max3A_809, %get3A_629 : vector<16xf32>
        %min3A_811 = vector.broadcast %jit3A_808 : f32 to vector<16xf32>
        %min3A_812 = arith.minimumf %min3A_811, %max3A_810 : vector<16xf32>
        %jit3A_813 = arith.constant -1.000000e+00 : f32
        %jit3A_814 = arith.constant 1.000000e+00 : f32
        %max3A_815 = vector.broadcast %jit3A_813 : f32 to vector<16xf32>
        %max3A_816 = arith.maximumf %max3A_815, %get3A_631 : vector<16xf32>
        %min3A_817 = vector.broadcast %jit3A_814 : f32 to vector<16xf32>
        %min3A_818 = arith.minimumf %min3A_817, %max3A_816 : vector<16xf32>
        %jit3A_819 = arith.constant -1.000000e+00 : f32
        %jit3A_820 = arith.constant 1.000000e+00 : f32
        %max3A_821 = vector.broadcast %jit3A_819 : f32 to vector<16xf32>
        %max3A_822 = arith.maximumf %max3A_821, %get3A_633 : vector<16xf32>
        %min3A_823 = vector.broadcast %jit3A_820 : f32 to vector<16xf32>
        %min3A_824 = arith.minimumf %min3A_823, %max3A_822 : vector<16xf32>
        %mul3A_825 = arith.mulf %min3A_812, %min3A_812 : vector<16xf32>
        %mul3A_826 = arith.mulf %min3A_818, %min3A_818 : vector<16xf32>
        %add3A_827 = arith.addf %mul3A_825, %mul3A_826 : vector<16xf32>
        %mul3A_828 = arith.mulf %min3A_824, %min3A_824 : vector<16xf32>
        %add3A_829 = arith.addf %add3A_827, %mul3A_828 : vector<16xf32>
        %max3A_830 = arith.constant 1.000000e-24 : f32
        %max3A_831 = vector.broadcast %max3A_830 : f32 to vector<16xf32>
        %max3A_832 = arith.maximumf %add3A_829, %max3A_831 : vector<16xf32>
        %bitcast_convert_type3A = tpu.bitcast %max3A_832 : vector<16xf32> -> vector<16xi32>
        %shift_right_arithmetic3A_833 = arith.constant 1 : i32
        %shift_right_arithmetic3A_834 = vector.broadcast %shift_right_arithmetic3A_833 : i32 to vector<16xi32>
        %shift_right_arithmetic3A_835 = arith.shrsi %bitcast_convert_type3A, %shift_right_arithmetic3A_834 : vector<16xi32>
        %sub3A_836 = arith.constant 1597463007 : i32
        %sub3A_837 = vector.broadcast %sub3A_836 : i32 to vector<16xi32>
        %sub3A_838 = arith.subi %sub3A_837, %shift_right_arithmetic3A_835 : vector<16xi32>
        %bitcast_convert_type3A_839 = tpu.bitcast %sub3A_838 : vector<16xi32> -> vector<16xf32>
        %mul3A_840 = arith.constant 5.000000e-01 : f32
        %mul3A_841 = vector.broadcast %mul3A_840 : f32 to vector<16xf32>
        %mul3A_842 = arith.mulf %mul3A_841, %max3A_832 : vector<16xf32>
        %mul3A_843 = arith.mulf %mul3A_842, %bitcast_convert_type3A_839 : vector<16xf32>
        %mul3A_844 = arith.mulf %mul3A_843, %bitcast_convert_type3A_839 : vector<16xf32>
        %sub3A_845 = arith.constant 1.500000e+00 : f32
        %sub3A_846 = vector.broadcast %sub3A_845 : f32 to vector<16xf32>
        %sub3A_847 = arith.subf %sub3A_846, %mul3A_844 : vector<16xf32>
        %mul3A_848 = arith.mulf %bitcast_convert_type3A_839, %sub3A_847 : vector<16xf32>
        %mul3A_849 = arith.constant 5.000000e-01 : f32
        %mul3A_850 = vector.broadcast %mul3A_849 : f32 to vector<16xf32>
        %mul3A_851 = arith.mulf %mul3A_850, %max3A_832 : vector<16xf32>
        %mul3A_852 = arith.mulf %mul3A_851, %mul3A_848 : vector<16xf32>
        %mul3A_853 = arith.mulf %mul3A_852, %mul3A_848 : vector<16xf32>
        %sub3A_854 = arith.constant 1.500000e+00 : f32
        %sub3A_855 = vector.broadcast %sub3A_854 : f32 to vector<16xf32>
        %sub3A_856 = arith.subf %sub3A_855, %mul3A_853 : vector<16xf32>
        %mul3A_857 = arith.mulf %mul3A_848, %sub3A_856 : vector<16xf32>
        %add3A_858 = arith.constant 1 : i32
        %add3A_859 = vector.broadcast %add3A_858 : i32 to vector<16xi32>
        %add3A_860 = arith.addi %iota3A, %add3A_859 : vector<16xi32>
        %min3A_861 = arith.constant 15 : i32
        %min3A_862 = vector.broadcast %min3A_861 : i32 to vector<16xi32>
        %min3A_863 = arith.minsi %add3A_860, %min3A_862 : vector<16xi32>
        %broadcast_in_dim3A_864 = vector.shape_cast %min3A_863 : vector<16xi32> to vector<16x1xi32>
        %gather3A_865 = vector.shape_cast %broadcast_in_dim3A_864 : vector<16x1xi32> to vector<16xi32>
        %gather3A_866 = tpu.dynamic_gather %select_n3A_643[%gather3A_865] in [0] : vector<16xi32>, vector<16xi32> -> vector<16xi32>
        %eq3A_867 = arith.constant 15 : i32
        %eq3A_868 = vector.broadcast %eq3A_867 : i32 to vector<16xi32>
        %eq3A_869 = arith.cmpi eq, %iota3A, %eq3A_868 : vector<16xi32>
        %jit3A_870 = arith.constant -9 : i32
        %broadcast_in_dim3A_871 = vector.broadcast %jit3A_870 : i32 to vector<16xi32>
        %select_n3A_872 = arith.select %eq3A_869, %broadcast_in_dim3A_871, %gather3A_866 : vector<16xi1>, vector<16xi32>
        %ne3A_873 = arith.cmpi ne, %select_n3A_643, %select_n3A_872 : vector<16xi32>
        %ne3A_874 = arith.cmpi ne, %select_n3A_643, %select_n3A_665 : vector<16xi32>
        %jit3A_875 = arith.constant 0 : i32
        %broadcast_in_dim3A_876 = vector.broadcast %jit3A_875 : i32 to vector<16xi32>
        %select_n3A_877 = arith.select %ne3A_874, %iota3A, %broadcast_in_dim3A_876 : vector<16xi1>, vector<16xi32>
        %broadcast_in_dim3A_878 = arith.constant true
        %broadcast_in_dim3A_879 = vector.broadcast %broadcast_in_dim3A_878 : i1 to vector<16xi1>
        %masked_cummax3A = arith.constant -2147483648 : i32
        %masked_cummax3A_880 = vector.broadcast %masked_cummax3A : i32 to vector<16xi32>
        %masked_cummax3A_881 = arith.xori %select_n3A_877, %masked_cummax3A_880 : vector<16xi32>
        %masked_cummax3A_882 = tpu.scan <max>, %masked_cummax3A_881 masked %broadcast_in_dim3A_879 : vector<16xi32>, vector<16xi1> -> vector<16xi32>
        %masked_cummax3A_883 = arith.xori %masked_cummax3A_882, %masked_cummax3A_880 : vector<16xi32>
        %sub3A_884 = arith.constant 1 : i32
        %sub3A_885 = vector.broadcast %sub3A_884 : i32 to vector<16xi32>
        %sub3A_886 = arith.subi %masked_cummax3A_883, %sub3A_885 : vector<16xi32>
        %max3A_887 = arith.constant 0 : i32
        %max3A_888 = vector.broadcast %max3A_887 : i32 to vector<16xi32>
        %max3A_889 = arith.maxsi %sub3A_886, %max3A_888 : vector<16xi32>
        %gt3A = arith.constant 0 : i32
        %gt3A_890 = vector.broadcast %gt3A : i32 to vector<16xi32>
        %gt3A_891 = arith.cmpi sgt, %masked_cummax3A_883, %gt3A_890 : vector<16xi32>
        %sub3A_892 = vector.broadcast %multiple_of3A : i32 to vector<16xi32>
        %sub3A_893 = arith.subi %select_n3A_643, %sub3A_892 : vector<16xi32>
        %max3A_894 = arith.constant 0 : i32
        %max3A_895 = vector.broadcast %max3A_894 : i32 to vector<16xi32>
        %max3A_896 = arith.maxsi %sub3A_893, %max3A_895 : vector<16xi32>
        %ge3A_897 = vector.broadcast %multiple_of3A : i32 to vector<16xi32>
        %ge3A_898 = arith.cmpi sge, %select_n3A_643, %ge3A_897 : vector<16xi32>
        %and3A_899 = arith.andi %ne3A_873, %ge3A_898 : vector<16xi1>
        %mul3A_900 = arith.constant 3 : i32
        %mul3A_901 = vector.broadcast %mul3A_900 : i32 to vector<16xi32>
        %mul3A_902 = arith.muli %max3A_896, %mul3A_901 : vector<16xi32>
        %broadcast_in_dim3A_903 = arith.constant true
        %broadcast_in_dim3A_904 = vector.broadcast %broadcast_in_dim3A_903 : i1 to vector<16xi1>
        %masked_cumsum3A = tpu.scan <sum>, %mul3A_806 masked %broadcast_in_dim3A_904 : vector<16xf32>, vector<16xi1> -> vector<16xf32>
        %broadcast_in_dim3A_905 = vector.shape_cast %max3A_889 : vector<16xi32> to vector<16x1xi32>
        %gather3A_906 = vector.shape_cast %broadcast_in_dim3A_905 : vector<16x1xi32> to vector<16xi32>
        %gather3A_907 = tpu.dynamic_gather %masked_cumsum3A[%gather3A_906] in [0] : vector<16xf32>, vector<16xi32> -> vector<16xf32>
        %jit3A_908 = arith.constant 0.000000e+00 : f32
        %broadcast_in_dim3A_909 = vector.broadcast %jit3A_908 : f32 to vector<16xf32>
        %select_n3A_910 = arith.select %gt3A_891, %gather3A_907, %broadcast_in_dim3A_909 : vector<16xi1>, vector<16xf32>
        %sub3A_911 = arith.subf %masked_cumsum3A, %select_n3A_910 : vector<16xf32>
        tpu.vector_store_idx %arg26[%max3A_896], %sub3A_911 masked %and3A_899 {add = true} : memref<256xf32, #tpu.memory_space<vmem>>[vector<16xi32>], vector<16xf32>, vector<16xi1>
        %mul3A_912 = arith.mulf %mul3A_806, %get3A_619 : vector<16xf32>
        %broadcast_in_dim3A_913 = arith.constant true
        %broadcast_in_dim3A_914 = vector.broadcast %broadcast_in_dim3A_913 : i1 to vector<16xi1>
        %masked_cumsum3A_915 = tpu.scan <sum>, %mul3A_912 masked %broadcast_in_dim3A_914 : vector<16xf32>, vector<16xi1> -> vector<16xf32>
        %broadcast_in_dim3A_916 = vector.shape_cast %max3A_889 : vector<16xi32> to vector<16x1xi32>
        %gather3A_917 = vector.shape_cast %broadcast_in_dim3A_916 : vector<16x1xi32> to vector<16xi32>
        %gather3A_918 = tpu.dynamic_gather %masked_cumsum3A_915[%gather3A_917] in [0] : vector<16xf32>, vector<16xi32> -> vector<16xf32>
        %jit3A_919 = arith.constant 0.000000e+00 : f32
        %broadcast_in_dim3A_920 = vector.broadcast %jit3A_919 : f32 to vector<16xf32>
        %select_n3A_921 = arith.select %gt3A_891, %gather3A_918, %broadcast_in_dim3A_920 : vector<16xi1>, vector<16xf32>
        %sub3A_922 = arith.subf %masked_cumsum3A_915, %select_n3A_921 : vector<16xf32>
        tpu.vector_store_idx %arg27[%max3A_896], %sub3A_922 masked %and3A_899 {add = true} : memref<256xf32, #tpu.memory_space<vmem>>[vector<16xi32>], vector<16xf32>, vector<16xi1>
        %mul3A_923 = arith.mulf %mul3A_806, %get3A_623 : vector<16xf32>
        %broadcast_in_dim3A_924 = arith.constant true
        %broadcast_in_dim3A_925 = vector.broadcast %broadcast_in_dim3A_924 : i1 to vector<16xi1>
        %masked_cumsum3A_926 = tpu.scan <sum>, %mul3A_923 masked %broadcast_in_dim3A_925 : vector<16xf32>, vector<16xi1> -> vector<16xf32>
        %broadcast_in_dim3A_927 = vector.shape_cast %max3A_889 : vector<16xi32> to vector<16x1xi32>
        %gather3A_928 = vector.shape_cast %broadcast_in_dim3A_927 : vector<16x1xi32> to vector<16xi32>
        %gather3A_929 = tpu.dynamic_gather %masked_cumsum3A_926[%gather3A_928] in [0] : vector<16xf32>, vector<16xi32> -> vector<16xf32>
        %jit3A_930 = arith.constant 0.000000e+00 : f32
        %broadcast_in_dim3A_931 = vector.broadcast %jit3A_930 : f32 to vector<16xf32>
        %select_n3A_932 = arith.select %gt3A_891, %gather3A_929, %broadcast_in_dim3A_931 : vector<16xi1>, vector<16xf32>
        %sub3A_933 = arith.subf %masked_cumsum3A_926, %select_n3A_932 : vector<16xf32>
        tpu.vector_store_idx %arg28[%mul3A_902], %sub3A_933 masked %and3A_899 {add = true} : memref<768xf32, #tpu.memory_space<vmem>>[vector<16xi32>], vector<16xf32>, vector<16xi1>
        %add3A_934 = arith.constant 1 : i32
        %add3A_935 = vector.broadcast %add3A_934 : i32 to vector<16xi32>
        %add3A_936 = arith.addi %mul3A_902, %add3A_935 : vector<16xi32>
        %mul3A_937 = arith.mulf %mul3A_806, %get3A_625 : vector<16xf32>
        %broadcast_in_dim3A_938 = arith.constant true
        %broadcast_in_dim3A_939 = vector.broadcast %broadcast_in_dim3A_938 : i1 to vector<16xi1>
        %masked_cumsum3A_940 = tpu.scan <sum>, %mul3A_937 masked %broadcast_in_dim3A_939 : vector<16xf32>, vector<16xi1> -> vector<16xf32>
        %broadcast_in_dim3A_941 = vector.shape_cast %max3A_889 : vector<16xi32> to vector<16x1xi32>
        %gather3A_942 = vector.shape_cast %broadcast_in_dim3A_941 : vector<16x1xi32> to vector<16xi32>
        %gather3A_943 = tpu.dynamic_gather %masked_cumsum3A_940[%gather3A_942] in [0] : vector<16xf32>, vector<16xi32> -> vector<16xf32>
        %jit3A_944 = arith.constant 0.000000e+00 : f32
        %broadcast_in_dim3A_945 = vector.broadcast %jit3A_944 : f32 to vector<16xf32>
        %select_n3A_946 = arith.select %gt3A_891, %gather3A_943, %broadcast_in_dim3A_945 : vector<16xi1>, vector<16xf32>
        %sub3A_947 = arith.subf %masked_cumsum3A_940, %select_n3A_946 : vector<16xf32>
        tpu.vector_store_idx %arg28[%add3A_936], %sub3A_947 masked %and3A_899 {add = true} : memref<768xf32, #tpu.memory_space<vmem>>[vector<16xi32>], vector<16xf32>, vector<16xi1>
        %add3A_948 = arith.constant 2 : i32
        %add3A_949 = vector.broadcast %add3A_948 : i32 to vector<16xi32>
        %add3A_950 = arith.addi %mul3A_902, %add3A_949 : vector<16xi32>
        %mul3A_951 = arith.mulf %mul3A_806, %get3A_627 : vector<16xf32>
        %broadcast_in_dim3A_952 = arith.constant true
        %broadcast_in_dim3A_953 = vector.broadcast %broadcast_in_dim3A_952 : i1 to vector<16xi1>
        %masked_cumsum3A_954 = tpu.scan <sum>, %mul3A_951 masked %broadcast_in_dim3A_953 : vector<16xf32>, vector<16xi1> -> vector<16xf32>
        %broadcast_in_dim3A_955 = vector.shape_cast %max3A_889 : vector<16xi32> to vector<16x1xi32>
        %gather3A_956 = vector.shape_cast %broadcast_in_dim3A_955 : vector<16x1xi32> to vector<16xi32>
        %gather3A_957 = tpu.dynamic_gather %masked_cumsum3A_954[%gather3A_956] in [0] : vector<16xf32>, vector<16xi32> -> vector<16xf32>
        %jit3A_958 = arith.constant 0.000000e+00 : f32
        %broadcast_in_dim3A_959 = vector.broadcast %jit3A_958 : f32 to vector<16xf32>
        %select_n3A_960 = arith.select %gt3A_891, %gather3A_957, %broadcast_in_dim3A_959 : vector<16xi1>, vector<16xf32>
        %sub3A_961 = arith.subf %masked_cumsum3A_954, %select_n3A_960 : vector<16xf32>
        tpu.vector_store_idx %arg28[%add3A_950], %sub3A_961 masked %and3A_899 {add = true} : memref<768xf32, #tpu.memory_space<vmem>>[vector<16xi32>], vector<16xf32>, vector<16xi1>
        %mul3A_962 = arith.mulf %mul3A_806, %mul3A_857 : vector<16xf32>
        %mul3A_963 = arith.mulf %mul3A_962, %min3A_812 : vector<16xf32>
        %broadcast_in_dim3A_964 = arith.constant true
        %broadcast_in_dim3A_965 = vector.broadcast %broadcast_in_dim3A_964 : i1 to vector<16xi1>
        %masked_cumsum3A_966 = tpu.scan <sum>, %mul3A_963 masked %broadcast_in_dim3A_965 : vector<16xf32>, vector<16xi1> -> vector<16xf32>
        %broadcast_in_dim3A_967 = vector.shape_cast %max3A_889 : vector<16xi32> to vector<16x1xi32>
        %gather3A_968 = vector.shape_cast %broadcast_in_dim3A_967 : vector<16x1xi32> to vector<16xi32>
        %gather3A_969 = tpu.dynamic_gather %masked_cumsum3A_966[%gather3A_968] in [0] : vector<16xf32>, vector<16xi32> -> vector<16xf32>
        %jit3A_970 = arith.constant 0.000000e+00 : f32
        %broadcast_in_dim3A_971 = vector.broadcast %jit3A_970 : f32 to vector<16xf32>
        %select_n3A_972 = arith.select %gt3A_891, %gather3A_969, %broadcast_in_dim3A_971 : vector<16xi1>, vector<16xf32>
        %sub3A_973 = arith.subf %masked_cumsum3A_966, %select_n3A_972 : vector<16xf32>
        tpu.vector_store_idx %arg29[%mul3A_902], %sub3A_973 masked %and3A_899 {add = true} : memref<768xf32, #tpu.memory_space<vmem>>[vector<16xi32>], vector<16xf32>, vector<16xi1>
        %add3A_974 = arith.constant 1 : i32
        %add3A_975 = vector.broadcast %add3A_974 : i32 to vector<16xi32>
        %add3A_976 = arith.addi %mul3A_902, %add3A_975 : vector<16xi32>
        %mul3A_977 = arith.mulf %mul3A_962, %min3A_818 : vector<16xf32>
        %broadcast_in_dim3A_978 = arith.constant true
        %broadcast_in_dim3A_979 = vector.broadcast %broadcast_in_dim3A_978 : i1 to vector<16xi1>
        %masked_cumsum3A_980 = tpu.scan <sum>, %mul3A_977 masked %broadcast_in_dim3A_979 : vector<16xf32>, vector<16xi1> -> vector<16xf32>
        %broadcast_in_dim3A_981 = vector.shape_cast %max3A_889 : vector<16xi32> to vector<16x1xi32>
        %gather3A_982 = vector.shape_cast %broadcast_in_dim3A_981 : vector<16x1xi32> to vector<16xi32>
        %gather3A_983 = tpu.dynamic_gather %masked_cumsum3A_980[%gather3A_982] in [0] : vector<16xf32>, vector<16xi32> -> vector<16xf32>
        %jit3A_984 = arith.constant 0.000000e+00 : f32
        %broadcast_in_dim3A_985 = vector.broadcast %jit3A_984 : f32 to vector<16xf32>
        %select_n3A_986 = arith.select %gt3A_891, %gather3A_983, %broadcast_in_dim3A_985 : vector<16xi1>, vector<16xf32>
        %sub3A_987 = arith.subf %masked_cumsum3A_980, %select_n3A_986 : vector<16xf32>
        tpu.vector_store_idx %arg29[%add3A_976], %sub3A_987 masked %and3A_899 {add = true} : memref<768xf32, #tpu.memory_space<vmem>>[vector<16xi32>], vector<16xf32>, vector<16xi1>
        %add3A_988 = arith.constant 2 : i32
        %add3A_989 = vector.broadcast %add3A_988 : i32 to vector<16xi32>
        %add3A_990 = arith.addi %mul3A_902, %add3A_989 : vector<16xi32>
        %mul3A_991 = arith.mulf %mul3A_962, %min3A_824 : vector<16xf32>
        %broadcast_in_dim3A_992 = arith.constant true
        %broadcast_in_dim3A_993 = vector.broadcast %broadcast_in_dim3A_992 : i1 to vector<16xi1>
        %masked_cumsum3A_994 = tpu.scan <sum>, %mul3A_991 masked %broadcast_in_dim3A_993 : vector<16xf32>, vector<16xi1> -> vector<16xf32>
        %broadcast_in_dim3A_995 = vector.shape_cast %max3A_889 : vector<16xi32> to vector<16x1xi32>
        %gather3A_996 = vector.shape_cast %broadcast_in_dim3A_995 : vector<16x1xi32> to vector<16xi32>
        %gather3A_997 = tpu.dynamic_gather %masked_cumsum3A_994[%gather3A_996] in [0] : vector<16xf32>, vector<16xi32> -> vector<16xf32>
        %jit3A_998 = arith.constant 0.000000e+00 : f32
        %broadcast_in_dim3A_999 = vector.broadcast %jit3A_998 : f32 to vector<16xf32>
        %select_n3A_1000 = arith.select %gt3A_891, %gather3A_997, %broadcast_in_dim3A_999 : vector<16xi1>, vector<16xf32>
        %sub3A_1001 = arith.subf %masked_cumsum3A_994, %select_n3A_1000 : vector<16xf32>
        tpu.vector_store_idx %arg29[%add3A_990], %sub3A_1001 masked %and3A_899 {add = true} : memref<768xf32, #tpu.memory_space<vmem>>[vector<16xi32>], vector<16xf32>, vector<16xi1>
        %broadcast_in_dim3A_1002 = arith.constant 15 : i32
        %broadcast_in_dim3A_1003 = vector.broadcast %broadcast_in_dim3A_1002 : i32 to vector<16xi32>
        %broadcast_in_dim3A_1004 = vector.shape_cast %broadcast_in_dim3A_1003 : vector<16xi32> to vector<16x1xi32>
        %gather3A_1005 = vector.shape_cast %broadcast_in_dim3A_1004 : vector<16x1xi32> to vector<16xi32>
        %gather3A_1006 = tpu.dynamic_gather %select_n3A_643[%gather3A_1005] in [0] : vector<16xi32>, vector<16xi32> -> vector<16xi32>
        %broadcast_in_dim3A_1007 = arith.constant 15 : i32
        %broadcast_in_dim3A_1008 = vector.broadcast %broadcast_in_dim3A_1007 : i32 to vector<16xi32>
        %broadcast_in_dim3A_1009 = vector.shape_cast %broadcast_in_dim3A_1008 : vector<16xi32> to vector<16x1xi32>
        %gather3A_1010 = vector.shape_cast %broadcast_in_dim3A_1009 : vector<16x1xi32> to vector<16xi32>
        %gather3A_1011 = tpu.dynamic_gather %select_n3A_788[%gather3A_1010] in [0] : vector<16xf32>, vector<16xi32> -> vector<16xf32>
        scf.yield %gather3A_1006, %gather3A_1011 : vector<16xi32>, vector<16xf32>
      }
      scf.yield %while3A_603#0, %while3A_603#1 : vector<16xi32>, vector<16xf32>
    }
    %while3A_358 = arith.constant 1 : i32
    %while3A_359:2 = scf.for %while3A_523 = %while3A_355 to %while3A_351 step %while3A_358 iter_args(%while3A_524 = %while3A_357#0, %while3A_525 = %while3A_357#1) -> (vector<16xi32>, vector<16xf32>)  : i32 {
      %mul3A_526 = arith.constant 2048 : i32
      %mul3A_527 = arith.muli %while3A_523, %mul3A_526 : i32
      %add3A_528 = arith.addi %and3A_279, %mul3A_527 : i32
      %min3A_529 = arith.constant 522240 : i32
      %min3A_530 = arith.minsi %add3A_528, %min3A_529 : i32
      %multiple_of3A_531 = tpu.assume_multiple %min3A_530, 16 : i32
      %and3A_532 = arith.constant 1 : i32
      %and3A_533 = arith.andi %while3A_523, %and3A_532 : i32
      %mul3A_534 = arith.constant 2048 : i32
      %mul3A_535 = arith.muli %and3A_533, %mul3A_534 : i32
      %multiple_of3A_536 = tpu.assume_multiple %mul3A_535, 16 : i32
      %dma_wait3A = tpu.memref_slice %arg17[%multiple_of3A_536] : memref<4096xf32, #tpu.memory_space<vmem>> -> memref<2048xf32, #tpu.memory_space<vmem>>
      %dma_wait3A_537 = tpu.memref_slice %arg2[%multiple_of3A_531] : memref<524288xf32, #tpu.memory_space<hbm>> -> memref<2048xf32, #tpu.memory_space<hbm>>
      %dma_wait3A_538 = tpu.memref_slice %arg17[%multiple_of3A_536] : memref<4096xf32, #tpu.memory_space<vmem>> -> memref<2048xf32, #tpu.memory_space<vmem>>
      %dma_wait3A_539 = tpu.memref_slice %arg2[%multiple_of3A_531] : memref<524288xf32, #tpu.memory_space<hbm>> -> memref<2048xf32, #tpu.memory_space<hbm>>
      tpu.wait_dma2 semaphore(%arg30 : memref<!tpu.dma_semaphore, #tpu.memory_space<semaphore_mem>>) src(%dma_wait3A_539 : memref<2048xf32, #tpu.memory_space<hbm>>) dst(%dma_wait3A_538 : memref<2048xf32, #tpu.memory_space<vmem>>)
      %dma_wait3A_540 = tpu.memref_slice %arg18[%multiple_of3A_536] : memref<4096xf32, #tpu.memory_space<vmem>> -> memref<2048xf32, #tpu.memory_space<vmem>>
      %dma_wait3A_541 = tpu.memref_slice %arg3[%multiple_of3A_531] : memref<524288xf32, #tpu.memory_space<hbm>> -> memref<2048xf32, #tpu.memory_space<hbm>>
      %dma_wait3A_542 = tpu.memref_slice %arg18[%multiple_of3A_536] : memref<4096xf32, #tpu.memory_space<vmem>> -> memref<2048xf32, #tpu.memory_space<vmem>>
      %dma_wait3A_543 = tpu.memref_slice %arg3[%multiple_of3A_531] : memref<524288xf32, #tpu.memory_space<hbm>> -> memref<2048xf32, #tpu.memory_space<hbm>>
      tpu.wait_dma2 semaphore(%arg30 : memref<!tpu.dma_semaphore, #tpu.memory_space<semaphore_mem>>) src(%dma_wait3A_543 : memref<2048xf32, #tpu.memory_space<hbm>>) dst(%dma_wait3A_542 : memref<2048xf32, #tpu.memory_space<vmem>>)
      %dma_wait3A_544 = tpu.memref_slice %arg19[%multiple_of3A_536] : memref<4096xi32, #tpu.memory_space<vmem>> -> memref<2048xi32, #tpu.memory_space<vmem>>
      %dma_wait3A_545 = tpu.memref_slice %arg10[%multiple_of3A_531] : memref<524288xi32, #tpu.memory_space<hbm>> -> memref<2048xi32, #tpu.memory_space<hbm>>
      %dma_wait3A_546 = tpu.memref_slice %arg19[%multiple_of3A_536] : memref<4096xi32, #tpu.memory_space<vmem>> -> memref<2048xi32, #tpu.memory_space<vmem>>
      %dma_wait3A_547 = tpu.memref_slice %arg10[%multiple_of3A_531] : memref<524288xi32, #tpu.memory_space<hbm>> -> memref<2048xi32, #tpu.memory_space<hbm>>
      tpu.wait_dma2 semaphore(%arg30 : memref<!tpu.dma_semaphore, #tpu.memory_space<semaphore_mem>>) src(%dma_wait3A_547 : memref<2048xi32, #tpu.memory_space<hbm>>) dst(%dma_wait3A_546 : memref<2048xi32, #tpu.memory_space<vmem>>)
      %dma_wait3A_548 = tpu.memref_slice %arg20[%multiple_of3A_536] : memref<4096xf32, #tpu.memory_space<vmem>> -> memref<2048xf32, #tpu.memory_space<vmem>>
      %dma_wait3A_549 = tpu.memref_slice %arg4[%multiple_of3A_531] : memref<524288xf32, #tpu.memory_space<hbm>> -> memref<2048xf32, #tpu.memory_space<hbm>>
      %dma_wait3A_550 = tpu.memref_slice %arg20[%multiple_of3A_536] : memref<4096xf32, #tpu.memory_space<vmem>> -> memref<2048xf32, #tpu.memory_space<vmem>>
      %dma_wait3A_551 = tpu.memref_slice %arg4[%multiple_of3A_531] : memref<524288xf32, #tpu.memory_space<hbm>> -> memref<2048xf32, #tpu.memory_space<hbm>>
      tpu.wait_dma2 semaphore(%arg30 : memref<!tpu.dma_semaphore, #tpu.memory_space<semaphore_mem>>) src(%dma_wait3A_551 : memref<2048xf32, #tpu.memory_space<hbm>>) dst(%dma_wait3A_550 : memref<2048xf32, #tpu.memory_space<vmem>>)
      %dma_wait3A_552 = tpu.memref_slice %arg21[%multiple_of3A_536] : memref<4096xf32, #tpu.memory_space<vmem>> -> memref<2048xf32, #tpu.memory_space<vmem>>
      %dma_wait3A_553 = tpu.memref_slice %arg5[%multiple_of3A_531] : memref<524288xf32, #tpu.memory_space<hbm>> -> memref<2048xf32, #tpu.memory_space<hbm>>
      %dma_wait3A_554 = tpu.memref_slice %arg21[%multiple_of3A_536] : memref<4096xf32, #tpu.memory_space<vmem>> -> memref<2048xf32, #tpu.memory_space<vmem>>
      %dma_wait3A_555 = tpu.memref_slice %arg5[%multiple_of3A_531] : memref<524288xf32, #tpu.memory_space<hbm>> -> memref<2048xf32, #tpu.memory_space<hbm>>
      tpu.wait_dma2 semaphore(%arg30 : memref<!tpu.dma_semaphore, #tpu.memory_space<semaphore_mem>>) src(%dma_wait3A_555 : memref<2048xf32, #tpu.memory_space<hbm>>) dst(%dma_wait3A_554 : memref<2048xf32, #tpu.memory_space<vmem>>)
      %dma_wait3A_556 = tpu.memref_slice %arg22[%multiple_of3A_536] : memref<4096xf32, #tpu.memory_space<vmem>> -> memref<2048xf32, #tpu.memory_space<vmem>>
      %dma_wait3A_557 = tpu.memref_slice %arg6[%multiple_of3A_531] : memref<524288xf32, #tpu.memory_space<hbm>> -> memref<2048xf32, #tpu.memory_space<hbm>>
      %dma_wait3A_558 = tpu.memref_slice %arg22[%multiple_of3A_536] : memref<4096xf32, #tpu.memory_space<vmem>> -> memref<2048xf32, #tpu.memory_space<vmem>>
      %dma_wait3A_559 = tpu.memref_slice %arg6[%multiple_of3A_531] : memref<524288xf32, #tpu.memory_space<hbm>> -> memref<2048xf32, #tpu.memory_space<hbm>>
      tpu.wait_dma2 semaphore(%arg30 : memref<!tpu.dma_semaphore, #tpu.memory_space<semaphore_mem>>) src(%dma_wait3A_559 : memref<2048xf32, #tpu.memory_space<hbm>>) dst(%dma_wait3A_558 : memref<2048xf32, #tpu.memory_space<vmem>>)
      %dma_wait3A_560 = tpu.memref_slice %arg23[%multiple_of3A_536] : memref<4096xf32, #tpu.memory_space<vmem>> -> memref<2048xf32, #tpu.memory_space<vmem>>
      %dma_wait3A_561 = tpu.memref_slice %arg7[%multiple_of3A_531] : memref<524288xf32, #tpu.memory_space<hbm>> -> memref<2048xf32, #tpu.memory_space<hbm>>
      %dma_wait3A_562 = tpu.memref_slice %arg23[%multiple_of3A_536] : memref<4096xf32, #tpu.memory_space<vmem>> -> memref<2048xf32, #tpu.memory_space<vmem>>
      %dma_wait3A_563 = tpu.memref_slice %arg7[%multiple_of3A_531] : memref<524288xf32, #tpu.memory_space<hbm>> -> memref<2048xf32, #tpu.memory_space<hbm>>
      tpu.wait_dma2 semaphore(%arg30 : memref<!tpu.dma_semaphore, #tpu.memory_space<semaphore_mem>>) src(%dma_wait3A_563 : memref<2048xf32, #tpu.memory_space<hbm>>) dst(%dma_wait3A_562 : memref<2048xf32, #tpu.memory_space<vmem>>)
      %dma_wait3A_564 = tpu.memref_slice %arg24[%multiple_of3A_536] : memref<4096xf32, #tpu.memory_space<vmem>> -> memref<2048xf32, #tpu.memory_space<vmem>>
      %dma_wait3A_565 = tpu.memref_slice %arg8[%multiple_of3A_531] : memref<524288xf32, #tpu.memory_space<hbm>> -> memref<2048xf32, #tpu.memory_space<hbm>>
      %dma_wait3A_566 = tpu.memref_slice %arg24[%multiple_of3A_536] : memref<4096xf32, #tpu.memory_space<vmem>> -> memref<2048xf32, #tpu.memory_space<vmem>>
      %dma_wait3A_567 = tpu.memref_slice %arg8[%multiple_of3A_531] : memref<524288xf32, #tpu.memory_space<hbm>> -> memref<2048xf32, #tpu.memory_space<hbm>>
      tpu.wait_dma2 semaphore(%arg30 : memref<!tpu.dma_semaphore, #tpu.memory_space<semaphore_mem>>) src(%dma_wait3A_567 : memref<2048xf32, #tpu.memory_space<hbm>>) dst(%dma_wait3A_566 : memref<2048xf32, #tpu.memory_space<vmem>>)
      %dma_wait3A_568 = tpu.memref_slice %arg25[%multiple_of3A_536] : memref<4096xf32, #tpu.memory_space<vmem>> -> memref<2048xf32, #tpu.memory_space<vmem>>
      %dma_wait3A_569 = tpu.memref_slice %arg9[%multiple_of3A_531] : memref<524288xf32, #tpu.memory_space<hbm>> -> memref<2048xf32, #tpu.memory_space<hbm>>
      %dma_wait3A_570 = tpu.memref_slice %arg25[%multiple_of3A_536] : memref<4096xf32, #tpu.memory_space<vmem>> -> memref<2048xf32, #tpu.memory_space<vmem>>
      %dma_wait3A_571 = tpu.memref_slice %arg9[%multiple_of3A_531] : memref<524288xf32, #tpu.memory_space<hbm>> -> memref<2048xf32, #tpu.memory_space<hbm>>
      tpu.wait_dma2 semaphore(%arg30 : memref<!tpu.dma_semaphore, #tpu.memory_space<semaphore_mem>>) src(%dma_wait3A_571 : memref<2048xf32, #tpu.memory_space<hbm>>) dst(%dma_wait3A_570 : memref<2048xf32, #tpu.memory_space<vmem>>)
      %add3A_572 = arith.constant 1 : i32
      %add3A_573 = arith.addi %while3A_523, %add3A_572 : i32
      %lt3A = arith.cmpi slt, %add3A_573, %select_n3A : i32
      %convert_element_type3A = arith.extui %lt3A : i1 to i32
      %cond3A = arith.constant 0 : i32
      %cond3A_574 = arith.cmpi ne, %convert_element_type3A, %cond3A : i32
      scf.if %cond3A_574 {
        %add3A_604 = arith.constant 1 : i32
        %add3A_605 = arith.addi %while3A_523, %add3A_604 : i32
        %mul3A_606 = arith.constant 2048 : i32
        %mul3A_607 = arith.muli %add3A_605, %mul3A_606 : i32
        %add3A_608 = arith.addi %and3A_279, %mul3A_607 : i32
        %min3A_609 = arith.constant 522240 : i32
        %min3A_610 = arith.minsi %add3A_608, %min3A_609 : i32
        %multiple_of3A_611 = tpu.assume_multiple %min3A_610, 16 : i32
        %and3A_612 = arith.constant 1 : i32
        %and3A_613 = arith.andi %add3A_605, %and3A_612 : i32
        %mul3A_614 = arith.constant 2048 : i32
        %mul3A_615 = arith.muli %and3A_613, %mul3A_614 : i32
        %multiple_of3A_616 = tpu.assume_multiple %mul3A_615, 16 : i32
        %dma_start3A_617 = tpu.memref_slice %arg17[%multiple_of3A_616] : memref<4096xf32, #tpu.memory_space<vmem>> -> memref<2048xf32, #tpu.memory_space<vmem>>
        %dma_start3A_618 = tpu.memref_slice %arg2[%multiple_of3A_611] : memref<524288xf32, #tpu.memory_space<hbm>> -> memref<2048xf32, #tpu.memory_space<hbm>>
        %dma_start3A_619 = tpu.memref_slice %arg17[%multiple_of3A_616] : memref<4096xf32, #tpu.memory_space<vmem>> -> memref<2048xf32, #tpu.memory_space<vmem>>
        %dma_start3A_620 = tpu.memref_slice %arg2[%multiple_of3A_611] : memref<524288xf32, #tpu.memory_space<hbm>> -> memref<2048xf32, #tpu.memory_space<hbm>>
        tpu.enqueue_dma source(%dma_start3A_620 : memref<2048xf32, #tpu.memory_space<hbm>>) target(%dma_start3A_619 : memref<2048xf32, #tpu.memory_space<vmem>>) target_semaphore(%arg30 : memref<!tpu.dma_semaphore, #tpu.memory_space<semaphore_mem>>)
        %dma_start3A_621 = tpu.memref_slice %arg18[%multiple_of3A_616] : memref<4096xf32, #tpu.memory_space<vmem>> -> memref<2048xf32, #tpu.memory_space<vmem>>
        %dma_start3A_622 = tpu.memref_slice %arg3[%multiple_of3A_611] : memref<524288xf32, #tpu.memory_space<hbm>> -> memref<2048xf32, #tpu.memory_space<hbm>>
        %dma_start3A_623 = tpu.memref_slice %arg18[%multiple_of3A_616] : memref<4096xf32, #tpu.memory_space<vmem>> -> memref<2048xf32, #tpu.memory_space<vmem>>
        %dma_start3A_624 = tpu.memref_slice %arg3[%multiple_of3A_611] : memref<524288xf32, #tpu.memory_space<hbm>> -> memref<2048xf32, #tpu.memory_space<hbm>>
        tpu.enqueue_dma source(%dma_start3A_624 : memref<2048xf32, #tpu.memory_space<hbm>>) target(%dma_start3A_623 : memref<2048xf32, #tpu.memory_space<vmem>>) target_semaphore(%arg30 : memref<!tpu.dma_semaphore, #tpu.memory_space<semaphore_mem>>)
        %dma_start3A_625 = tpu.memref_slice %arg19[%multiple_of3A_616] : memref<4096xi32, #tpu.memory_space<vmem>> -> memref<2048xi32, #tpu.memory_space<vmem>>
        %dma_start3A_626 = tpu.memref_slice %arg10[%multiple_of3A_611] : memref<524288xi32, #tpu.memory_space<hbm>> -> memref<2048xi32, #tpu.memory_space<hbm>>
        %dma_start3A_627 = tpu.memref_slice %arg19[%multiple_of3A_616] : memref<4096xi32, #tpu.memory_space<vmem>> -> memref<2048xi32, #tpu.memory_space<vmem>>
        %dma_start3A_628 = tpu.memref_slice %arg10[%multiple_of3A_611] : memref<524288xi32, #tpu.memory_space<hbm>> -> memref<2048xi32, #tpu.memory_space<hbm>>
        tpu.enqueue_dma source(%dma_start3A_628 : memref<2048xi32, #tpu.memory_space<hbm>>) target(%dma_start3A_627 : memref<2048xi32, #tpu.memory_space<vmem>>) target_semaphore(%arg30 : memref<!tpu.dma_semaphore, #tpu.memory_space<semaphore_mem>>)
        %dma_start3A_629 = tpu.memref_slice %arg20[%multiple_of3A_616] : memref<4096xf32, #tpu.memory_space<vmem>> -> memref<2048xf32, #tpu.memory_space<vmem>>
        %dma_start3A_630 = tpu.memref_slice %arg4[%multiple_of3A_611] : memref<524288xf32, #tpu.memory_space<hbm>> -> memref<2048xf32, #tpu.memory_space<hbm>>
        %dma_start3A_631 = tpu.memref_slice %arg20[%multiple_of3A_616] : memref<4096xf32, #tpu.memory_space<vmem>> -> memref<2048xf32, #tpu.memory_space<vmem>>
        %dma_start3A_632 = tpu.memref_slice %arg4[%multiple_of3A_611] : memref<524288xf32, #tpu.memory_space<hbm>> -> memref<2048xf32, #tpu.memory_space<hbm>>
        tpu.enqueue_dma source(%dma_start3A_632 : memref<2048xf32, #tpu.memory_space<hbm>>) target(%dma_start3A_631 : memref<2048xf32, #tpu.memory_space<vmem>>) target_semaphore(%arg30 : memref<!tpu.dma_semaphore, #tpu.memory_space<semaphore_mem>>)
        %dma_start3A_633 = tpu.memref_slice %arg21[%multiple_of3A_616] : memref<4096xf32, #tpu.memory_space<vmem>> -> memref<2048xf32, #tpu.memory_space<vmem>>
        %dma_start3A_634 = tpu.memref_slice %arg5[%multiple_of3A_611] : memref<524288xf32, #tpu.memory_space<hbm>> -> memref<2048xf32, #tpu.memory_space<hbm>>
        %dma_start3A_635 = tpu.memref_slice %arg21[%multiple_of3A_616] : memref<4096xf32, #tpu.memory_space<vmem>> -> memref<2048xf32, #tpu.memory_space<vmem>>
        %dma_start3A_636 = tpu.memref_slice %arg5[%multiple_of3A_611] : memref<524288xf32, #tpu.memory_space<hbm>> -> memref<2048xf32, #tpu.memory_space<hbm>>
        tpu.enqueue_dma source(%dma_start3A_636 : memref<2048xf32, #tpu.memory_space<hbm>>) target(%dma_start3A_635 : memref<2048xf32, #tpu.memory_space<vmem>>) target_semaphore(%arg30 : memref<!tpu.dma_semaphore, #tpu.memory_space<semaphore_mem>>)
        %dma_start3A_637 = tpu.memref_slice %arg22[%multiple_of3A_616] : memref<4096xf32, #tpu.memory_space<vmem>> -> memref<2048xf32, #tpu.memory_space<vmem>>
        %dma_start3A_638 = tpu.memref_slice %arg6[%multiple_of3A_611] : memref<524288xf32, #tpu.memory_space<hbm>> -> memref<2048xf32, #tpu.memory_space<hbm>>
        %dma_start3A_639 = tpu.memref_slice %arg22[%multiple_of3A_616] : memref<4096xf32, #tpu.memory_space<vmem>> -> memref<2048xf32, #tpu.memory_space<vmem>>
        %dma_start3A_640 = tpu.memref_slice %arg6[%multiple_of3A_611] : memref<524288xf32, #tpu.memory_space<hbm>> -> memref<2048xf32, #tpu.memory_space<hbm>>
        tpu.enqueue_dma source(%dma_start3A_640 : memref<2048xf32, #tpu.memory_space<hbm>>) target(%dma_start3A_639 : memref<2048xf32, #tpu.memory_space<vmem>>) target_semaphore(%arg30 : memref<!tpu.dma_semaphore, #tpu.memory_space<semaphore_mem>>)
        %dma_start3A_641 = tpu.memref_slice %arg23[%multiple_of3A_616] : memref<4096xf32, #tpu.memory_space<vmem>> -> memref<2048xf32, #tpu.memory_space<vmem>>
        %dma_start3A_642 = tpu.memref_slice %arg7[%multiple_of3A_611] : memref<524288xf32, #tpu.memory_space<hbm>> -> memref<2048xf32, #tpu.memory_space<hbm>>
        %dma_start3A_643 = tpu.memref_slice %arg23[%multiple_of3A_616] : memref<4096xf32, #tpu.memory_space<vmem>> -> memref<2048xf32, #tpu.memory_space<vmem>>
        %dma_start3A_644 = tpu.memref_slice %arg7[%multiple_of3A_611] : memref<524288xf32, #tpu.memory_space<hbm>> -> memref<2048xf32, #tpu.memory_space<hbm>>
        tpu.enqueue_dma source(%dma_start3A_644 : memref<2048xf32, #tpu.memory_space<hbm>>) target(%dma_start3A_643 : memref<2048xf32, #tpu.memory_space<vmem>>) target_semaphore(%arg30 : memref<!tpu.dma_semaphore, #tpu.memory_space<semaphore_mem>>)
        %dma_start3A_645 = tpu.memref_slice %arg24[%multiple_of3A_616] : memref<4096xf32, #tpu.memory_space<vmem>> -> memref<2048xf32, #tpu.memory_space<vmem>>
        %dma_start3A_646 = tpu.memref_slice %arg8[%multiple_of3A_611] : memref<524288xf32, #tpu.memory_space<hbm>> -> memref<2048xf32, #tpu.memory_space<hbm>>
        %dma_start3A_647 = tpu.memref_slice %arg24[%multiple_of3A_616] : memref<4096xf32, #tpu.memory_space<vmem>> -> memref<2048xf32, #tpu.memory_space<vmem>>
        %dma_start3A_648 = tpu.memref_slice %arg8[%multiple_of3A_611] : memref<524288xf32, #tpu.memory_space<hbm>> -> memref<2048xf32, #tpu.memory_space<hbm>>
        tpu.enqueue_dma source(%dma_start3A_648 : memref<2048xf32, #tpu.memory_space<hbm>>) target(%dma_start3A_647 : memref<2048xf32, #tpu.memory_space<vmem>>) target_semaphore(%arg30 : memref<!tpu.dma_semaphore, #tpu.memory_space<semaphore_mem>>)
        %dma_start3A_649 = tpu.memref_slice %arg25[%multiple_of3A_616] : memref<4096xf32, #tpu.memory_space<vmem>> -> memref<2048xf32, #tpu.memory_space<vmem>>
        %dma_start3A_650 = tpu.memref_slice %arg9[%multiple_of3A_611] : memref<524288xf32, #tpu.memory_space<hbm>> -> memref<2048xf32, #tpu.memory_space<hbm>>
        %dma_start3A_651 = tpu.memref_slice %arg25[%multiple_of3A_616] : memref<4096xf32, #tpu.memory_space<vmem>> -> memref<2048xf32, #tpu.memory_space<vmem>>
        %dma_start3A_652 = tpu.memref_slice %arg9[%multiple_of3A_611] : memref<524288xf32, #tpu.memory_space<hbm>> -> memref<2048xf32, #tpu.memory_space<hbm>>
        tpu.enqueue_dma source(%dma_start3A_652 : memref<2048xf32, #tpu.memory_space<hbm>>) target(%dma_start3A_651 : memref<2048xf32, #tpu.memory_space<vmem>>) target_semaphore(%arg30 : memref<!tpu.dma_semaphore, #tpu.memory_space<semaphore_mem>>)
      } else {
      }
      %mul3A_575 = arith.constant 2048 : i32
      %mul3A_576 = arith.muli %while3A_523, %mul3A_575 : i32
      %add3A_577 = arith.addi %and3A_279, %mul3A_576 : i32
      %min3A_578 = arith.constant 522240 : i32
      %min3A_579 = arith.minsi %add3A_577, %min3A_578 : i32
      %multiple_of3A_580 = tpu.assume_multiple %min3A_579, 16 : i32
      %and3A_581 = arith.constant 1 : i32
      %and3A_582 = arith.andi %while3A_523, %and3A_581 : i32
      %mul3A_583 = arith.constant 2048 : i32
      %mul3A_584 = arith.muli %and3A_582, %mul3A_583 : i32
      %multiple_of3A_585 = tpu.assume_multiple %mul3A_584, 16 : i32
      %sub3A_586 = arith.subi %multiple_of3A_580, %multiple_of3A_585 : i32
      %mul3A_587 = arith.constant 128 : i32
      %mul3A_588 = arith.muli %while3A_523, %mul3A_587 : i32
      %sub3A_589 = arith.subi %shift_right_arithmetic3A_282, %mul3A_588 : i32
      %jit3A_590 = arith.constant 0 : i32
      %jit3A_591 = arith.constant 128 : i32
      %max3A = arith.maxsi %jit3A_590, %sub3A_589 : i32
      %min3A_592 = arith.minsi %jit3A_591, %max3A : i32
      %while3A_593 = arith.constant 0 : i32
      %while3A_594 = arith.subi %min3A_592, %while3A_593 : i32
      %while3A_595 = arith.addi %while3A_593, %while3A_594 : i32
      %while3A_596 = arith.constant 1 : i32
      %while3A_597 = arith.divsi %while3A_594, %while3A_596 : i32
      %while3A_598 = arith.muli %while3A_597, %while3A_596 : i32
      %while3A_599 = arith.addi %while3A_593, %while3A_598 : i32
      %while3A_600 = arith.constant 1 : i32
      %while3A_601:2 = scf.for %while3A_604 = %while3A_593 to %while3A_599 step %while3A_600 iter_args(%while3A_605 = %while3A_524, %while3A_606 = %while3A_525) -> (vector<16xi32>, vector<16xf32>)  : i32 {
        %mul3A_607 = arith.constant 2048 : i32
        %mul3A_608 = arith.muli %while3A_523, %mul3A_607 : i32
        %add3A_609 = arith.addi %and3A_279, %mul3A_608 : i32
        %mul3A_610 = arith.constant 16 : i32
        %mul3A_611 = arith.muli %while3A_604, %mul3A_610 : i32
        %add3A_612 = arith.addi %add3A_609, %mul3A_611 : i32
        %sub3A_613 = arith.subi %add3A_612, %sub3A_586 : i32
        %add3A_614 = vector.broadcast %add3A_612 : i32 to vector<16xi32>
        %add3A_615 = arith.addi %add3A_614, %iota3A : vector<16xi32>
        %get3A_616 = arith.index_cast %sub3A_613 : i32 to index
        %get3A_617 = tpu.vector_load %arg17[%get3A_616] {strides = array<i32>} : memref<4096xf32, #tpu.memory_space<vmem>>, vector<16xf32>,
        %get3A_618 = arith.index_cast %sub3A_613 : i32 to index
        %get3A_619 = tpu.vector_load %arg18[%get3A_618] {strides = array<i32>} : memref<4096xf32, #tpu.memory_space<vmem>>, vector<16xf32>,
        %get3A_620 = arith.index_cast %sub3A_613 : i32 to index
        %get3A_621 = tpu.vector_load %arg19[%get3A_620] {strides = array<i32>} : memref<4096xi32, #tpu.memory_space<vmem>>, vector<16xi32>,
        %get3A_622 = arith.index_cast %sub3A_613 : i32 to index
        %get3A_623 = tpu.vector_load %arg20[%get3A_622] {strides = array<i32>} : memref<4096xf32, #tpu.memory_space<vmem>>, vector<16xf32>,
        %get3A_624 = arith.index_cast %sub3A_613 : i32 to index
        %get3A_625 = tpu.vector_load %arg21[%get3A_624] {strides = array<i32>} : memref<4096xf32, #tpu.memory_space<vmem>>, vector<16xf32>,
        %get3A_626 = arith.index_cast %sub3A_613 : i32 to index
        %get3A_627 = tpu.vector_load %arg22[%get3A_626] {strides = array<i32>} : memref<4096xf32, #tpu.memory_space<vmem>>, vector<16xf32>,
        %get3A_628 = arith.index_cast %sub3A_613 : i32 to index
        %get3A_629 = tpu.vector_load %arg23[%get3A_628] {strides = array<i32>} : memref<4096xf32, #tpu.memory_space<vmem>>, vector<16xf32>,
        %get3A_630 = arith.index_cast %sub3A_613 : i32 to index
        %get3A_631 = tpu.vector_load %arg24[%get3A_630] {strides = array<i32>} : memref<4096xf32, #tpu.memory_space<vmem>>, vector<16xf32>,
        %get3A_632 = arith.index_cast %sub3A_613 : i32 to index
        %get3A_633 = tpu.vector_load %arg25[%get3A_632] {strides = array<i32>} : memref<4096xf32, #tpu.memory_space<vmem>>, vector<16xf32>,
        %ge3A = vector.broadcast %reduce_min3A_9 : i32 to vector<16xi32>
        %ge3A_634 = arith.cmpi sge, %add3A_615, %ge3A : vector<16xi32>
        %lt3A_635 = vector.broadcast %reduce_min3A_21 : i32 to vector<16xi32>
        %lt3A_636 = arith.cmpi slt, %add3A_615, %lt3A_635 : vector<16xi32>
        %and3A_637 = arith.andi %ge3A_634, %lt3A_636 : vector<16xi1>
        %jit3A_638 = arith.constant 0.000000e+00 : f32
        %broadcast_in_dim3A_639 = vector.broadcast %jit3A_638 : f32 to vector<16xf32>
        %select_n3A_640 = arith.select %and3A_637, %get3A_617, %broadcast_in_dim3A_639 : vector<16xi1>, vector<16xf32>
        %jit3A_641 = arith.constant -2 : i32
        %broadcast_in_dim3A_642 = vector.broadcast %jit3A_641 : i32 to vector<16xi32>
        %select_n3A_643 = arith.select %and3A_637, %get3A_621, %broadcast_in_dim3A_642 : vector<16xi1>, vector<16xi32>
        %sub3A_644 = arith.constant 1.000000e+00 : f32
        %sub3A_645 = vector.broadcast %sub3A_644 : f32 to vector<16xf32>
        %sub3A_646 = arith.subf %sub3A_645, %select_n3A_640 : vector<16xf32>
        %jit3A_647 = arith.constant 1.000000e-10 : f32
        %jit3A_648 = arith.constant 1.000000e+00 : f32
        %max3A_649 = vector.broadcast %jit3A_647 : f32 to vector<16xf32>
        %max3A_650 = arith.maximumf %max3A_649, %sub3A_646 : vector<16xf32>
        %min3A_651 = vector.broadcast %jit3A_648 : f32 to vector<16xf32>
        %min3A_652 = arith.minimumf %min3A_651, %max3A_650 : vector<16xf32>
        %sub3A_653 = arith.constant 1 : i32
        %sub3A_654 = vector.broadcast %sub3A_653 : i32 to vector<16xi32>
        %sub3A_655 = arith.subi %iota3A, %sub3A_654 : vector<16xi32>
        %max3A_656 = arith.constant 0 : i32
        %max3A_657 = vector.broadcast %max3A_656 : i32 to vector<16xi32>
        %max3A_658 = arith.maxsi %sub3A_655, %max3A_657 : vector<16xi32>
        %broadcast_in_dim3A_659 = vector.shape_cast %max3A_658 : vector<16xi32> to vector<16x1xi32>
        %gather3A_660 = vector.shape_cast %broadcast_in_dim3A_659 : vector<16x1xi32> to vector<16xi32>
        %gather3A_661 = tpu.dynamic_gather %select_n3A_643[%gather3A_660] in [0] : vector<16xi32>, vector<16xi32> -> vector<16xi32>
        %lt3A_662 = arith.constant 1 : i32
        %lt3A_663 = vector.broadcast %lt3A_662 : i32 to vector<16xi32>
        %lt3A_664 = arith.cmpi slt, %iota3A, %lt3A_663 : vector<16xi32>
        %select_n3A_665 = arith.select %lt3A_664, %while3A_605, %gather3A_661 : vector<16xi1>, vector<16xi32>
        %sub3A_666 = arith.constant 1 : i32
        %sub3A_667 = vector.broadcast %sub3A_666 : i32 to vector<16xi32>
        %sub3A_668 = arith.subi %iota3A, %sub3A_667 : vector<16xi32>
        %max3A_669 = arith.constant 0 : i32
        %max3A_670 = vector.broadcast %max3A_669 : i32 to vector<16xi32>
        %max3A_671 = arith.maxsi %sub3A_668, %max3A_670 : vector<16xi32>
        %broadcast_in_dim3A_672 = vector.shape_cast %max3A_671 : vector<16xi32> to vector<16x1xi32>
        %gather3A_673 = vector.shape_cast %broadcast_in_dim3A_672 : vector<16x1xi32> to vector<16xi32>
        %gather3A_674 = tpu.dynamic_gather %min3A_652[%gather3A_673] in [0] : vector<16xf32>, vector<16xi32> -> vector<16xf32>
        %lt3A_675 = arith.constant 1 : i32
        %lt3A_676 = vector.broadcast %lt3A_675 : i32 to vector<16xi32>
        %lt3A_677 = arith.cmpi slt, %iota3A, %lt3A_676 : vector<16xi32>
        %jit3A_678 = arith.constant 1.000000e+00 : f32
        %broadcast_in_dim3A_679 = vector.broadcast %jit3A_678 : f32 to vector<16xf32>
        %select_n3A_680 = arith.select %lt3A_677, %broadcast_in_dim3A_679, %gather3A_674 : vector<16xi1>, vector<16xf32>
        %eq3A = arith.cmpi eq, %select_n3A_643, %select_n3A_665 : vector<16xi32>
        %ge3A_681 = arith.constant 1 : i32
        %ge3A_682 = vector.broadcast %ge3A_681 : i32 to vector<16xi32>
        %ge3A_683 = arith.cmpi sge, %iota3A, %ge3A_682 : vector<16xi32>
        %and3A_684 = arith.andi %eq3A, %ge3A_683 : vector<16xi1>
        %mul3A_685 = arith.mulf %min3A_652, %select_n3A_680 : vector<16xf32>
        %select_n3A_686 = arith.select %and3A_684, %mul3A_685, %min3A_652 : vector<16xi1>, vector<16xf32>
        %sub3A_687 = arith.constant 2 : i32
        %sub3A_688 = vector.broadcast %sub3A_687 : i32 to vector<16xi32>
        %sub3A_689 = arith.subi %iota3A, %sub3A_688 : vector<16xi32>
        %max3A_690 = arith.constant 0 : i32
        %max3A_691 = vector.broadcast %max3A_690 : i32 to vector<16xi32>
        %max3A_692 = arith.maxsi %sub3A_689, %max3A_691 : vector<16xi32>
        %broadcast_in_dim3A_693 = vector.shape_cast %max3A_692 : vector<16xi32> to vector<16x1xi32>
        %gather3A_694 = vector.shape_cast %broadcast_in_dim3A_693 : vector<16x1xi32> to vector<16xi32>
        %gather3A_695 = tpu.dynamic_gather %select_n3A_686[%gather3A_694] in [0] : vector<16xf32>, vector<16xi32> -> vector<16xf32>
        %lt3A_696 = arith.constant 2 : i32
        %lt3A_697 = vector.broadcast %lt3A_696 : i32 to vector<16xi32>
        %lt3A_698 = arith.cmpi slt, %iota3A, %lt3A_697 : vector<16xi32>
        %jit3A_699 = arith.constant 1.000000e+00 : f32
        %broadcast_in_dim3A_700 = vector.broadcast %jit3A_699 : f32 to vector<16xf32>
        %select_n3A_701 = arith.select %lt3A_698, %broadcast_in_dim3A_700, %gather3A_695 : vector<16xi1>, vector<16xf32>
        %sub3A_702 = arith.constant 2 : i32
        %sub3A_703 = vector.broadcast %sub3A_702 : i32 to vector<16xi32>
        %sub3A_704 = arith.subi %iota3A, %sub3A_703 : vector<16xi32>
        %max3A_705 = arith.constant 0 : i32
        %max3A_706 = vector.broadcast %max3A_705 : i32 to vector<16xi32>
        %max3A_707 = arith.maxsi %sub3A_704, %max3A_706 : vector<16xi32>
        %broadcast_in_dim3A_708 = vector.shape_cast %max3A_707 : vector<16xi32> to vector<16x1xi32>
        %gather3A_709 = vector.shape_cast %broadcast_in_dim3A_708 : vector<16x1xi32> to vector<16xi32>
        %gather3A_710 = tpu.dynamic_gather %select_n3A_643[%gather3A_709] in [0] : vector<16xi32>, vector<16xi32> -> vector<16xi32>
        %lt3A_711 = arith.constant 2 : i32
        %lt3A_712 = vector.broadcast %lt3A_711 : i32 to vector<16xi32>
        %lt3A_713 = arith.cmpi slt, %iota3A, %lt3A_712 : vector<16xi32>
        %jit3A_714 = arith.constant -3 : i32
        %broadcast_in_dim3A_715 = vector.broadcast %jit3A_714 : i32 to vector<16xi32>
        %select_n3A_716 = arith.select %lt3A_713, %broadcast_in_dim3A_715, %gather3A_710 : vector<16xi1>, vector<16xi32>
        %eq3A_717 = arith.cmpi eq, %select_n3A_643, %select_n3A_716 : vector<16xi32>
        %mul3A_718 = arith.mulf %select_n3A_686, %select_n3A_701 : vector<16xf32>
        %select_n3A_719 = arith.select %eq3A_717, %mul3A_718, %select_n3A_686 : vector<16xi1>, vector<16xf32>
        %sub3A_720 = arith.constant 4 : i32
        %sub3A_721 = vector.broadcast %sub3A_720 : i32 to vector<16xi32>
        %sub3A_722 = arith.subi %iota3A, %sub3A_721 : vector<16xi32>
        %max3A_723 = arith.constant 0 : i32
        %max3A_724 = vector.broadcast %max3A_723 : i32 to vector<16xi32>
        %max3A_725 = arith.maxsi %sub3A_722, %max3A_724 : vector<16xi32>
        %broadcast_in_dim3A_726 = vector.shape_cast %max3A_725 : vector<16xi32> to vector<16x1xi32>
        %gather3A_727 = vector.shape_cast %broadcast_in_dim3A_726 : vector<16x1xi32> to vector<16xi32>
        %gather3A_728 = tpu.dynamic_gather %select_n3A_719[%gather3A_727] in [0] : vector<16xf32>, vector<16xi32> -> vector<16xf32>
        %lt3A_729 = arith.constant 4 : i32
        %lt3A_730 = vector.broadcast %lt3A_729 : i32 to vector<16xi32>
        %lt3A_731 = arith.cmpi slt, %iota3A, %lt3A_730 : vector<16xi32>
        %jit3A_732 = arith.constant 1.000000e+00 : f32
        %broadcast_in_dim3A_733 = vector.broadcast %jit3A_732 : f32 to vector<16xf32>
        %select_n3A_734 = arith.select %lt3A_731, %broadcast_in_dim3A_733, %gather3A_728 : vector<16xi1>, vector<16xf32>
        %sub3A_735 = arith.constant 4 : i32
        %sub3A_736 = vector.broadcast %sub3A_735 : i32 to vector<16xi32>
        %sub3A_737 = arith.subi %iota3A, %sub3A_736 : vector<16xi32>
        %max3A_738 = arith.constant 0 : i32
        %max3A_739 = vector.broadcast %max3A_738 : i32 to vector<16xi32>
        %max3A_740 = arith.maxsi %sub3A_737, %max3A_739 : vector<16xi32>
        %broadcast_in_dim3A_741 = vector.shape_cast %max3A_740 : vector<16xi32> to vector<16x1xi32>
        %gather3A_742 = vector.shape_cast %broadcast_in_dim3A_741 : vector<16x1xi32> to vector<16xi32>
        %gather3A_743 = tpu.dynamic_gather %select_n3A_643[%gather3A_742] in [0] : vector<16xi32>, vector<16xi32> -> vector<16xi32>
        %lt3A_744 = arith.constant 4 : i32
        %lt3A_745 = vector.broadcast %lt3A_744 : i32 to vector<16xi32>
        %lt3A_746 = arith.cmpi slt, %iota3A, %lt3A_745 : vector<16xi32>
        %jit3A_747 = arith.constant -3 : i32
        %broadcast_in_dim3A_748 = vector.broadcast %jit3A_747 : i32 to vector<16xi32>
        %select_n3A_749 = arith.select %lt3A_746, %broadcast_in_dim3A_748, %gather3A_743 : vector<16xi1>, vector<16xi32>
        %eq3A_750 = arith.cmpi eq, %select_n3A_643, %select_n3A_749 : vector<16xi32>
        %mul3A_751 = arith.mulf %select_n3A_719, %select_n3A_734 : vector<16xf32>
        %select_n3A_752 = arith.select %eq3A_750, %mul3A_751, %select_n3A_719 : vector<16xi1>, vector<16xf32>
        %sub3A_753 = arith.constant 8 : i32
        %sub3A_754 = vector.broadcast %sub3A_753 : i32 to vector<16xi32>
        %sub3A_755 = arith.subi %iota3A, %sub3A_754 : vector<16xi32>
        %max3A_756 = arith.constant 0 : i32
        %max3A_757 = vector.broadcast %max3A_756 : i32 to vector<16xi32>
        %max3A_758 = arith.maxsi %sub3A_755, %max3A_757 : vector<16xi32>
        %broadcast_in_dim3A_759 = vector.shape_cast %max3A_758 : vector<16xi32> to vector<16x1xi32>
        %gather3A_760 = vector.shape_cast %broadcast_in_dim3A_759 : vector<16x1xi32> to vector<16xi32>
        %gather3A_761 = tpu.dynamic_gather %select_n3A_752[%gather3A_760] in [0] : vector<16xf32>, vector<16xi32> -> vector<16xf32>
        %lt3A_762 = arith.constant 8 : i32
        %lt3A_763 = vector.broadcast %lt3A_762 : i32 to vector<16xi32>
        %lt3A_764 = arith.cmpi slt, %iota3A, %lt3A_763 : vector<16xi32>
        %jit3A_765 = arith.constant 1.000000e+00 : f32
        %broadcast_in_dim3A_766 = vector.broadcast %jit3A_765 : f32 to vector<16xf32>
        %select_n3A_767 = arith.select %lt3A_764, %broadcast_in_dim3A_766, %gather3A_761 : vector<16xi1>, vector<16xf32>
        %sub3A_768 = arith.constant 8 : i32
        %sub3A_769 = vector.broadcast %sub3A_768 : i32 to vector<16xi32>
        %sub3A_770 = arith.subi %iota3A, %sub3A_769 : vector<16xi32>
        %max3A_771 = arith.constant 0 : i32
        %max3A_772 = vector.broadcast %max3A_771 : i32 to vector<16xi32>
        %max3A_773 = arith.maxsi %sub3A_770, %max3A_772 : vector<16xi32>
        %broadcast_in_dim3A_774 = vector.shape_cast %max3A_773 : vector<16xi32> to vector<16x1xi32>
        %gather3A_775 = vector.shape_cast %broadcast_in_dim3A_774 : vector<16x1xi32> to vector<16xi32>
        %gather3A_776 = tpu.dynamic_gather %select_n3A_643[%gather3A_775] in [0] : vector<16xi32>, vector<16xi32> -> vector<16xi32>
        %lt3A_777 = arith.constant 8 : i32
        %lt3A_778 = vector.broadcast %lt3A_777 : i32 to vector<16xi32>
        %lt3A_779 = arith.cmpi slt, %iota3A, %lt3A_778 : vector<16xi32>
        %jit3A_780 = arith.constant -3 : i32
        %broadcast_in_dim3A_781 = vector.broadcast %jit3A_780 : i32 to vector<16xi32>
        %select_n3A_782 = arith.select %lt3A_779, %broadcast_in_dim3A_781, %gather3A_776 : vector<16xi1>, vector<16xi32>
        %eq3A_783 = arith.cmpi eq, %select_n3A_643, %select_n3A_782 : vector<16xi32>
        %mul3A_784 = arith.mulf %select_n3A_752, %select_n3A_767 : vector<16xf32>
        %select_n3A_785 = arith.select %eq3A_783, %mul3A_784, %select_n3A_752 : vector<16xi1>, vector<16xf32>
        %eq3A_786 = arith.cmpi eq, %select_n3A_643, %while3A_605 : vector<16xi32>
        %mul3A_787 = arith.mulf %select_n3A_785, %while3A_606 : vector<16xf32>
        %select_n3A_788 = arith.select %eq3A_786, %mul3A_787, %select_n3A_785 : vector<16xi1>, vector<16xf32>
        %sub3A_789 = arith.constant 1 : i32
        %sub3A_790 = vector.broadcast %sub3A_789 : i32 to vector<16xi32>
        %sub3A_791 = arith.subi %iota3A, %sub3A_790 : vector<16xi32>
        %max3A_792 = arith.constant 0 : i32
        %max3A_793 = vector.broadcast %max3A_792 : i32 to vector<16xi32>
        %max3A_794 = arith.maxsi %sub3A_791, %max3A_793 : vector<16xi32>
        %broadcast_in_dim3A_795 = vector.shape_cast %max3A_794 : vector<16xi32> to vector<16x1xi32>
        %gather3A_796 = vector.shape_cast %broadcast_in_dim3A_795 : vector<16x1xi32> to vector<16xi32>
        %gather3A_797 = tpu.dynamic_gather %select_n3A_788[%gather3A_796] in [0] : vector<16xf32>, vector<16xi32> -> vector<16xf32>
        %lt3A_798 = arith.constant 1 : i32
        %lt3A_799 = vector.broadcast %lt3A_798 : i32 to vector<16xi32>
        %lt3A_800 = arith.cmpi slt, %iota3A, %lt3A_799 : vector<16xi32>
        %select_n3A_801 = arith.select %lt3A_800, %while3A_606, %gather3A_797 : vector<16xi1>, vector<16xf32>
        %eq3A_802 = arith.cmpi eq, %select_n3A_665, %select_n3A_643 : vector<16xi32>
        %jit3A_803 = arith.constant 1.000000e+00 : f32
        %broadcast_in_dim3A_804 = vector.broadcast %jit3A_803 : f32 to vector<16xf32>
        %select_n3A_805 = arith.select %eq3A_802, %select_n3A_801, %broadcast_in_dim3A_804 : vector<16xi1>, vector<16xf32>
        %mul3A_806 = arith.mulf %select_n3A_640, %select_n3A_805 : vector<16xf32>
        %jit3A_807 = arith.constant -1.000000e+00 : f32
        %jit3A_808 = arith.constant 1.000000e+00 : f32
        %max3A_809 = vector.broadcast %jit3A_807 : f32 to vector<16xf32>
        %max3A_810 = arith.maximumf %max3A_809, %get3A_629 : vector<16xf32>
        %min3A_811 = vector.broadcast %jit3A_808 : f32 to vector<16xf32>
        %min3A_812 = arith.minimumf %min3A_811, %max3A_810 : vector<16xf32>
        %jit3A_813 = arith.constant -1.000000e+00 : f32
        %jit3A_814 = arith.constant 1.000000e+00 : f32
        %max3A_815 = vector.broadcast %jit3A_813 : f32 to vector<16xf32>
        %max3A_816 = arith.maximumf %max3A_815, %get3A_631 : vector<16xf32>
        %min3A_817 = vector.broadcast %jit3A_814 : f32 to vector<16xf32>
        %min3A_818 = arith.minimumf %min3A_817, %max3A_816 : vector<16xf32>
        %jit3A_819 = arith.constant -1.000000e+00 : f32
        %jit3A_820 = arith.constant 1.000000e+00 : f32
        %max3A_821 = vector.broadcast %jit3A_819 : f32 to vector<16xf32>
        %max3A_822 = arith.maximumf %max3A_821, %get3A_633 : vector<16xf32>
        %min3A_823 = vector.broadcast %jit3A_820 : f32 to vector<16xf32>
        %min3A_824 = arith.minimumf %min3A_823, %max3A_822 : vector<16xf32>
        %mul3A_825 = arith.mulf %min3A_812, %min3A_812 : vector<16xf32>
        %mul3A_826 = arith.mulf %min3A_818, %min3A_818 : vector<16xf32>
        %add3A_827 = arith.addf %mul3A_825, %mul3A_826 : vector<16xf32>
        %mul3A_828 = arith.mulf %min3A_824, %min3A_824 : vector<16xf32>
        %add3A_829 = arith.addf %add3A_827, %mul3A_828 : vector<16xf32>
        %max3A_830 = arith.constant 1.000000e-24 : f32
        %max3A_831 = vector.broadcast %max3A_830 : f32 to vector<16xf32>
        %max3A_832 = arith.maximumf %add3A_829, %max3A_831 : vector<16xf32>
        %bitcast_convert_type3A = tpu.bitcast %max3A_832 : vector<16xf32> -> vector<16xi32>
        %shift_right_arithmetic3A_833 = arith.constant 1 : i32
        %shift_right_arithmetic3A_834 = vector.broadcast %shift_right_arithmetic3A_833 : i32 to vector<16xi32>
        %shift_right_arithmetic3A_835 = arith.shrsi %bitcast_convert_type3A, %shift_right_arithmetic3A_834 : vector<16xi32>
        %sub3A_836 = arith.constant 1597463007 : i32
        %sub3A_837 = vector.broadcast %sub3A_836 : i32 to vector<16xi32>
        %sub3A_838 = arith.subi %sub3A_837, %shift_right_arithmetic3A_835 : vector<16xi32>
        %bitcast_convert_type3A_839 = tpu.bitcast %sub3A_838 : vector<16xi32> -> vector<16xf32>
        %mul3A_840 = arith.constant 5.000000e-01 : f32
        %mul3A_841 = vector.broadcast %mul3A_840 : f32 to vector<16xf32>
        %mul3A_842 = arith.mulf %mul3A_841, %max3A_832 : vector<16xf32>
        %mul3A_843 = arith.mulf %mul3A_842, %bitcast_convert_type3A_839 : vector<16xf32>
        %mul3A_844 = arith.mulf %mul3A_843, %bitcast_convert_type3A_839 : vector<16xf32>
        %sub3A_845 = arith.constant 1.500000e+00 : f32
        %sub3A_846 = vector.broadcast %sub3A_845 : f32 to vector<16xf32>
        %sub3A_847 = arith.subf %sub3A_846, %mul3A_844 : vector<16xf32>
        %mul3A_848 = arith.mulf %bitcast_convert_type3A_839, %sub3A_847 : vector<16xf32>
        %mul3A_849 = arith.constant 5.000000e-01 : f32
        %mul3A_850 = vector.broadcast %mul3A_849 : f32 to vector<16xf32>
        %mul3A_851 = arith.mulf %mul3A_850, %max3A_832 : vector<16xf32>
        %mul3A_852 = arith.mulf %mul3A_851, %mul3A_848 : vector<16xf32>
        %mul3A_853 = arith.mulf %mul3A_852, %mul3A_848 : vector<16xf32>
        %sub3A_854 = arith.constant 1.500000e+00 : f32
        %sub3A_855 = vector.broadcast %sub3A_854 : f32 to vector<16xf32>
        %sub3A_856 = arith.subf %sub3A_855, %mul3A_853 : vector<16xf32>
        %mul3A_857 = arith.mulf %mul3A_848, %sub3A_856 : vector<16xf32>
        %add3A_858 = arith.constant 1 : i32
        %add3A_859 = vector.broadcast %add3A_858 : i32 to vector<16xi32>
        %add3A_860 = arith.addi %iota3A, %add3A_859 : vector<16xi32>
        %min3A_861 = arith.constant 15 : i32
        %min3A_862 = vector.broadcast %min3A_861 : i32 to vector<16xi32>
        %min3A_863 = arith.minsi %add3A_860, %min3A_862 : vector<16xi32>
        %broadcast_in_dim3A_864 = vector.shape_cast %min3A_863 : vector<16xi32> to vector<16x1xi32>
        %gather3A_865 = vector.shape_cast %broadcast_in_dim3A_864 : vector<16x1xi32> to vector<16xi32>
        %gather3A_866 = tpu.dynamic_gather %select_n3A_643[%gather3A_865] in [0] : vector<16xi32>, vector<16xi32> -> vector<16xi32>
        %eq3A_867 = arith.constant 15 : i32
        %eq3A_868 = vector.broadcast %eq3A_867 : i32 to vector<16xi32>
        %eq3A_869 = arith.cmpi eq, %iota3A, %eq3A_868 : vector<16xi32>
        %jit3A_870 = arith.constant -9 : i32
        %broadcast_in_dim3A_871 = vector.broadcast %jit3A_870 : i32 to vector<16xi32>
        %select_n3A_872 = arith.select %eq3A_869, %broadcast_in_dim3A_871, %gather3A_866 : vector<16xi1>, vector<16xi32>
        %ne3A_873 = arith.cmpi ne, %select_n3A_643, %select_n3A_872 : vector<16xi32>
        %ne3A_874 = arith.cmpi ne, %select_n3A_643, %select_n3A_665 : vector<16xi32>
        %jit3A_875 = arith.constant 0 : i32
        %broadcast_in_dim3A_876 = vector.broadcast %jit3A_875 : i32 to vector<16xi32>
        %select_n3A_877 = arith.select %ne3A_874, %iota3A, %broadcast_in_dim3A_876 : vector<16xi1>, vector<16xi32>
        %broadcast_in_dim3A_878 = arith.constant true
        %broadcast_in_dim3A_879 = vector.broadcast %broadcast_in_dim3A_878 : i1 to vector<16xi1>
        %masked_cummax3A = arith.constant -2147483648 : i32
        %masked_cummax3A_880 = vector.broadcast %masked_cummax3A : i32 to vector<16xi32>
        %masked_cummax3A_881 = arith.xori %select_n3A_877, %masked_cummax3A_880 : vector<16xi32>
        %masked_cummax3A_882 = tpu.scan <max>, %masked_cummax3A_881 masked %broadcast_in_dim3A_879 : vector<16xi32>, vector<16xi1> -> vector<16xi32>
        %masked_cummax3A_883 = arith.xori %masked_cummax3A_882, %masked_cummax3A_880 : vector<16xi32>
        %sub3A_884 = arith.constant 1 : i32
        %sub3A_885 = vector.broadcast %sub3A_884 : i32 to vector<16xi32>
        %sub3A_886 = arith.subi %masked_cummax3A_883, %sub3A_885 : vector<16xi32>
        %max3A_887 = arith.constant 0 : i32
        %max3A_888 = vector.broadcast %max3A_887 : i32 to vector<16xi32>
        %max3A_889 = arith.maxsi %sub3A_886, %max3A_888 : vector<16xi32>
        %gt3A = arith.constant 0 : i32
        %gt3A_890 = vector.broadcast %gt3A : i32 to vector<16xi32>
        %gt3A_891 = arith.cmpi sgt, %masked_cummax3A_883, %gt3A_890 : vector<16xi32>
        %sub3A_892 = vector.broadcast %multiple_of3A : i32 to vector<16xi32>
        %sub3A_893 = arith.subi %select_n3A_643, %sub3A_892 : vector<16xi32>
        %max3A_894 = arith.constant 0 : i32
        %max3A_895 = vector.broadcast %max3A_894 : i32 to vector<16xi32>
        %max3A_896 = arith.maxsi %sub3A_893, %max3A_895 : vector<16xi32>
        %ge3A_897 = vector.broadcast %multiple_of3A : i32 to vector<16xi32>
        %ge3A_898 = arith.cmpi sge, %select_n3A_643, %ge3A_897 : vector<16xi32>
        %and3A_899 = arith.andi %ne3A_873, %ge3A_898 : vector<16xi1>
        %mul3A_900 = arith.constant 3 : i32
        %mul3A_901 = vector.broadcast %mul3A_900 : i32 to vector<16xi32>
        %mul3A_902 = arith.muli %max3A_896, %mul3A_901 : vector<16xi32>
        %broadcast_in_dim3A_903 = arith.constant true
        %broadcast_in_dim3A_904 = vector.broadcast %broadcast_in_dim3A_903 : i1 to vector<16xi1>
        %masked_cumsum3A = tpu.scan <sum>, %mul3A_806 masked %broadcast_in_dim3A_904 : vector<16xf32>, vector<16xi1> -> vector<16xf32>
        %broadcast_in_dim3A_905 = vector.shape_cast %max3A_889 : vector<16xi32> to vector<16x1xi32>
        %gather3A_906 = vector.shape_cast %broadcast_in_dim3A_905 : vector<16x1xi32> to vector<16xi32>
        %gather3A_907 = tpu.dynamic_gather %masked_cumsum3A[%gather3A_906] in [0] : vector<16xf32>, vector<16xi32> -> vector<16xf32>
        %jit3A_908 = arith.constant 0.000000e+00 : f32
        %broadcast_in_dim3A_909 = vector.broadcast %jit3A_908 : f32 to vector<16xf32>
        %select_n3A_910 = arith.select %gt3A_891, %gather3A_907, %broadcast_in_dim3A_909 : vector<16xi1>, vector<16xf32>
        %sub3A_911 = arith.subf %masked_cumsum3A, %select_n3A_910 : vector<16xf32>
        tpu.vector_store_idx %arg26[%max3A_896], %sub3A_911 masked %and3A_899 {add = true} : memref<256xf32, #tpu.memory_space<vmem>>[vector<16xi32>], vector<16xf32>, vector<16xi1>
        %mul3A_912 = arith.mulf %mul3A_806, %get3A_619 : vector<16xf32>
        %broadcast_in_dim3A_913 = arith.constant true
        %broadcast_in_dim3A_914 = vector.broadcast %broadcast_in_dim3A_913 : i1 to vector<16xi1>
        %masked_cumsum3A_915 = tpu.scan <sum>, %mul3A_912 masked %broadcast_in_dim3A_914 : vector<16xf32>, vector<16xi1> -> vector<16xf32>
        %broadcast_in_dim3A_916 = vector.shape_cast %max3A_889 : vector<16xi32> to vector<16x1xi32>
        %gather3A_917 = vector.shape_cast %broadcast_in_dim3A_916 : vector<16x1xi32> to vector<16xi32>
        %gather3A_918 = tpu.dynamic_gather %masked_cumsum3A_915[%gather3A_917] in [0] : vector<16xf32>, vector<16xi32> -> vector<16xf32>
        %jit3A_919 = arith.constant 0.000000e+00 : f32
        %broadcast_in_dim3A_920 = vector.broadcast %jit3A_919 : f32 to vector<16xf32>
        %select_n3A_921 = arith.select %gt3A_891, %gather3A_918, %broadcast_in_dim3A_920 : vector<16xi1>, vector<16xf32>
        %sub3A_922 = arith.subf %masked_cumsum3A_915, %select_n3A_921 : vector<16xf32>
        tpu.vector_store_idx %arg27[%max3A_896], %sub3A_922 masked %and3A_899 {add = true} : memref<256xf32, #tpu.memory_space<vmem>>[vector<16xi32>], vector<16xf32>, vector<16xi1>
        %mul3A_923 = arith.mulf %mul3A_806, %get3A_623 : vector<16xf32>
        %broadcast_in_dim3A_924 = arith.constant true
        %broadcast_in_dim3A_925 = vector.broadcast %broadcast_in_dim3A_924 : i1 to vector<16xi1>
        %masked_cumsum3A_926 = tpu.scan <sum>, %mul3A_923 masked %broadcast_in_dim3A_925 : vector<16xf32>, vector<16xi1> -> vector<16xf32>
        %broadcast_in_dim3A_927 = vector.shape_cast %max3A_889 : vector<16xi32> to vector<16x1xi32>
        %gather3A_928 = vector.shape_cast %broadcast_in_dim3A_927 : vector<16x1xi32> to vector<16xi32>
        %gather3A_929 = tpu.dynamic_gather %masked_cumsum3A_926[%gather3A_928] in [0] : vector<16xf32>, vector<16xi32> -> vector<16xf32>
        %jit3A_930 = arith.constant 0.000000e+00 : f32
        %broadcast_in_dim3A_931 = vector.broadcast %jit3A_930 : f32 to vector<16xf32>
        %select_n3A_932 = arith.select %gt3A_891, %gather3A_929, %broadcast_in_dim3A_931 : vector<16xi1>, vector<16xf32>
        %sub3A_933 = arith.subf %masked_cumsum3A_926, %select_n3A_932 : vector<16xf32>
        tpu.vector_store_idx %arg28[%mul3A_902], %sub3A_933 masked %and3A_899 {add = true} : memref<768xf32, #tpu.memory_space<vmem>>[vector<16xi32>], vector<16xf32>, vector<16xi1>
        %add3A_934 = arith.constant 1 : i32
        %add3A_935 = vector.broadcast %add3A_934 : i32 to vector<16xi32>
        %add3A_936 = arith.addi %mul3A_902, %add3A_935 : vector<16xi32>
        %mul3A_937 = arith.mulf %mul3A_806, %get3A_625 : vector<16xf32>
        %broadcast_in_dim3A_938 = arith.constant true
        %broadcast_in_dim3A_939 = vector.broadcast %broadcast_in_dim3A_938 : i1 to vector<16xi1>
        %masked_cumsum3A_940 = tpu.scan <sum>, %mul3A_937 masked %broadcast_in_dim3A_939 : vector<16xf32>, vector<16xi1> -> vector<16xf32>
        %broadcast_in_dim3A_941 = vector.shape_cast %max3A_889 : vector<16xi32> to vector<16x1xi32>
        %gather3A_942 = vector.shape_cast %broadcast_in_dim3A_941 : vector<16x1xi32> to vector<16xi32>
        %gather3A_943 = tpu.dynamic_gather %masked_cumsum3A_940[%gather3A_942] in [0] : vector<16xf32>, vector<16xi32> -> vector<16xf32>
        %jit3A_944 = arith.constant 0.000000e+00 : f32
        %broadcast_in_dim3A_945 = vector.broadcast %jit3A_944 : f32 to vector<16xf32>
        %select_n3A_946 = arith.select %gt3A_891, %gather3A_943, %broadcast_in_dim3A_945 : vector<16xi1>, vector<16xf32>
        %sub3A_947 = arith.subf %masked_cumsum3A_940, %select_n3A_946 : vector<16xf32>
        tpu.vector_store_idx %arg28[%add3A_936], %sub3A_947 masked %and3A_899 {add = true} : memref<768xf32, #tpu.memory_space<vmem>>[vector<16xi32>], vector<16xf32>, vector<16xi1>
        %add3A_948 = arith.constant 2 : i32
        %add3A_949 = vector.broadcast %add3A_948 : i32 to vector<16xi32>
        %add3A_950 = arith.addi %mul3A_902, %add3A_949 : vector<16xi32>
        %mul3A_951 = arith.mulf %mul3A_806, %get3A_627 : vector<16xf32>
        %broadcast_in_dim3A_952 = arith.constant true
        %broadcast_in_dim3A_953 = vector.broadcast %broadcast_in_dim3A_952 : i1 to vector<16xi1>
        %masked_cumsum3A_954 = tpu.scan <sum>, %mul3A_951 masked %broadcast_in_dim3A_953 : vector<16xf32>, vector<16xi1> -> vector<16xf32>
        %broadcast_in_dim3A_955 = vector.shape_cast %max3A_889 : vector<16xi32> to vector<16x1xi32>
        %gather3A_956 = vector.shape_cast %broadcast_in_dim3A_955 : vector<16x1xi32> to vector<16xi32>
        %gather3A_957 = tpu.dynamic_gather %masked_cumsum3A_954[%gather3A_956] in [0] : vector<16xf32>, vector<16xi32> -> vector<16xf32>
        %jit3A_958 = arith.constant 0.000000e+00 : f32
        %broadcast_in_dim3A_959 = vector.broadcast %jit3A_958 : f32 to vector<16xf32>
        %select_n3A_960 = arith.select %gt3A_891, %gather3A_957, %broadcast_in_dim3A_959 : vector<16xi1>, vector<16xf32>
        %sub3A_961 = arith.subf %masked_cumsum3A_954, %select_n3A_960 : vector<16xf32>
        tpu.vector_store_idx %arg28[%add3A_950], %sub3A_961 masked %and3A_899 {add = true} : memref<768xf32, #tpu.memory_space<vmem>>[vector<16xi32>], vector<16xf32>, vector<16xi1>
        %mul3A_962 = arith.mulf %mul3A_806, %mul3A_857 : vector<16xf32>
        %mul3A_963 = arith.mulf %mul3A_962, %min3A_812 : vector<16xf32>
        %broadcast_in_dim3A_964 = arith.constant true
        %broadcast_in_dim3A_965 = vector.broadcast %broadcast_in_dim3A_964 : i1 to vector<16xi1>
        %masked_cumsum3A_966 = tpu.scan <sum>, %mul3A_963 masked %broadcast_in_dim3A_965 : vector<16xf32>, vector<16xi1> -> vector<16xf32>
        %broadcast_in_dim3A_967 = vector.shape_cast %max3A_889 : vector<16xi32> to vector<16x1xi32>
        %gather3A_968 = vector.shape_cast %broadcast_in_dim3A_967 : vector<16x1xi32> to vector<16xi32>
        %gather3A_969 = tpu.dynamic_gather %masked_cumsum3A_966[%gather3A_968] in [0] : vector<16xf32>, vector<16xi32> -> vector<16xf32>
        %jit3A_970 = arith.constant 0.000000e+00 : f32
        %broadcast_in_dim3A_971 = vector.broadcast %jit3A_970 : f32 to vector<16xf32>
        %select_n3A_972 = arith.select %gt3A_891, %gather3A_969, %broadcast_in_dim3A_971 : vector<16xi1>, vector<16xf32>
        %sub3A_973 = arith.subf %masked_cumsum3A_966, %select_n3A_972 : vector<16xf32>
        tpu.vector_store_idx %arg29[%mul3A_902], %sub3A_973 masked %and3A_899 {add = true} : memref<768xf32, #tpu.memory_space<vmem>>[vector<16xi32>], vector<16xf32>, vector<16xi1>
        %add3A_974 = arith.constant 1 : i32
        %add3A_975 = vector.broadcast %add3A_974 : i32 to vector<16xi32>
        %add3A_976 = arith.addi %mul3A_902, %add3A_975 : vector<16xi32>
        %mul3A_977 = arith.mulf %mul3A_962, %min3A_818 : vector<16xf32>
        %broadcast_in_dim3A_978 = arith.constant true
        %broadcast_in_dim3A_979 = vector.broadcast %broadcast_in_dim3A_978 : i1 to vector<16xi1>
        %masked_cumsum3A_980 = tpu.scan <sum>, %mul3A_977 masked %broadcast_in_dim3A_979 : vector<16xf32>, vector<16xi1> -> vector<16xf32>
        %broadcast_in_dim3A_981 = vector.shape_cast %max3A_889 : vector<16xi32> to vector<16x1xi32>
        %gather3A_982 = vector.shape_cast %broadcast_in_dim3A_981 : vector<16x1xi32> to vector<16xi32>
        %gather3A_983 = tpu.dynamic_gather %masked_cumsum3A_980[%gather3A_982] in [0] : vector<16xf32>, vector<16xi32> -> vector<16xf32>
        %jit3A_984 = arith.constant 0.000000e+00 : f32
        %broadcast_in_dim3A_985 = vector.broadcast %jit3A_984 : f32 to vector<16xf32>
        %select_n3A_986 = arith.select %gt3A_891, %gather3A_983, %broadcast_in_dim3A_985 : vector<16xi1>, vector<16xf32>
        %sub3A_987 = arith.subf %masked_cumsum3A_980, %select_n3A_986 : vector<16xf32>
        tpu.vector_store_idx %arg29[%add3A_976], %sub3A_987 masked %and3A_899 {add = true} : memref<768xf32, #tpu.memory_space<vmem>>[vector<16xi32>], vector<16xf32>, vector<16xi1>
        %add3A_988 = arith.constant 2 : i32
        %add3A_989 = vector.broadcast %add3A_988 : i32 to vector<16xi32>
        %add3A_990 = arith.addi %mul3A_902, %add3A_989 : vector<16xi32>
        %mul3A_991 = arith.mulf %mul3A_962, %min3A_824 : vector<16xf32>
        %broadcast_in_dim3A_992 = arith.constant true
        %broadcast_in_dim3A_993 = vector.broadcast %broadcast_in_dim3A_992 : i1 to vector<16xi1>
        %masked_cumsum3A_994 = tpu.scan <sum>, %mul3A_991 masked %broadcast_in_dim3A_993 : vector<16xf32>, vector<16xi1> -> vector<16xf32>
        %broadcast_in_dim3A_995 = vector.shape_cast %max3A_889 : vector<16xi32> to vector<16x1xi32>
        %gather3A_996 = vector.shape_cast %broadcast_in_dim3A_995 : vector<16x1xi32> to vector<16xi32>
        %gather3A_997 = tpu.dynamic_gather %masked_cumsum3A_994[%gather3A_996] in [0] : vector<16xf32>, vector<16xi32> -> vector<16xf32>
        %jit3A_998 = arith.constant 0.000000e+00 : f32
        %broadcast_in_dim3A_999 = vector.broadcast %jit3A_998 : f32 to vector<16xf32>
        %select_n3A_1000 = arith.select %gt3A_891, %gather3A_997, %broadcast_in_dim3A_999 : vector<16xi1>, vector<16xf32>
        %sub3A_1001 = arith.subf %masked_cumsum3A_994, %select_n3A_1000 : vector<16xf32>
        tpu.vector_store_idx %arg29[%add3A_990], %sub3A_1001 masked %and3A_899 {add = true} : memref<768xf32, #tpu.memory_space<vmem>>[vector<16xi32>], vector<16xf32>, vector<16xi1>
        %broadcast_in_dim3A_1002 = arith.constant 15 : i32
        %broadcast_in_dim3A_1003 = vector.broadcast %broadcast_in_dim3A_1002 : i32 to vector<16xi32>
        %broadcast_in_dim3A_1004 = vector.shape_cast %broadcast_in_dim3A_1003 : vector<16xi32> to vector<16x1xi32>
        %gather3A_1005 = vector.shape_cast %broadcast_in_dim3A_1004 : vector<16x1xi32> to vector<16xi32>
        %gather3A_1006 = tpu.dynamic_gather %select_n3A_643[%gather3A_1005] in [0] : vector<16xi32>, vector<16xi32> -> vector<16xi32>
        %broadcast_in_dim3A_1007 = arith.constant 15 : i32
        %broadcast_in_dim3A_1008 = vector.broadcast %broadcast_in_dim3A_1007 : i32 to vector<16xi32>
        %broadcast_in_dim3A_1009 = vector.shape_cast %broadcast_in_dim3A_1008 : vector<16xi32> to vector<16x1xi32>
        %gather3A_1010 = vector.shape_cast %broadcast_in_dim3A_1009 : vector<16x1xi32> to vector<16xi32>
        %gather3A_1011 = tpu.dynamic_gather %select_n3A_788[%gather3A_1010] in [0] : vector<16xf32>, vector<16xi32> -> vector<16xf32>
        scf.yield %gather3A_1006, %gather3A_1011 : vector<16xi32>, vector<16xf32>
      }
      %while3A_602 = arith.constant 1 : i32
      %while3A_603:2 = scf.for %while3A_604 = %while3A_599 to %while3A_595 step %while3A_602 iter_args(%while3A_605 = %while3A_601#0, %while3A_606 = %while3A_601#1) -> (vector<16xi32>, vector<16xf32>)  : i32 {
        %mul3A_607 = arith.constant 2048 : i32
        %mul3A_608 = arith.muli %while3A_523, %mul3A_607 : i32
        %add3A_609 = arith.addi %and3A_279, %mul3A_608 : i32
        %mul3A_610 = arith.constant 16 : i32
        %mul3A_611 = arith.muli %while3A_604, %mul3A_610 : i32
        %add3A_612 = arith.addi %add3A_609, %mul3A_611 : i32
        %sub3A_613 = arith.subi %add3A_612, %sub3A_586 : i32
        %add3A_614 = vector.broadcast %add3A_612 : i32 to vector<16xi32>
        %add3A_615 = arith.addi %add3A_614, %iota3A : vector<16xi32>
        %get3A_616 = arith.index_cast %sub3A_613 : i32 to index
        %get3A_617 = tpu.vector_load %arg17[%get3A_616] {strides = array<i32>} : memref<4096xf32, #tpu.memory_space<vmem>>, vector<16xf32>,
        %get3A_618 = arith.index_cast %sub3A_613 : i32 to index
        %get3A_619 = tpu.vector_load %arg18[%get3A_618] {strides = array<i32>} : memref<4096xf32, #tpu.memory_space<vmem>>, vector<16xf32>,
        %get3A_620 = arith.index_cast %sub3A_613 : i32 to index
        %get3A_621 = tpu.vector_load %arg19[%get3A_620] {strides = array<i32>} : memref<4096xi32, #tpu.memory_space<vmem>>, vector<16xi32>,
        %get3A_622 = arith.index_cast %sub3A_613 : i32 to index
        %get3A_623 = tpu.vector_load %arg20[%get3A_622] {strides = array<i32>} : memref<4096xf32, #tpu.memory_space<vmem>>, vector<16xf32>,
        %get3A_624 = arith.index_cast %sub3A_613 : i32 to index
        %get3A_625 = tpu.vector_load %arg21[%get3A_624] {strides = array<i32>} : memref<4096xf32, #tpu.memory_space<vmem>>, vector<16xf32>,
        %get3A_626 = arith.index_cast %sub3A_613 : i32 to index
        %get3A_627 = tpu.vector_load %arg22[%get3A_626] {strides = array<i32>} : memref<4096xf32, #tpu.memory_space<vmem>>, vector<16xf32>,
        %get3A_628 = arith.index_cast %sub3A_613 : i32 to index
        %get3A_629 = tpu.vector_load %arg23[%get3A_628] {strides = array<i32>} : memref<4096xf32, #tpu.memory_space<vmem>>, vector<16xf32>,
        %get3A_630 = arith.index_cast %sub3A_613 : i32 to index
        %get3A_631 = tpu.vector_load %arg24[%get3A_630] {strides = array<i32>} : memref<4096xf32, #tpu.memory_space<vmem>>, vector<16xf32>,
        %get3A_632 = arith.index_cast %sub3A_613 : i32 to index
        %get3A_633 = tpu.vector_load %arg25[%get3A_632] {strides = array<i32>} : memref<4096xf32, #tpu.memory_space<vmem>>, vector<16xf32>,
        %ge3A = vector.broadcast %reduce_min3A_9 : i32 to vector<16xi32>
        %ge3A_634 = arith.cmpi sge, %add3A_615, %ge3A : vector<16xi32>
        %lt3A_635 = vector.broadcast %reduce_min3A_21 : i32 to vector<16xi32>
        %lt3A_636 = arith.cmpi slt, %add3A_615, %lt3A_635 : vector<16xi32>
        %and3A_637 = arith.andi %ge3A_634, %lt3A_636 : vector<16xi1>
        %jit3A_638 = arith.constant 0.000000e+00 : f32
        %broadcast_in_dim3A_639 = vector.broadcast %jit3A_638 : f32 to vector<16xf32>
        %select_n3A_640 = arith.select %and3A_637, %get3A_617, %broadcast_in_dim3A_639 : vector<16xi1>, vector<16xf32>
        %jit3A_641 = arith.constant -2 : i32
        %broadcast_in_dim3A_642 = vector.broadcast %jit3A_641 : i32 to vector<16xi32>
        %select_n3A_643 = arith.select %and3A_637, %get3A_621, %broadcast_in_dim3A_642 : vector<16xi1>, vector<16xi32>
        %sub3A_644 = arith.constant 1.000000e+00 : f32
        %sub3A_645 = vector.broadcast %sub3A_644 : f32 to vector<16xf32>
        %sub3A_646 = arith.subf %sub3A_645, %select_n3A_640 : vector<16xf32>
        %jit3A_647 = arith.constant 1.000000e-10 : f32
        %jit3A_648 = arith.constant 1.000000e+00 : f32
        %max3A_649 = vector.broadcast %jit3A_647 : f32 to vector<16xf32>
        %max3A_650 = arith.maximumf %max3A_649, %sub3A_646 : vector<16xf32>
        %min3A_651 = vector.broadcast %jit3A_648 : f32 to vector<16xf32>
        %min3A_652 = arith.minimumf %min3A_651, %max3A_650 : vector<16xf32>
        %sub3A_653 = arith.constant 1 : i32
        %sub3A_654 = vector.broadcast %sub3A_653 : i32 to vector<16xi32>
        %sub3A_655 = arith.subi %iota3A, %sub3A_654 : vector<16xi32>
        %max3A_656 = arith.constant 0 : i32
        %max3A_657 = vector.broadcast %max3A_656 : i32 to vector<16xi32>
        %max3A_658 = arith.maxsi %sub3A_655, %max3A_657 : vector<16xi32>
        %broadcast_in_dim3A_659 = vector.shape_cast %max3A_658 : vector<16xi32> to vector<16x1xi32>
        %gather3A_660 = vector.shape_cast %broadcast_in_dim3A_659 : vector<16x1xi32> to vector<16xi32>
        %gather3A_661 = tpu.dynamic_gather %select_n3A_643[%gather3A_660] in [0] : vector<16xi32>, vector<16xi32> -> vector<16xi32>
        %lt3A_662 = arith.constant 1 : i32
        %lt3A_663 = vector.broadcast %lt3A_662 : i32 to vector<16xi32>
        %lt3A_664 = arith.cmpi slt, %iota3A, %lt3A_663 : vector<16xi32>
        %select_n3A_665 = arith.select %lt3A_664, %while3A_605, %gather3A_661 : vector<16xi1>, vector<16xi32>
        %sub3A_666 = arith.constant 1 : i32
        %sub3A_667 = vector.broadcast %sub3A_666 : i32 to vector<16xi32>
        %sub3A_668 = arith.subi %iota3A, %sub3A_667 : vector<16xi32>
        %max3A_669 = arith.constant 0 : i32
        %max3A_670 = vector.broadcast %max3A_669 : i32 to vector<16xi32>
        %max3A_671 = arith.maxsi %sub3A_668, %max3A_670 : vector<16xi32>
        %broadcast_in_dim3A_672 = vector.shape_cast %max3A_671 : vector<16xi32> to vector<16x1xi32>
        %gather3A_673 = vector.shape_cast %broadcast_in_dim3A_672 : vector<16x1xi32> to vector<16xi32>
        %gather3A_674 = tpu.dynamic_gather %min3A_652[%gather3A_673] in [0] : vector<16xf32>, vector<16xi32> -> vector<16xf32>
        %lt3A_675 = arith.constant 1 : i32
        %lt3A_676 = vector.broadcast %lt3A_675 : i32 to vector<16xi32>
        %lt3A_677 = arith.cmpi slt, %iota3A, %lt3A_676 : vector<16xi32>
        %jit3A_678 = arith.constant 1.000000e+00 : f32
        %broadcast_in_dim3A_679 = vector.broadcast %jit3A_678 : f32 to vector<16xf32>
        %select_n3A_680 = arith.select %lt3A_677, %broadcast_in_dim3A_679, %gather3A_674 : vector<16xi1>, vector<16xf32>
        %eq3A = arith.cmpi eq, %select_n3A_643, %select_n3A_665 : vector<16xi32>
        %ge3A_681 = arith.constant 1 : i32
        %ge3A_682 = vector.broadcast %ge3A_681 : i32 to vector<16xi32>
        %ge3A_683 = arith.cmpi sge, %iota3A, %ge3A_682 : vector<16xi32>
        %and3A_684 = arith.andi %eq3A, %ge3A_683 : vector<16xi1>
        %mul3A_685 = arith.mulf %min3A_652, %select_n3A_680 : vector<16xf32>
        %select_n3A_686 = arith.select %and3A_684, %mul3A_685, %min3A_652 : vector<16xi1>, vector<16xf32>
        %sub3A_687 = arith.constant 2 : i32
        %sub3A_688 = vector.broadcast %sub3A_687 : i32 to vector<16xi32>
        %sub3A_689 = arith.subi %iota3A, %sub3A_688 : vector<16xi32>
        %max3A_690 = arith.constant 0 : i32
        %max3A_691 = vector.broadcast %max3A_690 : i32 to vector<16xi32>
        %max3A_692 = arith.maxsi %sub3A_689, %max3A_691 : vector<16xi32>
        %broadcast_in_dim3A_693 = vector.shape_cast %max3A_692 : vector<16xi32> to vector<16x1xi32>
        %gather3A_694 = vector.shape_cast %broadcast_in_dim3A_693 : vector<16x1xi32> to vector<16xi32>
        %gather3A_695 = tpu.dynamic_gather %select_n3A_686[%gather3A_694] in [0] : vector<16xf32>, vector<16xi32> -> vector<16xf32>
        %lt3A_696 = arith.constant 2 : i32
        %lt3A_697 = vector.broadcast %lt3A_696 : i32 to vector<16xi32>
        %lt3A_698 = arith.cmpi slt, %iota3A, %lt3A_697 : vector<16xi32>
        %jit3A_699 = arith.constant 1.000000e+00 : f32
        %broadcast_in_dim3A_700 = vector.broadcast %jit3A_699 : f32 to vector<16xf32>
        %select_n3A_701 = arith.select %lt3A_698, %broadcast_in_dim3A_700, %gather3A_695 : vector<16xi1>, vector<16xf32>
        %sub3A_702 = arith.constant 2 : i32
        %sub3A_703 = vector.broadcast %sub3A_702 : i32 to vector<16xi32>
        %sub3A_704 = arith.subi %iota3A, %sub3A_703 : vector<16xi32>
        %max3A_705 = arith.constant 0 : i32
        %max3A_706 = vector.broadcast %max3A_705 : i32 to vector<16xi32>
        %max3A_707 = arith.maxsi %sub3A_704, %max3A_706 : vector<16xi32>
        %broadcast_in_dim3A_708 = vector.shape_cast %max3A_707 : vector<16xi32> to vector<16x1xi32>
        %gather3A_709 = vector.shape_cast %broadcast_in_dim3A_708 : vector<16x1xi32> to vector<16xi32>
        %gather3A_710 = tpu.dynamic_gather %select_n3A_643[%gather3A_709] in [0] : vector<16xi32>, vector<16xi32> -> vector<16xi32>
        %lt3A_711 = arith.constant 2 : i32
        %lt3A_712 = vector.broadcast %lt3A_711 : i32 to vector<16xi32>
        %lt3A_713 = arith.cmpi slt, %iota3A, %lt3A_712 : vector<16xi32>
        %jit3A_714 = arith.constant -3 : i32
        %broadcast_in_dim3A_715 = vector.broadcast %jit3A_714 : i32 to vector<16xi32>
        %select_n3A_716 = arith.select %lt3A_713, %broadcast_in_dim3A_715, %gather3A_710 : vector<16xi1>, vector<16xi32>
        %eq3A_717 = arith.cmpi eq, %select_n3A_643, %select_n3A_716 : vector<16xi32>
        %mul3A_718 = arith.mulf %select_n3A_686, %select_n3A_701 : vector<16xf32>
        %select_n3A_719 = arith.select %eq3A_717, %mul3A_718, %select_n3A_686 : vector<16xi1>, vector<16xf32>
        %sub3A_720 = arith.constant 4 : i32
        %sub3A_721 = vector.broadcast %sub3A_720 : i32 to vector<16xi32>
        %sub3A_722 = arith.subi %iota3A, %sub3A_721 : vector<16xi32>
        %max3A_723 = arith.constant 0 : i32
        %max3A_724 = vector.broadcast %max3A_723 : i32 to vector<16xi32>
        %max3A_725 = arith.maxsi %sub3A_722, %max3A_724 : vector<16xi32>
        %broadcast_in_dim3A_726 = vector.shape_cast %max3A_725 : vector<16xi32> to vector<16x1xi32>
        %gather3A_727 = vector.shape_cast %broadcast_in_dim3A_726 : vector<16x1xi32> to vector<16xi32>
        %gather3A_728 = tpu.dynamic_gather %select_n3A_719[%gather3A_727] in [0] : vector<16xf32>, vector<16xi32> -> vector<16xf32>
        %lt3A_729 = arith.constant 4 : i32
        %lt3A_730 = vector.broadcast %lt3A_729 : i32 to vector<16xi32>
        %lt3A_731 = arith.cmpi slt, %iota3A, %lt3A_730 : vector<16xi32>
        %jit3A_732 = arith.constant 1.000000e+00 : f32
        %broadcast_in_dim3A_733 = vector.broadcast %jit3A_732 : f32 to vector<16xf32>
        %select_n3A_734 = arith.select %lt3A_731, %broadcast_in_dim3A_733, %gather3A_728 : vector<16xi1>, vector<16xf32>
        %sub3A_735 = arith.constant 4 : i32
        %sub3A_736 = vector.broadcast %sub3A_735 : i32 to vector<16xi32>
        %sub3A_737 = arith.subi %iota3A, %sub3A_736 : vector<16xi32>
        %max3A_738 = arith.constant 0 : i32
        %max3A_739 = vector.broadcast %max3A_738 : i32 to vector<16xi32>
        %max3A_740 = arith.maxsi %sub3A_737, %max3A_739 : vector<16xi32>
        %broadcast_in_dim3A_741 = vector.shape_cast %max3A_740 : vector<16xi32> to vector<16x1xi32>
        %gather3A_742 = vector.shape_cast %broadcast_in_dim3A_741 : vector<16x1xi32> to vector<16xi32>
        %gather3A_743 = tpu.dynamic_gather %select_n3A_643[%gather3A_742] in [0] : vector<16xi32>, vector<16xi32> -> vector<16xi32>
        %lt3A_744 = arith.constant 4 : i32
        %lt3A_745 = vector.broadcast %lt3A_744 : i32 to vector<16xi32>
        %lt3A_746 = arith.cmpi slt, %iota3A, %lt3A_745 : vector<16xi32>
        %jit3A_747 = arith.constant -3 : i32
        %broadcast_in_dim3A_748 = vector.broadcast %jit3A_747 : i32 to vector<16xi32>
        %select_n3A_749 = arith.select %lt3A_746, %broadcast_in_dim3A_748, %gather3A_743 : vector<16xi1>, vector<16xi32>
        %eq3A_750 = arith.cmpi eq, %select_n3A_643, %select_n3A_749 : vector<16xi32>
        %mul3A_751 = arith.mulf %select_n3A_719, %select_n3A_734 : vector<16xf32>
        %select_n3A_752 = arith.select %eq3A_750, %mul3A_751, %select_n3A_719 : vector<16xi1>, vector<16xf32>
        %sub3A_753 = arith.constant 8 : i32
        %sub3A_754 = vector.broadcast %sub3A_753 : i32 to vector<16xi32>
        %sub3A_755 = arith.subi %iota3A, %sub3A_754 : vector<16xi32>
        %max3A_756 = arith.constant 0 : i32
        %max3A_757 = vector.broadcast %max3A_756 : i32 to vector<16xi32>
        %max3A_758 = arith.maxsi %sub3A_755, %max3A_757 : vector<16xi32>
        %broadcast_in_dim3A_759 = vector.shape_cast %max3A_758 : vector<16xi32> to vector<16x1xi32>
        %gather3A_760 = vector.shape_cast %broadcast_in_dim3A_759 : vector<16x1xi32> to vector<16xi32>
        %gather3A_761 = tpu.dynamic_gather %select_n3A_752[%gather3A_760] in [0] : vector<16xf32>, vector<16xi32> -> vector<16xf32>
        %lt3A_762 = arith.constant 8 : i32
        %lt3A_763 = vector.broadcast %lt3A_762 : i32 to vector<16xi32>
        %lt3A_764 = arith.cmpi slt, %iota3A, %lt3A_763 : vector<16xi32>
        %jit3A_765 = arith.constant 1.000000e+00 : f32
        %broadcast_in_dim3A_766 = vector.broadcast %jit3A_765 : f32 to vector<16xf32>
        %select_n3A_767 = arith.select %lt3A_764, %broadcast_in_dim3A_766, %gather3A_761 : vector<16xi1>, vector<16xf32>
        %sub3A_768 = arith.constant 8 : i32
        %sub3A_769 = vector.broadcast %sub3A_768 : i32 to vector<16xi32>
        %sub3A_770 = arith.subi %iota3A, %sub3A_769 : vector<16xi32>
        %max3A_771 = arith.constant 0 : i32
        %max3A_772 = vector.broadcast %max3A_771 : i32 to vector<16xi32>
        %max3A_773 = arith.maxsi %sub3A_770, %max3A_772 : vector<16xi32>
        %broadcast_in_dim3A_774 = vector.shape_cast %max3A_773 : vector<16xi32> to vector<16x1xi32>
        %gather3A_775 = vector.shape_cast %broadcast_in_dim3A_774 : vector<16x1xi32> to vector<16xi32>
        %gather3A_776 = tpu.dynamic_gather %select_n3A_643[%gather3A_775] in [0] : vector<16xi32>, vector<16xi32> -> vector<16xi32>
        %lt3A_777 = arith.constant 8 : i32
        %lt3A_778 = vector.broadcast %lt3A_777 : i32 to vector<16xi32>
        %lt3A_779 = arith.cmpi slt, %iota3A, %lt3A_778 : vector<16xi32>
        %jit3A_780 = arith.constant -3 : i32
        %broadcast_in_dim3A_781 = vector.broadcast %jit3A_780 : i32 to vector<16xi32>
        %select_n3A_782 = arith.select %lt3A_779, %broadcast_in_dim3A_781, %gather3A_776 : vector<16xi1>, vector<16xi32>
        %eq3A_783 = arith.cmpi eq, %select_n3A_643, %select_n3A_782 : vector<16xi32>
        %mul3A_784 = arith.mulf %select_n3A_752, %select_n3A_767 : vector<16xf32>
        %select_n3A_785 = arith.select %eq3A_783, %mul3A_784, %select_n3A_752 : vector<16xi1>, vector<16xf32>
        %eq3A_786 = arith.cmpi eq, %select_n3A_643, %while3A_605 : vector<16xi32>
        %mul3A_787 = arith.mulf %select_n3A_785, %while3A_606 : vector<16xf32>
        %select_n3A_788 = arith.select %eq3A_786, %mul3A_787, %select_n3A_785 : vector<16xi1>, vector<16xf32>
        %sub3A_789 = arith.constant 1 : i32
        %sub3A_790 = vector.broadcast %sub3A_789 : i32 to vector<16xi32>
        %sub3A_791 = arith.subi %iota3A, %sub3A_790 : vector<16xi32>
        %max3A_792 = arith.constant 0 : i32
        %max3A_793 = vector.broadcast %max3A_792 : i32 to vector<16xi32>
        %max3A_794 = arith.maxsi %sub3A_791, %max3A_793 : vector<16xi32>
        %broadcast_in_dim3A_795 = vector.shape_cast %max3A_794 : vector<16xi32> to vector<16x1xi32>
        %gather3A_796 = vector.shape_cast %broadcast_in_dim3A_795 : vector<16x1xi32> to vector<16xi32>
        %gather3A_797 = tpu.dynamic_gather %select_n3A_788[%gather3A_796] in [0] : vector<16xf32>, vector<16xi32> -> vector<16xf32>
        %lt3A_798 = arith.constant 1 : i32
        %lt3A_799 = vector.broadcast %lt3A_798 : i32 to vector<16xi32>
        %lt3A_800 = arith.cmpi slt, %iota3A, %lt3A_799 : vector<16xi32>
        %select_n3A_801 = arith.select %lt3A_800, %while3A_606, %gather3A_797 : vector<16xi1>, vector<16xf32>
        %eq3A_802 = arith.cmpi eq, %select_n3A_665, %select_n3A_643 : vector<16xi32>
        %jit3A_803 = arith.constant 1.000000e+00 : f32
        %broadcast_in_dim3A_804 = vector.broadcast %jit3A_803 : f32 to vector<16xf32>
        %select_n3A_805 = arith.select %eq3A_802, %select_n3A_801, %broadcast_in_dim3A_804 : vector<16xi1>, vector<16xf32>
        %mul3A_806 = arith.mulf %select_n3A_640, %select_n3A_805 : vector<16xf32>
        %jit3A_807 = arith.constant -1.000000e+00 : f32
        %jit3A_808 = arith.constant 1.000000e+00 : f32
        %max3A_809 = vector.broadcast %jit3A_807 : f32 to vector<16xf32>
        %max3A_810 = arith.maximumf %max3A_809, %get3A_629 : vector<16xf32>
        %min3A_811 = vector.broadcast %jit3A_808 : f32 to vector<16xf32>
        %min3A_812 = arith.minimumf %min3A_811, %max3A_810 : vector<16xf32>
        %jit3A_813 = arith.constant -1.000000e+00 : f32
        %jit3A_814 = arith.constant 1.000000e+00 : f32
        %max3A_815 = vector.broadcast %jit3A_813 : f32 to vector<16xf32>
        %max3A_816 = arith.maximumf %max3A_815, %get3A_631 : vector<16xf32>
        %min3A_817 = vector.broadcast %jit3A_814 : f32 to vector<16xf32>
        %min3A_818 = arith.minimumf %min3A_817, %max3A_816 : vector<16xf32>
        %jit3A_819 = arith.constant -1.000000e+00 : f32
        %jit3A_820 = arith.constant 1.000000e+00 : f32
        %max3A_821 = vector.broadcast %jit3A_819 : f32 to vector<16xf32>
        %max3A_822 = arith.maximumf %max3A_821, %get3A_633 : vector<16xf32>
        %min3A_823 = vector.broadcast %jit3A_820 : f32 to vector<16xf32>
        %min3A_824 = arith.minimumf %min3A_823, %max3A_822 : vector<16xf32>
        %mul3A_825 = arith.mulf %min3A_812, %min3A_812 : vector<16xf32>
        %mul3A_826 = arith.mulf %min3A_818, %min3A_818 : vector<16xf32>
        %add3A_827 = arith.addf %mul3A_825, %mul3A_826 : vector<16xf32>
        %mul3A_828 = arith.mulf %min3A_824, %min3A_824 : vector<16xf32>
        %add3A_829 = arith.addf %add3A_827, %mul3A_828 : vector<16xf32>
        %max3A_830 = arith.constant 1.000000e-24 : f32
        %max3A_831 = vector.broadcast %max3A_830 : f32 to vector<16xf32>
        %max3A_832 = arith.maximumf %add3A_829, %max3A_831 : vector<16xf32>
        %bitcast_convert_type3A = tpu.bitcast %max3A_832 : vector<16xf32> -> vector<16xi32>
        %shift_right_arithmetic3A_833 = arith.constant 1 : i32
        %shift_right_arithmetic3A_834 = vector.broadcast %shift_right_arithmetic3A_833 : i32 to vector<16xi32>
        %shift_right_arithmetic3A_835 = arith.shrsi %bitcast_convert_type3A, %shift_right_arithmetic3A_834 : vector<16xi32>
        %sub3A_836 = arith.constant 1597463007 : i32
        %sub3A_837 = vector.broadcast %sub3A_836 : i32 to vector<16xi32>
        %sub3A_838 = arith.subi %sub3A_837, %shift_right_arithmetic3A_835 : vector<16xi32>
        %bitcast_convert_type3A_839 = tpu.bitcast %sub3A_838 : vector<16xi32> -> vector<16xf32>
        %mul3A_840 = arith.constant 5.000000e-01 : f32
        %mul3A_841 = vector.broadcast %mul3A_840 : f32 to vector<16xf32>
        %mul3A_842 = arith.mulf %mul3A_841, %max3A_832 : vector<16xf32>
        %mul3A_843 = arith.mulf %mul3A_842, %bitcast_convert_type3A_839 : vector<16xf32>
        %mul3A_844 = arith.mulf %mul3A_843, %bitcast_convert_type3A_839 : vector<16xf32>
        %sub3A_845 = arith.constant 1.500000e+00 : f32
        %sub3A_846 = vector.broadcast %sub3A_845 : f32 to vector<16xf32>
        %sub3A_847 = arith.subf %sub3A_846, %mul3A_844 : vector<16xf32>
        %mul3A_848 = arith.mulf %bitcast_convert_type3A_839, %sub3A_847 : vector<16xf32>
        %mul3A_849 = arith.constant 5.000000e-01 : f32
        %mul3A_850 = vector.broadcast %mul3A_849 : f32 to vector<16xf32>
        %mul3A_851 = arith.mulf %mul3A_850, %max3A_832 : vector<16xf32>
        %mul3A_852 = arith.mulf %mul3A_851, %mul3A_848 : vector<16xf32>
        %mul3A_853 = arith.mulf %mul3A_852, %mul3A_848 : vector<16xf32>
        %sub3A_854 = arith.constant 1.500000e+00 : f32
        %sub3A_855 = vector.broadcast %sub3A_854 : f32 to vector<16xf32>
        %sub3A_856 = arith.subf %sub3A_855, %mul3A_853 : vector<16xf32>
        %mul3A_857 = arith.mulf %mul3A_848, %sub3A_856 : vector<16xf32>
        %add3A_858 = arith.constant 1 : i32
        %add3A_859 = vector.broadcast %add3A_858 : i32 to vector<16xi32>
        %add3A_860 = arith.addi %iota3A, %add3A_859 : vector<16xi32>
        %min3A_861 = arith.constant 15 : i32
        %min3A_862 = vector.broadcast %min3A_861 : i32 to vector<16xi32>
        %min3A_863 = arith.minsi %add3A_860, %min3A_862 : vector<16xi32>
        %broadcast_in_dim3A_864 = vector.shape_cast %min3A_863 : vector<16xi32> to vector<16x1xi32>
        %gather3A_865 = vector.shape_cast %broadcast_in_dim3A_864 : vector<16x1xi32> to vector<16xi32>
        %gather3A_866 = tpu.dynamic_gather %select_n3A_643[%gather3A_865] in [0] : vector<16xi32>, vector<16xi32> -> vector<16xi32>
        %eq3A_867 = arith.constant 15 : i32
        %eq3A_868 = vector.broadcast %eq3A_867 : i32 to vector<16xi32>
        %eq3A_869 = arith.cmpi eq, %iota3A, %eq3A_868 : vector<16xi32>
        %jit3A_870 = arith.constant -9 : i32
        %broadcast_in_dim3A_871 = vector.broadcast %jit3A_870 : i32 to vector<16xi32>
        %select_n3A_872 = arith.select %eq3A_869, %broadcast_in_dim3A_871, %gather3A_866 : vector<16xi1>, vector<16xi32>
        %ne3A_873 = arith.cmpi ne, %select_n3A_643, %select_n3A_872 : vector<16xi32>
        %ne3A_874 = arith.cmpi ne, %select_n3A_643, %select_n3A_665 : vector<16xi32>
        %jit3A_875 = arith.constant 0 : i32
        %broadcast_in_dim3A_876 = vector.broadcast %jit3A_875 : i32 to vector<16xi32>
        %select_n3A_877 = arith.select %ne3A_874, %iota3A, %broadcast_in_dim3A_876 : vector<16xi1>, vector<16xi32>
        %broadcast_in_dim3A_878 = arith.constant true
        %broadcast_in_dim3A_879 = vector.broadcast %broadcast_in_dim3A_878 : i1 to vector<16xi1>
        %masked_cummax3A = arith.constant -2147483648 : i32
        %masked_cummax3A_880 = vector.broadcast %masked_cummax3A : i32 to vector<16xi32>
        %masked_cummax3A_881 = arith.xori %select_n3A_877, %masked_cummax3A_880 : vector<16xi32>
        %masked_cummax3A_882 = tpu.scan <max>, %masked_cummax3A_881 masked %broadcast_in_dim3A_879 : vector<16xi32>, vector<16xi1> -> vector<16xi32>
        %masked_cummax3A_883 = arith.xori %masked_cummax3A_882, %masked_cummax3A_880 : vector<16xi32>
        %sub3A_884 = arith.constant 1 : i32
        %sub3A_885 = vector.broadcast %sub3A_884 : i32 to vector<16xi32>
        %sub3A_886 = arith.subi %masked_cummax3A_883, %sub3A_885 : vector<16xi32>
        %max3A_887 = arith.constant 0 : i32
        %max3A_888 = vector.broadcast %max3A_887 : i32 to vector<16xi32>
        %max3A_889 = arith.maxsi %sub3A_886, %max3A_888 : vector<16xi32>
        %gt3A = arith.constant 0 : i32
        %gt3A_890 = vector.broadcast %gt3A : i32 to vector<16xi32>
        %gt3A_891 = arith.cmpi sgt, %masked_cummax3A_883, %gt3A_890 : vector<16xi32>
        %sub3A_892 = vector.broadcast %multiple_of3A : i32 to vector<16xi32>
        %sub3A_893 = arith.subi %select_n3A_643, %sub3A_892 : vector<16xi32>
        %max3A_894 = arith.constant 0 : i32
        %max3A_895 = vector.broadcast %max3A_894 : i32 to vector<16xi32>
        %max3A_896 = arith.maxsi %sub3A_893, %max3A_895 : vector<16xi32>
        %ge3A_897 = vector.broadcast %multiple_of3A : i32 to vector<16xi32>
        %ge3A_898 = arith.cmpi sge, %select_n3A_643, %ge3A_897 : vector<16xi32>
        %and3A_899 = arith.andi %ne3A_873, %ge3A_898 : vector<16xi1>
        %mul3A_900 = arith.constant 3 : i32
        %mul3A_901 = vector.broadcast %mul3A_900 : i32 to vector<16xi32>
        %mul3A_902 = arith.muli %max3A_896, %mul3A_901 : vector<16xi32>
        %broadcast_in_dim3A_903 = arith.constant true
        %broadcast_in_dim3A_904 = vector.broadcast %broadcast_in_dim3A_903 : i1 to vector<16xi1>
        %masked_cumsum3A = tpu.scan <sum>, %mul3A_806 masked %broadcast_in_dim3A_904 : vector<16xf32>, vector<16xi1> -> vector<16xf32>
        %broadcast_in_dim3A_905 = vector.shape_cast %max3A_889 : vector<16xi32> to vector<16x1xi32>
        %gather3A_906 = vector.shape_cast %broadcast_in_dim3A_905 : vector<16x1xi32> to vector<16xi32>
        %gather3A_907 = tpu.dynamic_gather %masked_cumsum3A[%gather3A_906] in [0] : vector<16xf32>, vector<16xi32> -> vector<16xf32>
        %jit3A_908 = arith.constant 0.000000e+00 : f32
        %broadcast_in_dim3A_909 = vector.broadcast %jit3A_908 : f32 to vector<16xf32>
        %select_n3A_910 = arith.select %gt3A_891, %gather3A_907, %broadcast_in_dim3A_909 : vector<16xi1>, vector<16xf32>
        %sub3A_911 = arith.subf %masked_cumsum3A, %select_n3A_910 : vector<16xf32>
        tpu.vector_store_idx %arg26[%max3A_896], %sub3A_911 masked %and3A_899 {add = true} : memref<256xf32, #tpu.memory_space<vmem>>[vector<16xi32>], vector<16xf32>, vector<16xi1>
        %mul3A_912 = arith.mulf %mul3A_806, %get3A_619 : vector<16xf32>
        %broadcast_in_dim3A_913 = arith.constant true
        %broadcast_in_dim3A_914 = vector.broadcast %broadcast_in_dim3A_913 : i1 to vector<16xi1>
        %masked_cumsum3A_915 = tpu.scan <sum>, %mul3A_912 masked %broadcast_in_dim3A_914 : vector<16xf32>, vector<16xi1> -> vector<16xf32>
        %broadcast_in_dim3A_916 = vector.shape_cast %max3A_889 : vector<16xi32> to vector<16x1xi32>
        %gather3A_917 = vector.shape_cast %broadcast_in_dim3A_916 : vector<16x1xi32> to vector<16xi32>
        %gather3A_918 = tpu.dynamic_gather %masked_cumsum3A_915[%gather3A_917] in [0] : vector<16xf32>, vector<16xi32> -> vector<16xf32>
        %jit3A_919 = arith.constant 0.000000e+00 : f32
        %broadcast_in_dim3A_920 = vector.broadcast %jit3A_919 : f32 to vector<16xf32>
        %select_n3A_921 = arith.select %gt3A_891, %gather3A_918, %broadcast_in_dim3A_920 : vector<16xi1>, vector<16xf32>
        %sub3A_922 = arith.subf %masked_cumsum3A_915, %select_n3A_921 : vector<16xf32>
        tpu.vector_store_idx %arg27[%max3A_896], %sub3A_922 masked %and3A_899 {add = true} : memref<256xf32, #tpu.memory_space<vmem>>[vector<16xi32>], vector<16xf32>, vector<16xi1>
        %mul3A_923 = arith.mulf %mul3A_806, %get3A_623 : vector<16xf32>
        %broadcast_in_dim3A_924 = arith.constant true
        %broadcast_in_dim3A_925 = vector.broadcast %broadcast_in_dim3A_924 : i1 to vector<16xi1>
        %masked_cumsum3A_926 = tpu.scan <sum>, %mul3A_923 masked %broadcast_in_dim3A_925 : vector<16xf32>, vector<16xi1> -> vector<16xf32>
        %broadcast_in_dim3A_927 = vector.shape_cast %max3A_889 : vector<16xi32> to vector<16x1xi32>
        %gather3A_928 = vector.shape_cast %broadcast_in_dim3A_927 : vector<16x1xi32> to vector<16xi32>
        %gather3A_929 = tpu.dynamic_gather %masked_cumsum3A_926[%gather3A_928] in [0] : vector<16xf32>, vector<16xi32> -> vector<16xf32>
        %jit3A_930 = arith.constant 0.000000e+00 : f32
        %broadcast_in_dim3A_931 = vector.broadcast %jit3A_930 : f32 to vector<16xf32>
        %select_n3A_932 = arith.select %gt3A_891, %gather3A_929, %broadcast_in_dim3A_931 : vector<16xi1>, vector<16xf32>
        %sub3A_933 = arith.subf %masked_cumsum3A_926, %select_n3A_932 : vector<16xf32>
        tpu.vector_store_idx %arg28[%mul3A_902], %sub3A_933 masked %and3A_899 {add = true} : memref<768xf32, #tpu.memory_space<vmem>>[vector<16xi32>], vector<16xf32>, vector<16xi1>
        %add3A_934 = arith.constant 1 : i32
        %add3A_935 = vector.broadcast %add3A_934 : i32 to vector<16xi32>
        %add3A_936 = arith.addi %mul3A_902, %add3A_935 : vector<16xi32>
        %mul3A_937 = arith.mulf %mul3A_806, %get3A_625 : vector<16xf32>
        %broadcast_in_dim3A_938 = arith.constant true
        %broadcast_in_dim3A_939 = vector.broadcast %broadcast_in_dim3A_938 : i1 to vector<16xi1>
        %masked_cumsum3A_940 = tpu.scan <sum>, %mul3A_937 masked %broadcast_in_dim3A_939 : vector<16xf32>, vector<16xi1> -> vector<16xf32>
        %broadcast_in_dim3A_941 = vector.shape_cast %max3A_889 : vector<16xi32> to vector<16x1xi32>
        %gather3A_942 = vector.shape_cast %broadcast_in_dim3A_941 : vector<16x1xi32> to vector<16xi32>
        %gather3A_943 = tpu.dynamic_gather %masked_cumsum3A_940[%gather3A_942] in [0] : vector<16xf32>, vector<16xi32> -> vector<16xf32>
        %jit3A_944 = arith.constant 0.000000e+00 : f32
        %broadcast_in_dim3A_945 = vector.broadcast %jit3A_944 : f32 to vector<16xf32>
        %select_n3A_946 = arith.select %gt3A_891, %gather3A_943, %broadcast_in_dim3A_945 : vector<16xi1>, vector<16xf32>
        %sub3A_947 = arith.subf %masked_cumsum3A_940, %select_n3A_946 : vector<16xf32>
        tpu.vector_store_idx %arg28[%add3A_936], %sub3A_947 masked %and3A_899 {add = true} : memref<768xf32, #tpu.memory_space<vmem>>[vector<16xi32>], vector<16xf32>, vector<16xi1>
        %add3A_948 = arith.constant 2 : i32
        %add3A_949 = vector.broadcast %add3A_948 : i32 to vector<16xi32>
        %add3A_950 = arith.addi %mul3A_902, %add3A_949 : vector<16xi32>
        %mul3A_951 = arith.mulf %mul3A_806, %get3A_627 : vector<16xf32>
        %broadcast_in_dim3A_952 = arith.constant true
        %broadcast_in_dim3A_953 = vector.broadcast %broadcast_in_dim3A_952 : i1 to vector<16xi1>
        %masked_cumsum3A_954 = tpu.scan <sum>, %mul3A_951 masked %broadcast_in_dim3A_953 : vector<16xf32>, vector<16xi1> -> vector<16xf32>
        %broadcast_in_dim3A_955 = vector.shape_cast %max3A_889 : vector<16xi32> to vector<16x1xi32>
        %gather3A_956 = vector.shape_cast %broadcast_in_dim3A_955 : vector<16x1xi32> to vector<16xi32>
        %gather3A_957 = tpu.dynamic_gather %masked_cumsum3A_954[%gather3A_956] in [0] : vector<16xf32>, vector<16xi32> -> vector<16xf32>
        %jit3A_958 = arith.constant 0.000000e+00 : f32
        %broadcast_in_dim3A_959 = vector.broadcast %jit3A_958 : f32 to vector<16xf32>
        %select_n3A_960 = arith.select %gt3A_891, %gather3A_957, %broadcast_in_dim3A_959 : vector<16xi1>, vector<16xf32>
        %sub3A_961 = arith.subf %masked_cumsum3A_954, %select_n3A_960 : vector<16xf32>
        tpu.vector_store_idx %arg28[%add3A_950], %sub3A_961 masked %and3A_899 {add = true} : memref<768xf32, #tpu.memory_space<vmem>>[vector<16xi32>], vector<16xf32>, vector<16xi1>
        %mul3A_962 = arith.mulf %mul3A_806, %mul3A_857 : vector<16xf32>
        %mul3A_963 = arith.mulf %mul3A_962, %min3A_812 : vector<16xf32>
        %broadcast_in_dim3A_964 = arith.constant true
        %broadcast_in_dim3A_965 = vector.broadcast %broadcast_in_dim3A_964 : i1 to vector<16xi1>
        %masked_cumsum3A_966 = tpu.scan <sum>, %mul3A_963 masked %broadcast_in_dim3A_965 : vector<16xf32>, vector<16xi1> -> vector<16xf32>
        %broadcast_in_dim3A_967 = vector.shape_cast %max3A_889 : vector<16xi32> to vector<16x1xi32>
        %gather3A_968 = vector.shape_cast %broadcast_in_dim3A_967 : vector<16x1xi32> to vector<16xi32>
        %gather3A_969 = tpu.dynamic_gather %masked_cumsum3A_966[%gather3A_968] in [0] : vector<16xf32>, vector<16xi32> -> vector<16xf32>
        %jit3A_970 = arith.constant 0.000000e+00 : f32
        %broadcast_in_dim3A_971 = vector.broadcast %jit3A_970 : f32 to vector<16xf32>
        %select_n3A_972 = arith.select %gt3A_891, %gather3A_969, %broadcast_in_dim3A_971 : vector<16xi1>, vector<16xf32>
        %sub3A_973 = arith.subf %masked_cumsum3A_966, %select_n3A_972 : vector<16xf32>
        tpu.vector_store_idx %arg29[%mul3A_902], %sub3A_973 masked %and3A_899 {add = true} : memref<768xf32, #tpu.memory_space<vmem>>[vector<16xi32>], vector<16xf32>, vector<16xi1>
        %add3A_974 = arith.constant 1 : i32
        %add3A_975 = vector.broadcast %add3A_974 : i32 to vector<16xi32>
        %add3A_976 = arith.addi %mul3A_902, %add3A_975 : vector<16xi32>
        %mul3A_977 = arith.mulf %mul3A_962, %min3A_818 : vector<16xf32>
        %broadcast_in_dim3A_978 = arith.constant true
        %broadcast_in_dim3A_979 = vector.broadcast %broadcast_in_dim3A_978 : i1 to vector<16xi1>
        %masked_cumsum3A_980 = tpu.scan <sum>, %mul3A_977 masked %broadcast_in_dim3A_979 : vector<16xf32>, vector<16xi1> -> vector<16xf32>
        %broadcast_in_dim3A_981 = vector.shape_cast %max3A_889 : vector<16xi32> to vector<16x1xi32>
        %gather3A_982 = vector.shape_cast %broadcast_in_dim3A_981 : vector<16x1xi32> to vector<16xi32>
        %gather3A_983 = tpu.dynamic_gather %masked_cumsum3A_980[%gather3A_982] in [0] : vector<16xf32>, vector<16xi32> -> vector<16xf32>
        %jit3A_984 = arith.constant 0.000000e+00 : f32
        %broadcast_in_dim3A_985 = vector.broadcast %jit3A_984 : f32 to vector<16xf32>
        %select_n3A_986 = arith.select %gt3A_891, %gather3A_983, %broadcast_in_dim3A_985 : vector<16xi1>, vector<16xf32>
        %sub3A_987 = arith.subf %masked_cumsum3A_980, %select_n3A_986 : vector<16xf32>
        tpu.vector_store_idx %arg29[%add3A_976], %sub3A_987 masked %and3A_899 {add = true} : memref<768xf32, #tpu.memory_space<vmem>>[vector<16xi32>], vector<16xf32>, vector<16xi1>
        %add3A_988 = arith.constant 2 : i32
        %add3A_989 = vector.broadcast %add3A_988 : i32 to vector<16xi32>
        %add3A_990 = arith.addi %mul3A_902, %add3A_989 : vector<16xi32>
        %mul3A_991 = arith.mulf %mul3A_962, %min3A_824 : vector<16xf32>
        %broadcast_in_dim3A_992 = arith.constant true
        %broadcast_in_dim3A_993 = vector.broadcast %broadcast_in_dim3A_992 : i1 to vector<16xi1>
        %masked_cumsum3A_994 = tpu.scan <sum>, %mul3A_991 masked %broadcast_in_dim3A_993 : vector<16xf32>, vector<16xi1> -> vector<16xf32>
        %broadcast_in_dim3A_995 = vector.shape_cast %max3A_889 : vector<16xi32> to vector<16x1xi32>
        %gather3A_996 = vector.shape_cast %broadcast_in_dim3A_995 : vector<16x1xi32> to vector<16xi32>
        %gather3A_997 = tpu.dynamic_gather %masked_cumsum3A_994[%gather3A_996] in [0] : vector<16xf32>, vector<16xi32> -> vector<16xf32>
        %jit3A_998 = arith.constant 0.000000e+00 : f32
        %broadcast_in_dim3A_999 = vector.broadcast %jit3A_998 : f32 to vector<16xf32>
        %select_n3A_1000 = arith.select %gt3A_891, %gather3A_997, %broadcast_in_dim3A_999 : vector<16xi1>, vector<16xf32>
        %sub3A_1001 = arith.subf %masked_cumsum3A_994, %select_n3A_1000 : vector<16xf32>
        tpu.vector_store_idx %arg29[%add3A_990], %sub3A_1001 masked %and3A_899 {add = true} : memref<768xf32, #tpu.memory_space<vmem>>[vector<16xi32>], vector<16xf32>, vector<16xi1>
        %broadcast_in_dim3A_1002 = arith.constant 15 : i32
        %broadcast_in_dim3A_1003 = vector.broadcast %broadcast_in_dim3A_1002 : i32 to vector<16xi32>
        %broadcast_in_dim3A_1004 = vector.shape_cast %broadcast_in_dim3A_1003 : vector<16xi32> to vector<16x1xi32>
        %gather3A_1005 = vector.shape_cast %broadcast_in_dim3A_1004 : vector<16x1xi32> to vector<16xi32>
        %gather3A_1006 = tpu.dynamic_gather %select_n3A_643[%gather3A_1005] in [0] : vector<16xi32>, vector<16xi32> -> vector<16xi32>
        %broadcast_in_dim3A_1007 = arith.constant 15 : i32
        %broadcast_in_dim3A_1008 = vector.broadcast %broadcast_in_dim3A_1007 : i32 to vector<16xi32>
        %broadcast_in_dim3A_1009 = vector.shape_cast %broadcast_in_dim3A_1008 : vector<16xi32> to vector<16x1xi32>
        %gather3A_1010 = vector.shape_cast %broadcast_in_dim3A_1009 : vector<16x1xi32> to vector<16xi32>
        %gather3A_1011 = tpu.dynamic_gather %select_n3A_788[%gather3A_1010] in [0] : vector<16xf32>, vector<16xi32> -> vector<16xf32>
        scf.yield %gather3A_1006, %gather3A_1011 : vector<16xi32>, vector<16xf32>
      }
      scf.yield %while3A_603#0, %while3A_603#1 : vector<16xi32>, vector<16xf32>
    }
    %get3A = arith.constant 0 : index
    %get3A_360 = tpu.vector_load %arg26[%get3A] {strides = array<i32>} : memref<256xf32, #tpu.memory_space<vmem>>, vector<16xf32>,
    %get3A_361 = arith.constant 0 : index
    %get3A_362 = tpu.vector_load %arg27[%get3A_361] {strides = array<i32>} : memref<256xf32, #tpu.memory_space<vmem>>, vector<16xf32>,
    %add3A_363 = arith.constant 1.000000e-10 : f32
    %add3A_364 = vector.broadcast %add3A_363 : f32 to vector<16xf32>
    %add3A_365 = arith.addf %get3A_360, %add3A_364 : vector<16xf32>
    %div3A_366 = arith.divf %get3A_362, %add3A_365 : vector<16xf32>
    %swap3A_367 = arith.constant 0 : index
    %swap3A_368 = tpu.vector_load %arg27[%swap3A_367] {strides = array<i32>} : memref<256xf32, #tpu.memory_space<vmem>>, vector<16xf32>,
    tpu.vector_store %arg27[%swap3A_367], %div3A_366 {strides = array<i32>} : memref<256xf32, #tpu.memory_space<vmem>>, vector<16xf32>,
    %get3A_369 = arith.constant 16 : index
    %get3A_370 = tpu.vector_load %arg26[%get3A_369] {strides = array<i32>} : memref<256xf32, #tpu.memory_space<vmem>>, vector<16xf32>,
    %get3A_371 = arith.constant 16 : index
    %get3A_372 = tpu.vector_load %arg27[%get3A_371] {strides = array<i32>} : memref<256xf32, #tpu.memory_space<vmem>>, vector<16xf32>,
    %add3A_373 = arith.constant 1.000000e-10 : f32
    %add3A_374 = vector.broadcast %add3A_373 : f32 to vector<16xf32>
    %add3A_375 = arith.addf %get3A_370, %add3A_374 : vector<16xf32>
    %div3A_376 = arith.divf %get3A_372, %add3A_375 : vector<16xf32>
    %swap3A_377 = arith.constant 16 : index
    %swap3A_378 = tpu.vector_load %arg27[%swap3A_377] {strides = array<i32>} : memref<256xf32, #tpu.memory_space<vmem>>, vector<16xf32>,
    tpu.vector_store %arg27[%swap3A_377], %div3A_376 {strides = array<i32>} : memref<256xf32, #tpu.memory_space<vmem>>, vector<16xf32>,
    %get3A_379 = arith.constant 32 : index
    %get3A_380 = tpu.vector_load %arg26[%get3A_379] {strides = array<i32>} : memref<256xf32, #tpu.memory_space<vmem>>, vector<16xf32>,
    %get3A_381 = arith.constant 32 : index
    %get3A_382 = tpu.vector_load %arg27[%get3A_381] {strides = array<i32>} : memref<256xf32, #tpu.memory_space<vmem>>, vector<16xf32>,
    %add3A_383 = arith.constant 1.000000e-10 : f32
    %add3A_384 = vector.broadcast %add3A_383 : f32 to vector<16xf32>
    %add3A_385 = arith.addf %get3A_380, %add3A_384 : vector<16xf32>
    %div3A_386 = arith.divf %get3A_382, %add3A_385 : vector<16xf32>
    %swap3A_387 = arith.constant 32 : index
    %swap3A_388 = tpu.vector_load %arg27[%swap3A_387] {strides = array<i32>} : memref<256xf32, #tpu.memory_space<vmem>>, vector<16xf32>,
    tpu.vector_store %arg27[%swap3A_387], %div3A_386 {strides = array<i32>} : memref<256xf32, #tpu.memory_space<vmem>>, vector<16xf32>,
    %get3A_389 = arith.constant 48 : index
    %get3A_390 = tpu.vector_load %arg26[%get3A_389] {strides = array<i32>} : memref<256xf32, #tpu.memory_space<vmem>>, vector<16xf32>,
    %get3A_391 = arith.constant 48 : index
    %get3A_392 = tpu.vector_load %arg27[%get3A_391] {strides = array<i32>} : memref<256xf32, #tpu.memory_space<vmem>>, vector<16xf32>,
    %add3A_393 = arith.constant 1.000000e-10 : f32
    %add3A_394 = vector.broadcast %add3A_393 : f32 to vector<16xf32>
    %add3A_395 = arith.addf %get3A_390, %add3A_394 : vector<16xf32>
    %div3A_396 = arith.divf %get3A_392, %add3A_395 : vector<16xf32>
    %swap3A_397 = arith.constant 48 : index
    %swap3A_398 = tpu.vector_load %arg27[%swap3A_397] {strides = array<i32>} : memref<256xf32, #tpu.memory_space<vmem>>, vector<16xf32>,
    tpu.vector_store %arg27[%swap3A_397], %div3A_396 {strides = array<i32>} : memref<256xf32, #tpu.memory_space<vmem>>, vector<16xf32>,
    %get3A_399 = arith.constant 64 : index
    %get3A_400 = tpu.vector_load %arg26[%get3A_399] {strides = array<i32>} : memref<256xf32, #tpu.memory_space<vmem>>, vector<16xf32>,
    %get3A_401 = arith.constant 64 : index
    %get3A_402 = tpu.vector_load %arg27[%get3A_401] {strides = array<i32>} : memref<256xf32, #tpu.memory_space<vmem>>, vector<16xf32>,
    %add3A_403 = arith.constant 1.000000e-10 : f32
    %add3A_404 = vector.broadcast %add3A_403 : f32 to vector<16xf32>
    %add3A_405 = arith.addf %get3A_400, %add3A_404 : vector<16xf32>
    %div3A_406 = arith.divf %get3A_402, %add3A_405 : vector<16xf32>
    %swap3A_407 = arith.constant 64 : index
    %swap3A_408 = tpu.vector_load %arg27[%swap3A_407] {strides = array<i32>} : memref<256xf32, #tpu.memory_space<vmem>>, vector<16xf32>,
    tpu.vector_store %arg27[%swap3A_407], %div3A_406 {strides = array<i32>} : memref<256xf32, #tpu.memory_space<vmem>>, vector<16xf32>,
    %get3A_409 = arith.constant 80 : index
    %get3A_410 = tpu.vector_load %arg26[%get3A_409] {strides = array<i32>} : memref<256xf32, #tpu.memory_space<vmem>>, vector<16xf32>,
    %get3A_411 = arith.constant 80 : index
    %get3A_412 = tpu.vector_load %arg27[%get3A_411] {strides = array<i32>} : memref<256xf32, #tpu.memory_space<vmem>>, vector<16xf32>,
    %add3A_413 = arith.constant 1.000000e-10 : f32
    %add3A_414 = vector.broadcast %add3A_413 : f32 to vector<16xf32>
    %add3A_415 = arith.addf %get3A_410, %add3A_414 : vector<16xf32>
    %div3A_416 = arith.divf %get3A_412, %add3A_415 : vector<16xf32>
    %swap3A_417 = arith.constant 80 : index
    %swap3A_418 = tpu.vector_load %arg27[%swap3A_417] {strides = array<i32>} : memref<256xf32, #tpu.memory_space<vmem>>, vector<16xf32>,
    tpu.vector_store %arg27[%swap3A_417], %div3A_416 {strides = array<i32>} : memref<256xf32, #tpu.memory_space<vmem>>, vector<16xf32>,
    %get3A_419 = arith.constant 96 : index
    %get3A_420 = tpu.vector_load %arg26[%get3A_419] {strides = array<i32>} : memref<256xf32, #tpu.memory_space<vmem>>, vector<16xf32>,
    %get3A_421 = arith.constant 96 : index
    %get3A_422 = tpu.vector_load %arg27[%get3A_421] {strides = array<i32>} : memref<256xf32, #tpu.memory_space<vmem>>, vector<16xf32>,
    %add3A_423 = arith.constant 1.000000e-10 : f32
    %add3A_424 = vector.broadcast %add3A_423 : f32 to vector<16xf32>
    %add3A_425 = arith.addf %get3A_420, %add3A_424 : vector<16xf32>
    %div3A_426 = arith.divf %get3A_422, %add3A_425 : vector<16xf32>
    %swap3A_427 = arith.constant 96 : index
    %swap3A_428 = tpu.vector_load %arg27[%swap3A_427] {strides = array<i32>} : memref<256xf32, #tpu.memory_space<vmem>>, vector<16xf32>,
    tpu.vector_store %arg27[%swap3A_427], %div3A_426 {strides = array<i32>} : memref<256xf32, #tpu.memory_space<vmem>>, vector<16xf32>,
    %get3A_429 = arith.constant 112 : index
    %get3A_430 = tpu.vector_load %arg26[%get3A_429] {strides = array<i32>} : memref<256xf32, #tpu.memory_space<vmem>>, vector<16xf32>,
    %get3A_431 = arith.constant 112 : index
    %get3A_432 = tpu.vector_load %arg27[%get3A_431] {strides = array<i32>} : memref<256xf32, #tpu.memory_space<vmem>>, vector<16xf32>,
    %add3A_433 = arith.constant 1.000000e-10 : f32
    %add3A_434 = vector.broadcast %add3A_433 : f32 to vector<16xf32>
    %add3A_435 = arith.addf %get3A_430, %add3A_434 : vector<16xf32>
    %div3A_436 = arith.divf %get3A_432, %add3A_435 : vector<16xf32>
    %swap3A_437 = arith.constant 112 : index
    %swap3A_438 = tpu.vector_load %arg27[%swap3A_437] {strides = array<i32>} : memref<256xf32, #tpu.memory_space<vmem>>, vector<16xf32>,
    tpu.vector_store %arg27[%swap3A_437], %div3A_436 {strides = array<i32>} : memref<256xf32, #tpu.memory_space<vmem>>, vector<16xf32>,
    %get3A_439 = arith.constant 128 : index
    %get3A_440 = tpu.vector_load %arg26[%get3A_439] {strides = array<i32>} : memref<256xf32, #tpu.memory_space<vmem>>, vector<16xf32>,
    %get3A_441 = arith.constant 128 : index
    %get3A_442 = tpu.vector_load %arg27[%get3A_441] {strides = array<i32>} : memref<256xf32, #tpu.memory_space<vmem>>, vector<16xf32>,
    %add3A_443 = arith.constant 1.000000e-10 : f32
    %add3A_444 = vector.broadcast %add3A_443 : f32 to vector<16xf32>
    %add3A_445 = arith.addf %get3A_440, %add3A_444 : vector<16xf32>
    %div3A_446 = arith.divf %get3A_442, %add3A_445 : vector<16xf32>
    %swap3A_447 = arith.constant 128 : index
    %swap3A_448 = tpu.vector_load %arg27[%swap3A_447] {strides = array<i32>} : memref<256xf32, #tpu.memory_space<vmem>>, vector<16xf32>,
    tpu.vector_store %arg27[%swap3A_447], %div3A_446 {strides = array<i32>} : memref<256xf32, #tpu.memory_space<vmem>>, vector<16xf32>,
    %get3A_449 = arith.constant 144 : index
    %get3A_450 = tpu.vector_load %arg26[%get3A_449] {strides = array<i32>} : memref<256xf32, #tpu.memory_space<vmem>>, vector<16xf32>,
    %get3A_451 = arith.constant 144 : index
    %get3A_452 = tpu.vector_load %arg27[%get3A_451] {strides = array<i32>} : memref<256xf32, #tpu.memory_space<vmem>>, vector<16xf32>,
    %add3A_453 = arith.constant 1.000000e-10 : f32
    %add3A_454 = vector.broadcast %add3A_453 : f32 to vector<16xf32>
    %add3A_455 = arith.addf %get3A_450, %add3A_454 : vector<16xf32>
    %div3A_456 = arith.divf %get3A_452, %add3A_455 : vector<16xf32>
    %swap3A_457 = arith.constant 144 : index
    %swap3A_458 = tpu.vector_load %arg27[%swap3A_457] {strides = array<i32>} : memref<256xf32, #tpu.memory_space<vmem>>, vector<16xf32>,
    tpu.vector_store %arg27[%swap3A_457], %div3A_456 {strides = array<i32>} : memref<256xf32, #tpu.memory_space<vmem>>, vector<16xf32>,
    %get3A_459 = arith.constant 160 : index
    %get3A_460 = tpu.vector_load %arg26[%get3A_459] {strides = array<i32>} : memref<256xf32, #tpu.memory_space<vmem>>, vector<16xf32>,
    %get3A_461 = arith.constant 160 : index
    %get3A_462 = tpu.vector_load %arg27[%get3A_461] {strides = array<i32>} : memref<256xf32, #tpu.memory_space<vmem>>, vector<16xf32>,
    %add3A_463 = arith.constant 1.000000e-10 : f32
    %add3A_464 = vector.broadcast %add3A_463 : f32 to vector<16xf32>
    %add3A_465 = arith.addf %get3A_460, %add3A_464 : vector<16xf32>
    %div3A_466 = arith.divf %get3A_462, %add3A_465 : vector<16xf32>
    %swap3A_467 = arith.constant 160 : index
    %swap3A_468 = tpu.vector_load %arg27[%swap3A_467] {strides = array<i32>} : memref<256xf32, #tpu.memory_space<vmem>>, vector<16xf32>,
    tpu.vector_store %arg27[%swap3A_467], %div3A_466 {strides = array<i32>} : memref<256xf32, #tpu.memory_space<vmem>>, vector<16xf32>,
    %get3A_469 = arith.constant 176 : index
    %get3A_470 = tpu.vector_load %arg26[%get3A_469] {strides = array<i32>} : memref<256xf32, #tpu.memory_space<vmem>>, vector<16xf32>,
    %get3A_471 = arith.constant 176 : index
    %get3A_472 = tpu.vector_load %arg27[%get3A_471] {strides = array<i32>} : memref<256xf32, #tpu.memory_space<vmem>>, vector<16xf32>,
    %add3A_473 = arith.constant 1.000000e-10 : f32
    %add3A_474 = vector.broadcast %add3A_473 : f32 to vector<16xf32>
    %add3A_475 = arith.addf %get3A_470, %add3A_474 : vector<16xf32>
    %div3A_476 = arith.divf %get3A_472, %add3A_475 : vector<16xf32>
    %swap3A_477 = arith.constant 176 : index
    %swap3A_478 = tpu.vector_load %arg27[%swap3A_477] {strides = array<i32>} : memref<256xf32, #tpu.memory_space<vmem>>, vector<16xf32>,
    tpu.vector_store %arg27[%swap3A_477], %div3A_476 {strides = array<i32>} : memref<256xf32, #tpu.memory_space<vmem>>, vector<16xf32>,
    %get3A_479 = arith.constant 192 : index
    %get3A_480 = tpu.vector_load %arg26[%get3A_479] {strides = array<i32>} : memref<256xf32, #tpu.memory_space<vmem>>, vector<16xf32>,
    %get3A_481 = arith.constant 192 : index
    %get3A_482 = tpu.vector_load %arg27[%get3A_481] {strides = array<i32>} : memref<256xf32, #tpu.memory_space<vmem>>, vector<16xf32>,
    %add3A_483 = arith.constant 1.000000e-10 : f32
    %add3A_484 = vector.broadcast %add3A_483 : f32 to vector<16xf32>
    %add3A_485 = arith.addf %get3A_480, %add3A_484 : vector<16xf32>
    %div3A_486 = arith.divf %get3A_482, %add3A_485 : vector<16xf32>
    %swap3A_487 = arith.constant 192 : index
    %swap3A_488 = tpu.vector_load %arg27[%swap3A_487] {strides = array<i32>} : memref<256xf32, #tpu.memory_space<vmem>>, vector<16xf32>,
    tpu.vector_store %arg27[%swap3A_487], %div3A_486 {strides = array<i32>} : memref<256xf32, #tpu.memory_space<vmem>>, vector<16xf32>,
    %get3A_489 = arith.constant 208 : index
    %get3A_490 = tpu.vector_load %arg26[%get3A_489] {strides = array<i32>} : memref<256xf32, #tpu.memory_space<vmem>>, vector<16xf32>,
    %get3A_491 = arith.constant 208 : index
    %get3A_492 = tpu.vector_load %arg27[%get3A_491] {strides = array<i32>} : memref<256xf32, #tpu.memory_space<vmem>>, vector<16xf32>,
    %add3A_493 = arith.constant 1.000000e-10 : f32
    %add3A_494 = vector.broadcast %add3A_493 : f32 to vector<16xf32>
    %add3A_495 = arith.addf %get3A_490, %add3A_494 : vector<16xf32>
    %div3A_496 = arith.divf %get3A_492, %add3A_495 : vector<16xf32>
    %swap3A_497 = arith.constant 208 : index
    %swap3A_498 = tpu.vector_load %arg27[%swap3A_497] {strides = array<i32>} : memref<256xf32, #tpu.memory_space<vmem>>, vector<16xf32>,
    tpu.vector_store %arg27[%swap3A_497], %div3A_496 {strides = array<i32>} : memref<256xf32, #tpu.memory_space<vmem>>, vector<16xf32>,
    %get3A_499 = arith.constant 224 : index
    %get3A_500 = tpu.vector_load %arg26[%get3A_499] {strides = array<i32>} : memref<256xf32, #tpu.memory_space<vmem>>, vector<16xf32>,
    %get3A_501 = arith.constant 224 : index
    %get3A_502 = tpu.vector_load %arg27[%get3A_501] {strides = array<i32>} : memref<256xf32, #tpu.memory_space<vmem>>, vector<16xf32>,
    %add3A_503 = arith.constant 1.000000e-10 : f32
    %add3A_504 = vector.broadcast %add3A_503 : f32 to vector<16xf32>
    %add3A_505 = arith.addf %get3A_500, %add3A_504 : vector<16xf32>
    %div3A_506 = arith.divf %get3A_502, %add3A_505 : vector<16xf32>
    %swap3A_507 = arith.constant 224 : index
    %swap3A_508 = tpu.vector_load %arg27[%swap3A_507] {strides = array<i32>} : memref<256xf32, #tpu.memory_space<vmem>>, vector<16xf32>,
    tpu.vector_store %arg27[%swap3A_507], %div3A_506 {strides = array<i32>} : memref<256xf32, #tpu.memory_space<vmem>>, vector<16xf32>,
    %get3A_509 = arith.constant 240 : index
    %get3A_510 = tpu.vector_load %arg26[%get3A_509] {strides = array<i32>} : memref<256xf32, #tpu.memory_space<vmem>>, vector<16xf32>,
    %get3A_511 = arith.constant 240 : index
    %get3A_512 = tpu.vector_load %arg27[%get3A_511] {strides = array<i32>} : memref<256xf32, #tpu.memory_space<vmem>>, vector<16xf32>,
    %add3A_513 = arith.constant 1.000000e-10 : f32
    %add3A_514 = vector.broadcast %add3A_513 : f32 to vector<16xf32>
    %add3A_515 = arith.addf %get3A_510, %add3A_514 : vector<16xf32>
    %div3A_516 = arith.divf %get3A_512, %add3A_515 : vector<16xf32>
    %swap3A_517 = arith.constant 240 : index
    %swap3A_518 = tpu.vector_load %arg27[%swap3A_517] {strides = array<i32>} : memref<256xf32, #tpu.memory_space<vmem>>, vector<16xf32>,
    tpu.vector_store %arg27[%swap3A_517], %div3A_516 {strides = array<i32>} : memref<256xf32, #tpu.memory_space<vmem>>, vector<16xf32>,
    "tpu.region"() ({
      %run_scoped3A = tpu.sem_alloc : memref<!tpu.dma_semaphore, #tpu.memory_space<semaphore_mem>>
      %dma_start3A_523 = tpu.memref_slice %arg12[%multiple_of3A] : memref<8192xf32, #tpu.memory_space<hbm>> -> memref<256xf32, #tpu.memory_space<hbm>>
      %dma_start3A_524 = tpu.memref_slice %arg12[%multiple_of3A] : memref<8192xf32, #tpu.memory_space<hbm>> -> memref<256xf32, #tpu.memory_space<hbm>>
      tpu.enqueue_dma source(%arg26 : memref<256xf32, #tpu.memory_space<vmem>>) target(%dma_start3A_524 : memref<256xf32, #tpu.memory_space<hbm>>) target_semaphore(%run_scoped3A : memref<!tpu.dma_semaphore, #tpu.memory_space<semaphore_mem>>)
      %dma_wait3A = tpu.memref_slice %arg12[%multiple_of3A] : memref<8192xf32, #tpu.memory_space<hbm>> -> memref<256xf32, #tpu.memory_space<hbm>>
      %dma_wait3A_525 = tpu.memref_slice %arg12[%multiple_of3A] : memref<8192xf32, #tpu.memory_space<hbm>> -> memref<256xf32, #tpu.memory_space<hbm>>
      tpu.wait_dma2 semaphore(%run_scoped3A : memref<!tpu.dma_semaphore, #tpu.memory_space<semaphore_mem>>) src(%arg26 : memref<256xf32, #tpu.memory_space<vmem>>) dst(%dma_wait3A_525 : memref<256xf32, #tpu.memory_space<hbm>>)
      tpu.yield
    }) : () -> ()
    "tpu.region"() ({
      %run_scoped3A = tpu.sem_alloc : memref<!tpu.dma_semaphore, #tpu.memory_space<semaphore_mem>>
      %dma_start3A_523 = tpu.memref_slice %arg13[%multiple_of3A] : memref<8192xf32, #tpu.memory_space<hbm>> -> memref<256xf32, #tpu.memory_space<hbm>>
      %dma_start3A_524 = tpu.memref_slice %arg13[%multiple_of3A] : memref<8192xf32, #tpu.memory_space<hbm>> -> memref<256xf32, #tpu.memory_space<hbm>>
      tpu.enqueue_dma source(%arg27 : memref<256xf32, #tpu.memory_space<vmem>>) target(%dma_start3A_524 : memref<256xf32, #tpu.memory_space<hbm>>) target_semaphore(%run_scoped3A : memref<!tpu.dma_semaphore, #tpu.memory_space<semaphore_mem>>)
      %dma_wait3A = tpu.memref_slice %arg13[%multiple_of3A] : memref<8192xf32, #tpu.memory_space<hbm>> -> memref<256xf32, #tpu.memory_space<hbm>>
      %dma_wait3A_525 = tpu.memref_slice %arg13[%multiple_of3A] : memref<8192xf32, #tpu.memory_space<hbm>> -> memref<256xf32, #tpu.memory_space<hbm>>
      tpu.wait_dma2 semaphore(%run_scoped3A : memref<!tpu.dma_semaphore, #tpu.memory_space<semaphore_mem>>) src(%arg27 : memref<256xf32, #tpu.memory_space<vmem>>) dst(%dma_wait3A_525 : memref<256xf32, #tpu.memory_space<hbm>>)
      tpu.yield
    }) : () -> ()
    %mul3A_519 = arith.constant 3 : i32
    %mul3A_520 = arith.muli %multiple_of3A, %mul3A_519 : i32
    "tpu.region"() ({
      %run_scoped3A = tpu.sem_alloc : memref<!tpu.dma_semaphore, #tpu.memory_space<semaphore_mem>>
      %dma_start3A_523 = tpu.memref_slice %arg14[%mul3A_520] : memref<24576xf32, #tpu.memory_space<hbm>> -> memref<768xf32, #tpu.memory_space<hbm>>
      %dma_start3A_524 = tpu.memref_slice %arg14[%mul3A_520] : memref<24576xf32, #tpu.memory_space<hbm>> -> memref<768xf32, #tpu.memory_space<hbm>>
      tpu.enqueue_dma source(%arg28 : memref<768xf32, #tpu.memory_space<vmem>>) target(%dma_start3A_524 : memref<768xf32, #tpu.memory_space<hbm>>) target_semaphore(%run_scoped3A : memref<!tpu.dma_semaphore, #tpu.memory_space<semaphore_mem>>)
      %dma_wait3A = tpu.memref_slice %arg14[%mul3A_520] : memref<24576xf32, #tpu.memory_space<hbm>> -> memref<768xf32, #tpu.memory_space<hbm>>
      %dma_wait3A_525 = tpu.memref_slice %arg14[%mul3A_520] : memref<24576xf32, #tpu.memory_space<hbm>> -> memref<768xf32, #tpu.memory_space<hbm>>
      tpu.wait_dma2 semaphore(%run_scoped3A : memref<!tpu.dma_semaphore, #tpu.memory_space<semaphore_mem>>) src(%arg28 : memref<768xf32, #tpu.memory_space<vmem>>) dst(%dma_wait3A_525 : memref<768xf32, #tpu.memory_space<hbm>>)
      tpu.yield
    }) : () -> ()
    %mul3A_521 = arith.constant 3 : i32
    %mul3A_522 = arith.muli %multiple_of3A, %mul3A_521 : i32
    "tpu.region"() ({
      %run_scoped3A = tpu.sem_alloc : memref<!tpu.dma_semaphore, #tpu.memory_space<semaphore_mem>>
      %dma_start3A_523 = tpu.memref_slice %arg15[%mul3A_522] : memref<24576xf32, #tpu.memory_space<hbm>> -> memref<768xf32, #tpu.memory_space<hbm>>
      %dma_start3A_524 = tpu.memref_slice %arg15[%mul3A_522] : memref<24576xf32, #tpu.memory_space<hbm>> -> memref<768xf32, #tpu.memory_space<hbm>>
      tpu.enqueue_dma source(%arg29 : memref<768xf32, #tpu.memory_space<vmem>>) target(%dma_start3A_524 : memref<768xf32, #tpu.memory_space<hbm>>) target_semaphore(%run_scoped3A : memref<!tpu.dma_semaphore, #tpu.memory_space<semaphore_mem>>)
      %dma_wait3A = tpu.memref_slice %arg15[%mul3A_522] : memref<24576xf32, #tpu.memory_space<hbm>> -> memref<768xf32, #tpu.memory_space<hbm>>
      %dma_wait3A_525 = tpu.memref_slice %arg15[%mul3A_522] : memref<24576xf32, #tpu.memory_space<hbm>> -> memref<768xf32, #tpu.memory_space<hbm>>
      tpu.wait_dma2 semaphore(%run_scoped3A : memref<!tpu.dma_semaphore, #tpu.memory_space<semaphore_mem>>) src(%arg29 : memref<768xf32, #tpu.memory_space<vmem>>) dst(%dma_wait3A_525 : memref<768xf32, #tpu.memory_space<hbm>>)
      tpu.yield
    }) : () -> ()
    return
  }
}

</mosaic_0001>

<sc_bundles>
// kernel: kernel.3.cloned.1.call-start
scs
__scs_entry_jumppad:
0x0: {  	(pc) =	sbr.rel $0x88, $3  }
0x1: {  	(tag) =	ssettag $0x0;
	lr =	simm.s32 $0x1  }
0x2: {  	[smem:$0x3F9C] =	sst lr;
	_ =	strace $0xD0000000  }
0x3: {  	_ = 	snop  }
0x4: {  	_ = 	snop  }
0x5: {  	_ = 	snop  }
0x6: {  	_ = 	snop  }
0x7: {  	_ = 	snop  }
__scs_overlays_trampoline_lowered:
0x8: {  	[smem:$0x3FAB] =	sst s0  }
0x9: {  	[smem:$0x3FAC] =	sst s1  }
0xa: {  	[smem:$0x3FAD] =	sst s2  }
0xb: {  	[smem:$0x3FAE] =	sst s3  }
0xc: {  	[smem:$0x3FAF] =	sst s4  }
0xd: {  	[smem:$0x3FB0] =	sst s5  }
0xe: {  	[smem:$0x3FB1] =	sst s6  }
0xf: {  	[smem:$0x3FB2] =	sst s7  }
0x10: {  	[smem:$0x3FB3] =	sst s8  }
0x11: {  	[smem:$0x3FB4] =	sst s9;
	s0 =	simm.s32 @!p0 $0x0  }
0x12: {  	s1 =	sld [smem:$0x3F9A];
	s0 =	simm.s32 @p0 $0x1  }
0x13: {  	[smem:$0x3FB5] =	sst s0;
	s0 =	simm.s32 @!p1 $0x0  }
0x14: {  	s2 =	sld [smem:$0x3F99];
	s0 =	simm.s32 @p1 $0x1  }
0x15: {  	[smem:$0x3FB6] =	sst s0;
	s0 =	simm.s32 @!p2 $0x0  }
0x16: {  	s3 =	sld [smem:$0x3FDB];
	s0 =	simm.s32 @p2 $0x1  }
0x17: {  	s4 =	simm.s32 $0x1BF5;
	[smem:$0x3FB8] =	sst s0  }
0x18: {  	s0 =	sld [smem:$0x3F9B];
	_ =	swait.ge [sflag:s4], $0x0  }
0x19: {  	s7 =	sld [smem:$0x3F9C]  }
0x1a: {  	s8 =	sadd.s32 $0xFFFFE003, lr  }
0x1b: {  	s9 =	sadd.s32 $0xFFFFFEF7, lr;
	s5 =	simm.s32 $0xFFFFFFFF;
	p2 =	slt.u32 s8, $0xFFFFF086  }
0x1c: {  	p1 =	slt.u32 s9, $0xF7A;
	s5 =	simm.s32 @!p2 $0x0  }
0x1d: {  	s5 =	simm.s32 @p1 $0x1;
	p0 =	seq.s32 s7, s2  }
0x1e: {  	s7 =	smul.u32 @!p0 $0xF7A, s2;
	p2 =	seq.s32 @!p0 s5, $0x0  }
0x1f: {  	s9 =	smul.u32 $0xF7A, s1;
	s8 =	simm.s32 @!p0 $0x1BF5;
	p2 =	por !p2, p0  }
0x20: {  	[sflag:s8] =	ssyncset.s32 @!p0 $0xFFFFF086;
	s6 =	sadd.s32 @!p0 s3, s7;
	s7 =	simm.s32 @!p0 $0x108  }
0x21: {  	s3 =	sadd.s32 s3, s9;
	s6 =	sadd.s32 @!p0 $0x88, s6;
	s7 =	simm.s32 @p2 $0x1082  }
0x22: {  	[simem:s7], [sflag:s8] =	dma.local @!p0 [hbm:s6], $0xF7A  }
0x23: {  	s9 =	sor.u32 $0xD0000000, s2;
	s6 =	simm.s32 $0x108;
	_ =	swait.ge @!p0 [sflag:s8], $0x0  }
0x24: {  	s3 =	sadd.s32 $0x88, s3;
	s6 =	simm.s32 @!p1 $0x1082;
	[sflag:s4] =	ssyncset.s32 $0xFFFFF086  }
0x25: {  	[simem:s6], [sflag:s4] =	dma.local [hbm:s3], $0xF7A  }
0x26: {  	[smem:$0x3F9C] =	sst s1;
	(tag) =	ssettag s2;
	_ =	strace s9  }
0x27: {  	s1 =	sld [smem:$0x3FAC]  }
0x28: {  	s2 =	sld [smem:$0x3FAD]  }
0x29: {  	s4 =	sld [smem:$0x3FAF]  }
0x2a: {  	p0 =	seq.s32 s5, $0x0;
	s5 =	sld [smem:$0x3FB0]  }
0x2b: {  	s6 =	sld [smem:$0x3FB1]  }
0x2c: {  	s7 =	sld [smem:$0x3FB2]  }
0x2d: {  	s3 =	simm.s32 $0x108;
	s8 =	sld [smem:$0x3FB3]  }
0x2e: {  	s3 =	simm.s32 @!p0 $0x1082;
	s9 =	sld [smem:$0x3FB4]  }
0x2f: {  	lr =	sadd.s32 s0, s3;
	s0 =	sld [smem:$0x3FAB]  }
0x30: {  	s3 =	sld [smem:$0x3FAE]  }
0x31: {  	[smem:$0x3FB7] =	sst s10  }
0x32: {  	s10 =	sld [smem:$0x3FB5];
	_ =	sdelay $0x3  }
0x33: {  	p0 =	seq.s32 s10, $0x1;
	s10 =	sld [smem:$0x3FB7];
	_ =	sdelay $0x3  }
0x34: {  	[smem:$0x3FB7] =	sst s10  }
0x35: {  	s10 =	sld [smem:$0x3FB6];
	_ =	sdelay $0x3  }
0x36: {  	p1 =	seq.s32 s10, $0x1;
	s10 =	sld [smem:$0x3FB7];
	_ =	sdelay $0x3  }
0x37: {  	[smem:$0x3FB7] =	sst s10  }
0x38: {  	s10 =	sld [smem:$0x3FB8]  }
0x39: {  	_ = 	snop;
	(pc) =	sbr.ind lr, $3  }
0x3a: {  	_ = 	snop  }
0x3b: {  	_ = 	snop  }
0x3c: {  	p2 =	seq.s32 s10, $0x1;
	s10 =	sld [smem:$0x3FB7]  }
0x3d: {  	_ =	shalt  }
0x3e: {  	_ =	shalt  }
0x3f: {  	_ =	shalt  }
0x40: {  	_ =	shalt  }
0x41: {  	_ =	shalt  }
0x42: {  	_ =	shalt  }
0x43: {  	_ =	shalt  }
0x44: {  	_ =	shalt  }
0x45: {  	_ =	shalt  }
0x46: {  	_ =	shalt  }
0x47: {  	_ =	shalt  }
0x48: {  	_ =	shalt  }
0x49: {  	_ =	shalt  }
0x4a: {  	_ =	shalt  }
0x4b: {  	_ =	shalt  }
0x4c: {  	_ =	shalt  }
0x4d: {  	_ =	shalt  }
0x4e: {  	_ =	shalt  }
0x4f: {  	_ =	shalt  }
0x50: {  	_ =	shalt  }
0x51: {  	_ =	shalt  }
0x52: {  	_ =	shalt  }
0x53: {  	_ =	shalt  }
0x54: {  	_ =	shalt  }
0x55: {  	_ =	shalt  }
0x56: {  	_ =	shalt  }
0x57: {  	_ =	shalt  }
0x58: {  	_ =	shalt  }
0x59: {  	_ =	shalt  }
0x5a: {  	_ =	shalt  }
0x5b: {  	_ =	shalt  }
0x5c: {  	_ =	shalt  }
0x5d: {  	_ =	shalt  }
0x5e: {  	_ =	shalt  }
0x5f: {  	_ =	shalt  }
0x60: {  	_ =	shalt  }
0x61: {  	_ =	shalt  }
0x62: {  	_ =	shalt  }
0x63: {  	_ =	shalt  }
0x64: {  	_ =	shalt  }
0x65: {  	_ =	shalt  }
0x66: {  	_ =	shalt  }
0x67: {  	_ =	shalt  }
0x68: {  	_ =	shalt  }
0x69: {  	_ =	shalt  }
0x6a: {  	_ =	shalt  }
0x6b: {  	_ =	shalt  }
0x6c: {  	_ =	shalt  }
0x6d: {  	_ =	shalt  }
0x6e: {  	_ =	shalt  }
0x6f: {  	_ =	shalt  }
0x70: {  	_ =	shalt  }
0x71: {  	_ =	shalt  }
0x72: {  	_ =	shalt  }
0x73: {  	_ =	shalt  }
0x74: {  	_ =	shalt  }
0x75: {  	_ =	shalt  }
0x76: {  	_ =	shalt  }
0x77: {  	_ =	shalt  }
0x78: {  	_ =	shalt  }
0x79: {  	_ =	shalt  }
0x7a: {  	_ =	shalt  }
0x7b: {  	_ =	shalt  }
0x7c: {  	_ =	shalt  }
0x7d: {  	_ =	shalt  }
0x7e: {  	_ =	shalt  }
0x7f: {  	_ =	shalt  }
0x80: {  	_ =	shalt  }
0x81: {  	_ =	shalt  }
0x82: {  	_ =	shalt  }
0x83: {  	_ =	shalt  }
0x84: {  	_ =	shalt  }
0x85: {  	_ =	shalt  }
0x86: {  	_ =	shalt  }
0x87: {  	_ =	shalt  }
.Lfunc_end0:
.L_simem_size_0:
called_computation_lowered:
.L_overlay_start_0:
0x88: {  	s2 =	sld [smem:$0x3FD9]  }
0x89: {  	s3 =	sld [smem:$0x3FFE];
	_ =	sdelay $0x1  }
0x8a: {  	s1 =	srdreg.scid  }
0x8b: {  	s0 =	sand.u32 $0x1, s1  }
0x8c: {  	s14 =	sshll.u32 s0, $0xA;
	s2 =	sadd.s32 s3, s2  }
0x8d: {  	s2 =	sadd.s32 s2, s14  }
0x8e: {  	[smem:$0x3FC3] =	sst s2  }
0x8f: {  	_ = 	snop  }
0x90: {  	s2 =	sld [smem:$0x3FD0]  }
0x91: {  	s15 =	sld [smem:$0x3FC9]  }
0x92: {  	s4 =	sld [smem:$0x3FC8]  }
0x93: {  	s6 =	simm.s32 $0xA;
	s7 =	simm.s32 $0x10;
	s5 =	sld [smem:$0x3FC5]  }
0x94: {  	[smem:s7], [sflag:s6] =	dma.local [hbm:s2], $0x1  }
0x95: {  	_ =	swait.eq [sflag:s6], $0x1  }
0x96: {  	s16 =	sld [smem:$0x10]  }
0x97: {  	s17 =	sld [smem:$0x11];
	[sflag:s6] =	ssyncset.done $0x0  }
0x98: {  	s8 =	sld [smem:$0x12];
	[sflag:s6] =	ssyncadd.s32 $0xFFFFFFFF  }
0x99: {  	s18 =	sld [smem:$0x13];
	(tm) =	ssettm $0x1  }
0x9a: {  	s9 =	sld [smem:$0x3FFB];
	_ =	sdelay $0x3  }
0x9b: {  	_ =	strace s9  }
0x9c: {  	s9 =	sld [smem:$0x3FFC];
	_ =	sdelay $0x3  }
0x9d: {  	_ =	strace s9  }
0x9e: {  	s9 =	sld [smem:$0x3FFD];
	_ =	sdelay $0x3  }
0x9f: {  	_ =	strace s9  }
0xa0: {  	_ =	strace $0x8FFFFFFF  }
0xa1: {  	s19 =	sld [smem:$0x3FDB];
	_ =	sdelay $0x1  }
0xa2: {  	s10 =	simm.s32 $_scs_section_size  }
0xa3: {  	s11 =	simm.s32 $_size__tile_overlayer_lowered;
	s12 =	simm.s32 $_tile_overlayer_lowered  }
0xa4: {  	s22 =	simm.s32 $0x1BFF;
	s21 =	sshll.u32 s12, $0x1;
	s9 =	sadd.s32 s10, s19  }
0xa5: {  	s13 =	simm.s32 $0x0;
	s20 =	sshll.u32 s11, $0x1;
	s11 =	sadd.s32 s21, s9  }
0xa6: {  	[timem:s13], [sflag:s22] =	dma.local [hbm:s11], s20  }
0xa7: {  	_ =	swait.ge [sflag:s22], s20  }
0xa8: {  	s10 =	ssub.s32 $0x0, s20;
	[sflag:s22] =	ssyncset.done $0x0  }
0xa9: {  	[sflag:s22] =	ssyncadd.s32 s10;
	_ =	sdelay $0x1  }
0xaa: {  	s23 =	simm.s32 $0x1B8B  }
0xab: {  	_ =	swait.ge [sflag:s23], $0x1  }
0xac: {  	[sflag:s23] =	ssyncset.done $0x0  }
0xad: {  	s25 =	simm.s32 $0x1B8E;
	s24 =	sld [smem:$0x3FFE];
	[sflag:s23] =	ssyncadd.s32 $0xFFFFFFFF  }
0xae: {  	s26 =	simm.s32 $execute0_lowered;
	[smem:$0x3FD2] =	sst s25  }
0xaf: {  	s11 =	sshll.u32 s26, $0x1;
	_ =	strace $0x80000046;
	[dreg:$0x1] =	wrdreg $0xFFFFFFFF  }
0xb0: {  	s28 =	simm.s32 $_size_execute0_lowered;
	s9 =	sadd.s32 s9, s11;
	[dreg:$0x0] =	wrdreg $0x0  }
0xb1: {  	s11 =	sshll.u32 s28, $0x1;
	[dreg:$0x2] =	wrdreg s9  }
0xb2: {  	[dreg:$0x3] =	wrdreg s11  }
0xb3: {  	[dreg:$0x4] =	wrdreg $0xC0  }
0xb4: {  	_ =	task [dreg:s13], $0x5FFFF  }
0xb5: {  	[dreg:$0x1] =	wrdreg $0xFFFFFFFF  }
0xb6: {  	[dreg:$0x0] =	wrdreg $0x60  }
0xb7: {  	[dreg:$0x2] =	wrdreg s15  }
0xb8: {  	[dreg:$0x3] =	wrdreg s4  }
0xb9: {  	[dreg:$0x4] =	wrdreg s24  }
0xba: {  	[dreg:$0x5] =	wrdreg s5  }
0xbb: {  	[dreg:$0x6] =	wrdreg s8  }
0xbc: {  	[dreg:$0x7] =	wrdreg s16  }
0xbd: {  	[dreg:$0x8] =	wrdreg s17  }
0xbe: {  	[dreg:$0x9] =	wrdreg s18  }
0xbf: {  	[dreg:$0xa] =	wrdreg $0x9  }
0xc0: {  	_ =	task.clear_ibuf [dreg:s13], $0xBFFFF;
	_ =	strace $0x90000046  }
0xc1: {  	s29 =	simm.s32 $0x9;
	_ =	strace $0x80000048  }
0xc2: {  	_ =	swait.ge [sflag:s29], $0x1  }
0xc3: {  	[sflag:s29] =	ssyncadd.s32 $0xFFFFFFFF  }
0xc4: {  	_ =	strace $0x90000048  }
0xc5: {  	_ =	sfence  }
0xc6: {  	s30 =	sld [smem:$0x0];
	_ =	sdelay $0x2  }
0xc7: {  	s31 =	sshll.u32 s1, $0xD;
	s1 =	sshrl.u32 s1, $0x2  }
0xc8: {  	s3 =	sand.u32 $0x4000, s31;
	s1 =	sadd.s32 s1, s30  }
0xc9: {  	s0 =	sor.u32 s3, s0;
	s1 =	sshll.u32 s1, $0x11  }
0xca: {  	s0 =	sor.u32 s1, s0  }
0xcb: {  	s0 =	sadd.s32 $0x8F2B, s0  }
0xcc: {  	[sflag:s0] =	ssyncadd.remote.s32 $0x1  }
0xcd: {  	_ =	sfence.sel $0xFFFF  }
0xce: {  	[dreg:$0x0] =	wrdreg $0xFFFFFFFF;
	(pc) =	sbr.abs _section_cstart, $3  }
0xcf: {  	[dreg:$0x1] =	wrdreg $0xFFFFFFFF  }
0xd0: {  	_ =	task.clear_ibuf [dreg:s13], $0x2FFFF;
	_ =	strace $0x9FFFFFFF  }
0xd1: {  	(tm) =	ssettm $0x7FFFFFFF  }
tec
execute0_lowered:
.L_overlay_start_1:
0x0: {  	(tag) =	ssettag $0x1  }
0x1: {  	s0 =	rddreg [dreg:$0x0]  }
0x2: {  	s1 =	rddreg [dreg:$0x1];
	v0 =	vimm.s32 $0xEDCBA987  }
0x3: {  	s2 =	rddreg [dreg:$0x2];
	v1 =	vimm.s32 $0x65432100;
	v4 =	vlaneseq.u32;
	v0 =	vunpack.c.l.s4.s8 v0  }
0x4: {  	s3 =	rddreg [dreg:$0x3];
	v7 =	vimm.s32 $0xDCBA9876;
	v8 =	vimm.s32 $0xBA987654;
	v1 =	vunpack.c.l.s4.s8 v1  }
0x5: {  	s4 =	srdreg.scid;
	s13 =	rddreg [dreg:$0x5];
	v9 =	vimm.s32 $0x32100000;
	v10 =	vimm.s32 $0xE40000;
	v3 =	vunpack.c.0.s8.s32 v0  }
0x6: {  	s5 =	stileid.u32;
	s14 =	rddreg [dreg:$0x6];
	vm0 =	vmmov $0x1;
	vm1 =	vcmask $0x3F04;
	v5 =	vunpack.c.0.s8.s32 v1  }
0x7: {  	s15 =	rddreg [dreg:$0x7];
	s18 =	simm.s32 $0x2;
	s19 =	simm.s32 $0x1;
	v11 =	vimm.s32 $0x7060504;
	v7 =	vunpack.c.l.s4.s8 v7;
	v6 =	vand.u32 $0xF, v3  }
0x8: {  	s30 =	simm.s32 $0x9080;
	s4 =	sand.u32 $0x1, s4;
	s5 =	sshll.u32 s5, $0x1;
	v8 =	vunpack.c.l.s4.s8 v8;
	v5 =	vcombine.low v5, v6;
	v6 =	vimm.s32 $0x54321000  }
0x9: {  	s31 =	simm.s32 $0x9180;
	s8 =	sadd.s32 $0x10E00, s2;
	v9 =	vunpack.c.l.s4.s8 v9;
	v10 =	vunpack.c.l.s2.s4 v10;
	s5 =	sor.u32 s4, s5;
	v6 =	vunpack.c.l.s4.s8 v6  }
0xa: {  	s9 =	sadd.s32 $0xE00, s2;
	s10 =	sadd.s32 $0x50E00, s2;
	s11 =	sadd.s32 $0x40E00, s2;
	v0 =	vmov s5;
	v7 =	vunpack.c.0.s8.s32 v7;
	v8 =	vunpack.c.0.s8.s32 v8  }
0xb: {  	s12 =	sadd.s32 $0x30E00, s2;
	s4 =	ssub.s32 $0x2, s4;
	s7 =	sadd.s32 $0x1, s5;
	v9 =	vunpack.c.0.s8.s32 v9;
	v10 =	vunpack.c.l.s4.s8 v10;
	v6 =	vunpack.c.0.s8.s32 v6  }
0xc: {  	s6 =	sshll.u32 s5, $0x8;
	s16 =	smul.u32 $0x60, s5;
	s17 =	sshrl.u32 s4, $0x1;
	v1 =	vmov s7;
	v7 =	vand.u32 $0xF, v7;
	v8 =	vand.u32 $0xF, v8  }
0xd: {  	s5 =	sshll.u32 s5, $0x5;
	v2 =	vmov s6;
	s6 =	simm.s32 $0x0;
	s7 =	sadd.s32 $0x20E00, s2;
	v6 =	vcombine.low v6, v7;
	v7 =	vcombine.low v9, v8  }
0xe: {  	s13 =	sadd.s32 s13, s5;
	s5 =	sadd.s32 s14, s5;
	[smem:$0x7FF] =	sst s6;
	v8 =	vunpack.c.0.s8.s32 v10;
	v9 =	vimm.s32 $0xFFEDCBA9;
	v10 =	vimm.s32 $0x87654321  }
.Ltmp0:
0xf: {  	vm2 =	vmmov $0x3;
	_ =	strace $0x80000047;
	[dreg:$0x9] =	wrdreg s13;
	v9 =	vunpack.c.l.s4.s8 v9;
	v10 =	vunpack.c.l.s4.s8 v10;
	(pc) =	sbr.rel .LBB2_1-.Ltmp0, $4  }
0x10: {  	vm4 =	vcmask $0x3F30;
	vm3 =	vmmov $0xf;
	v11 =	vunpack.c.0.s8.s32 v11;
	s4 =	ssub.s32 s4, s17;
	s28 =	sadd.s32 s15, s16;
	[dreg:$0xa] =	wrdreg s5  }
0x11: {  	s2 =	sadd.s32 s16, s2;
	s29 =	smax.u32 s4, $0x1;
	[dreg:$0xb] =	wrdreg s28;
	v8 =	vand.u32 $0x3, v8;
	v9 =	vunpack.c.0.s8.s32 v9;
	v10 =	vunpack.c.0.s8.s32 v10  }
0x12: {  	v3 =	vimm.f32 $0.0e+00;
	s2 =	sadd.s32 $0x60E00, s2;
	[dreg:$0xd] =	wrdreg s29;
	s5 =	simm.s32 $0x9280;
	v8 =	vsel vm4, v11, v8;
	vm4 =	vmmov $0xff  }
0x13: {  	s13 =	simm.s32 $0x0;
	[dreg:$0xc] =	wrdreg s2;
	s2 =	simm.s32 $0x9580;
	v11 =	vimm.s32 $0xF;
	v9 =	vcombine.low v10, v9;
	v10 =	vor.u32 $0x80000000, v4  }
.LBB2_7:
0x14: {  	v12 =	vld [tilespmem:$0x9080]  }
0x15: {  	v13 =	vld [tilespmem:$0x9180]  }
0x16: {  	v14 =	vld [tilespmem:$0x9090]  }
0x17: {  	v15 =	vld [tilespmem:$0x9190]  }
0x18: {  	v16 =	vld [tilespmem:$0x90A0]  }
0x19: {  	v17 =	vld [tilespmem:$0x91A0]  }
0x1a: {  	v18 =	vld [tilespmem:$0x90B0]  }
0x1b: {  	v19 =	vld [tilespmem:$0x91B0]  }
0x1c: {  	v20 =	vld [tilespmem:$0x90C0]  }
0x1d: {  	v21 =	vld [tilespmem:$0x90D0];
	v12 =	vadd.f32 $1.000000010e-10, v12  }
0x1e: {  	v22 =	vld [tilespmem:$0x90E0];
	v14 =	vadd.f32 $1.000000010e-10, v14  }
0x1f: {  	v46 =	vld [tilespmem:$0x90F0];
	v45 =	vadd.f32 $1.000000010e-10, v16;
	(erf) = vrcp.f32 v12  }
0x20: {  	v48 =	vld [tilespmem:$0x9100];
	v47 =	vadd.f32 $1.000000010e-10, v18;
	(erf) = vrcp.f32 v14  }
0x21: {  	v50 =	vld [tilespmem:$0x9110];
	v49 =	vadd.f32 $1.000000010e-10, v20;
	(erf) = vrcp.f32 v45  }
0x22: {  	v52 =	vld [tilespmem:$0x9120];
	v51 =	vadd.f32 $1.000000010e-10, v21;
	(erf) = vrcp.f32 v47  }
0x23: {  	v54 =	vld [tilespmem:$0x9130];
	v53 =	vadd.f32 $1.000000010e-10, v22;
	(erf) = vrcp.f32 v49  }
0x24: {  	v56 =	vld [tilespmem:$0x9140];
	v55 =	vadd.f32 $1.000000010e-10, v46;
	(erf) = vrcp.f32 v51  }
0x25: {  	v58 =	vld [tilespmem:$0x9150];
	v57 =	vadd.f32 $1.000000010e-10, v48;
	(erf) = vrcp.f32 v53  }
0x26: {  	v60 =	vld [tilespmem:$0x9160];
	v59 =	vadd.f32 $1.000000010e-10, v50;
	(erf) = vrcp.f32 v55  }
0x27: {  	v62 =	vld [tilespmem:$0x9170];
	v61 =	vadd.f32 $1.000000010e-10, v52;
	(erf) = vrcp.f32 v57  }
0x28: {  	v63 =	vld [tilespmem:$0x91C0];
	v22 =	vadd.f32 $1.000000010e-10, v54;
	v23 =	vpop (erf);
	(erf) = vrcp.f32 v59  }
0x29: {  	v25 =	vld [tilespmem:$0x91D0];
	v16 =	vadd.f32 $1.000000010e-10, v56;
	v13 =	vmul.f32 v23, v13;
	v24 =	vpop (erf);
	(erf) = vrcp.f32 v61  }
0x2a: {  	v27 =	vld [tilespmem:$0x91E0];
	v18 =	vadd.f32 $1.000000010e-10, v58;
	v15 =	vmul.f32 v24, v15;
	v26 =	vpop (erf);
	(erf) = vrcp.f32 v22  }
0x2b: {  	v30 =	vld [tilespmem:$0x91F0];
	v20 =	vadd.f32 $1.000000010e-10, v60;
	[tilespmem:$0x9180] =	vst v13;
	v28 =	vmul.f32 v26, v17;
	v29 =	vpop (erf);
	(erf) = vrcp.f32 v16  }
0x2c: {  	v33 =	vld [tilespmem:$0x9200];
	v34 =	vadd.f32 $1.000000010e-10, v62;
	[tilespmem:$0x9190] =	vst v15;
	v31 =	vmul.f32 v29, v19;
	v32 =	vpop (erf);
	(erf) = vrcp.f32 v18  }
0x2d: {  	v37 =	vld [tilespmem:$0x9210];
	[tilespmem:$0x91A0] =	vst v28;
	v35 =	vmul.f32 v32, v63;
	v36 =	vpop (erf);
	(erf) = vrcp.f32 v20  }
0x2e: {  	v39 =	vld [tilespmem:$0x9220];
	[tilespmem:$0x91B0] =	vst v31;
	v12 =	vmul.f32 v36, v25;
	v38 =	vpop (erf);
	(erf) = vrcp.f32 v34  }
0x2f: {  	v42 =	vld [tilespmem:$0x9230];
	v40 =	vpop (erf);
	[tilespmem:$0x91C0] =	vst v35;
	v41 =	vmul.f32 v38, v27  }
0x30: {  	v45 =	vld [tilespmem:$0x9240];
	v43 =	vpop (erf);
	[tilespmem:$0x91D0] =	vst v12;
	v44 =	vmul.f32 v40, v30  }
0x31: {  	v48 =	vld [tilespmem:$0x9250];
	v46 =	vpop (erf);
	[tilespmem:$0x91E0] =	vst v41;
	v47 =	vmul.f32 v43, v33  }
0x32: {  	v51 =	vld [tilespmem:$0x9260];
	v49 =	vpop (erf);
	[tilespmem:$0x91F0] =	vst v44;
	v50 =	vmul.f32 v46, v37  }
0x33: {  	v54 =	vld [tilespmem:$0x9270];
	v52 =	vpop (erf);
	[tilespmem:$0x9200] =	vst v47;
	v53 =	vmul.f32 v49, v39  }
0x34: {  	v55 =	vpop (erf);
	[tilespmem:$0x9210] =	vst v50;
	v56 =	vmul.f32 v52, v42  }
0x35: {  	v57 =	vpop (erf);
	[tilespmem:$0x9220] =	vst v53;
	v58 =	vmul.f32 v55, v45  }
0x36: {  	v59 =	vpop (erf);
	[tilespmem:$0x9230] =	vst v56;
	v60 =	vmul.f32 v57, v48  }
0x37: {  	[tilespmem:$0x9240] =	vst v58;
	v61 =	vmul.f32 v59, v51;
	v62 =	vpop (erf)  }
0x38: {  	[tilespmem:$0x9250] =	vst v60;
	v63 =	vmul.f32 v62, v54  }
0x39: {  	[tilespmem:$0x9260] =	vst v61  }
0x3a: {  	s4 =	rddreg [dreg:$0x9];
	[tilespmem:$0x9270] =	vst v63  }
0x3b: {  	[hbm4b:s4+s6] =	stream.linear.scatter [tilespmem:s30], [sflag:$0x2], $0x100, $0x38;
	[tilespmem:$0x9880] =	vst v63  }
0x3c: {  	_ =	swait.ge [sflag:s18], $0x100  }
0x3d: {  	[sflag:s18] =	ssyncset.done $0x0  }
0x3e: {  	s25 =	rddreg [dreg:$0xa];
	[sflag:s18] =	ssyncadd.s32 $0xFFFFFF00  }
0x3f: {  	[hbm4b:s25+s6] =	stream.linear.scatter [tilespmem:s31], [sflag:$0x2], $0x100, $0x38;
	[tilespmem:$0x9880] =	vst v63  }
0x40: {  	_ =	swait.ge [sflag:s18], $0x100  }
0x41: {  	[sflag:s18] =	ssyncset.done $0x0  }
0x42: {  	s26 =	rddreg [dreg:$0xb];
	[sflag:s18] =	ssyncadd.s32 $0xFFFFFF00  }
0x43: {  	[hbm4b:s26+s6] =	stream.linear.scatter [tilespmem:s5], [sflag:$0x2], $0x300, $0x38;
	[tilespmem:$0x9880] =	vst v63  }
0x44: {  	_ =	swait.ge [sflag:s18], $0x300  }
0x45: {  	[sflag:s18] =	ssyncset.done $0x0  }
0x46: {  	s28 =	rddreg [dreg:$0xc];
	[sflag:s18] =	ssyncadd.s32 $0xFFFFFD00  }
0x47: {  	[hbm4b:s28+s6] =	stream.linear.scatter [tilespmem:s2], [sflag:$0x2], $0x300, $0x38;
	[tilespmem:$0x9880] =	vst v63  }
0x48: {  	_ =	swait.ge [sflag:s18], $0x300  }
0x49: {  	s13 =	rddreg [dreg:$0xe]  }
0x4a: {  	s29 =	rddreg [dreg:$0xd];
	s13 =	sadd.s32 $0x1, s13  }
0x4b: {  	p0 =	sne.s32 s13, s29  }
.Ltmp1:
0x4c: {  	_ = 	snop;
	(pc) =	sbr.rel @!p0 .LBB2_8-.Ltmp1, $3  }
0x4d: {  	_ =	sdelay $0x1  }
0x4e: {  	[sflag:s18] =	ssyncset.done $0x0  }
0x4f: {  	[sflag:s18] =	ssyncadd.s32 $0xFFFFFD00  }
.LBB2_1:
0x50: {  	[dreg:$0xe] =	wrdreg s13  }
0x51: {  	s4 =	rddreg [dreg:$0x4]  }
0x52: {  	[tilespmem:s6], [sflag:$0x2] =	stream.linear.gather [hbm4b:s4+s6], $0x80, $0x38;
	[tilespmem:$0x9880] =	vst v63  }
0x53: {  	_ =	swait.ge [sflag:s18], $0x80  }
0x54: {  	[sflag:s18] =	ssyncset.done $0x0  }
0x55: {  	[sflag:s18] =	ssyncadd.s32 $0xFFFFFF80  }
0x56: {  	v12 =	vld.idx.msk [tilespmem:v0+s6+$0x0], $0xffff  }
0x57: {  	v13 =	vld.idx.msk [tilespmem:v1+s6+$0x0], $0xffff;
	[tilespmem:$0x9080] =	vst v3  }
0x58: {  	[tilespmem:$0x9180] =	vst v3  }
0x59: {  	[tilespmem:$0x9090] =	vst v3  }
0x5a: {  	[tilespmem:$0x9190] =	vst v3  }
0x5b: {  	[tilespmem:$0x90A0] =	vst v3  }
0x5c: {  	[tilespmem:$0x91A0] =	vst v3  }
0x5d: {  	[tilespmem:$0x90B0] =	vst v3  }
0x5e: {  	[tilespmem:$0x91B0] =	vst v3  }
0x5f: {  	[tilespmem:$0x90C0] =	vst v3  }
0x60: {  	[tilespmem:$0x91C0] =	vst v3  }
0x61: {  	[tilespmem:$0x90D0] =	vst v3  }
0x62: {  	[tilespmem:$0x91D0] =	vst v3  }
0x63: {  	[tilespmem:$0x90E0] =	vst v3  }
0x64: {  	[tilespmem:$0x91E0] =	vst v3  }
0x65: {  	[tilespmem:$0x90F0] =	vst v3  }
0x66: {  	[tilespmem:$0x91F0] =	vst v3  }
0x67: {  	[tilespmem:$0x9100] =	vst v3  }
0x68: {  	[tilespmem:$0x9200] =	vst v3  }
0x69: {  	[tilespmem:$0x9110] =	vst v3  }
0x6a: {  	[tilespmem:$0x9210] =	vst v3  }
0x6b: {  	[tilespmem:$0x9120] =	vst v3  }
0x6c: {  	[tilespmem:$0x9220] =	vst v3  }
0x6d: {  	[tilespmem:$0x9130] =	vst v3  }
0x6e: {  	[tilespmem:$0x9230] =	vst v3  }
0x6f: {  	[tilespmem:$0x9140] =	vst v3  }
0x70: {  	[tilespmem:$0x9240] =	vst v3  }
0x71: {  	[tilespmem:$0x9150] =	vst v3  }
0x72: {  	[tilespmem:$0x9250] =	vst v3  }
0x73: {  	[tilespmem:$0x9160] =	vst v3  }
0x74: {  	[tilespmem:$0x9260] =	vst v3  }
0x75: {  	[tilespmem:$0x9170] =	vst v3  }
0x76: {  	[tilespmem:$0x9270] =	vst v3  }
0x77: {  	[tilespmem:$0x9280] =	vst v3  }
0x78: {  	[tilespmem:$0x9580] =	vst v3  }
0x79: {  	[tilespmem:$0x9290] =	vst v3  }
0x7a: {  	[tilespmem:$0x9590] =	vst v3  }
0x7b: {  	[tilespmem:$0x92A0] =	vst v3  }
0x7c: {  	[tilespmem:$0x95A0] =	vst v3  }
0x7d: {  	[tilespmem:$0x92B0] =	vst v3  }
0x7e: {  	[tilespmem:$0x95B0] =	vst v3  }
0x7f: {  	[tilespmem:$0x92C0] =	vst v3  }
0x80: {  	[tilespmem:$0x95C0] =	vst v3  }
0x81: {  	[tilespmem:$0x92D0] =	vst v3  }
0x82: {  	[tilespmem:$0x95D0] =	vst v3  }
0x83: {  	[tilespmem:$0x92E0] =	vst v3  }
0x84: {  	[tilespmem:$0x95E0] =	vst v3  }
0x85: {  	[tilespmem:$0x92F0] =	vst v3  }
0x86: {  	[tilespmem:$0x95F0] =	vst v3  }
0x87: {  	[tilespmem:$0x9300] =	vst v3  }
0x88: {  	[tilespmem:$0x9600] =	vst v3  }
0x89: {  	[tilespmem:$0x9310] =	vst v3  }
0x8a: {  	[tilespmem:$0x9610] =	vst v3  }
0x8b: {  	[tilespmem:$0x9320] =	vst v3  }
0x8c: {  	[tilespmem:$0x9620] =	vst v3  }
0x8d: {  	[tilespmem:$0x9330] =	vst v3  }
0x8e: {  	[tilespmem:$0x9630] =	vst v3  }
0x8f: {  	[tilespmem:$0x9340] =	vst v3  }
0x90: {  	[tilespmem:$0x9640] =	vst v3  }
0x91: {  	[tilespmem:$0x9350] =	vst v3  }
0x92: {  	[tilespmem:$0x9650] =	vst v3  }
0x93: {  	[tilespmem:$0x9360] =	vst v3  }
0x94: {  	[tilespmem:$0x9660] =	vst v3  }
0x95: {  	[tilespmem:$0x9370] =	vst v3  }
0x96: {  	[tilespmem:$0x9670] =	vst v3  }
0x97: {  	[tilespmem:$0x9380] =	vst v3  }
0x98: {  	[tilespmem:$0x9680] =	vst v3  }
0x99: {  	[tilespmem:$0x9390] =	vst v3  }
0x9a: {  	[tilespmem:$0x9690] =	vst v3  }
0x9b: {  	[tilespmem:$0x93A0] =	vst v3  }
0x9c: {  	[tilespmem:$0x96A0] =	vst v3  }
0x9d: {  	[tilespmem:$0x93B0] =	vst v3  }
0x9e: {  	[tilespmem:$0x96B0] =	vst v3  }
0x9f: {  	[tilespmem:$0x93C0] =	vst v3  }
0xa0: {  	[tilespmem:$0x96C0] =	vst v3  }
0xa1: {  	[tilespmem:$0x93D0] =	vst v3  }
0xa2: {  	[tilespmem:$0x96D0] =	vst v3  }
0xa3: {  	[tilespmem:$0x93E0] =	vst v3  }
0xa4: {  	[tilespmem:$0x96E0] =	vst v3  }
0xa5: {  	[tilespmem:$0x93F0] =	vst v3  }
0xa6: {  	[tilespmem:$0x96F0] =	vst v3  }
0xa7: {  	[tilespmem:$0x9400] =	vst v3  }
0xa8: {  	[tilespmem:$0x9700] =	vst v3  }
0xa9: {  	[tilespmem:$0x9410] =	vst v3  }
0xaa: {  	[tilespmem:$0x9710] =	vst v3  }
0xab: {  	[tilespmem:$0x9420] =	vst v3  }
0xac: {  	[tilespmem:$0x9720] =	vst v3  }
0xad: {  	[tilespmem:$0x9430] =	vst v3  }
0xae: {  	[tilespmem:$0x9730] =	vst v3  }
0xaf: {  	[tilespmem:$0x9440] =	vst v3  }
0xb0: {  	[tilespmem:$0x9740] =	vst v3  }
0xb1: {  	[tilespmem:$0x9450] =	vst v3  }
0xb2: {  	[tilespmem:$0x9750] =	vst v3  }
0xb3: {  	[tilespmem:$0x9460] =	vst v3  }
0xb4: {  	[tilespmem:$0x9760] =	vst v3  }
0xb5: {  	[tilespmem:$0x9470] =	vst v3  }
0xb6: {  	[tilespmem:$0x9770] =	vst v3  }
0xb7: {  	[tilespmem:$0x9480] =	vst v3  }
0xb8: {  	[tilespmem:$0x9780] =	vst v3  }
0xb9: {  	[tilespmem:$0x9490] =	vst v3;
	v12 =	vxor.u32 $0x80000000, v12  }
0xba: {  	[tilespmem:$0x9790] =	vst v3;
	(xrf0) =	vmin.scan.msk.u32 $0xffff, v12  }
0xbb: {  	[tilespmem:$0x94A0] =	vst v3  }
0xbc: {  	[tilespmem:$0x97A0] =	vst v3  }
0xbd: {  	[tilespmem:$0x94B0] =	vst v3  }
0xbe: {  	[tilespmem:$0x97B0] =	vst v3  }
0xbf: {  	[tilespmem:$0x94C0] =	vst v3;
	v63 =	vxor.u32 $0x80000000, v13  }
0xc0: {  	[tilespmem:$0x97C0] =	vst v3;
	v12, _, _ =	vpop (xrf0);
	(xrf0) =	vmin.scan.msk.u32 $0xffff, v63  }
0xc1: {  	[tilespmem:$0x94D0] =	vst v3;
	(v2sf) =	vpush v12, $0xF  }
0xc2: {  	[tilespmem:$0x97D0] =	vst v3  }
0xc3: {  	[tilespmem:$0x94E0] =	vst v3  }
0xc4: {  	[tilespmem:$0x97E0] =	vst v3  }
0xc5: {  	[tilespmem:$0x94F0] =	vst v3  }
0xc6: {  	[tilespmem:$0x97F0] =	vst v3;
	v12, _, _ =	vpop (xrf0)  }
0xc7: {  	[tilespmem:$0x9500] =	vst v3;
	(v2sf) =	vpush v12, $0xF  }
0xc8: {  	[tilespmem:$0x9800] =	vst v3  }
0xc9: {  	[tilespmem:$0x9510] =	vst v3  }
0xca: {  	[tilespmem:$0x9810] =	vst v3  }
0xcb: {  	[tilespmem:$0x9520] =	vst v3  }
0xcc: {  	[tilespmem:$0x9820] =	vst v3  }
0xcd: {  	[tilespmem:$0x9530] =	vst v3  }
0xce: {  	[tilespmem:$0x9830] =	vst v3  }
0xcf: {  	[tilespmem:$0x9540] =	vst v3  }
0xd0: {  	[tilespmem:$0x9840] =	vst v3;
	s26 =	spop (v2sf)  }
0xd1: {  	[tilespmem:$0x9550] =	vst v3;
	s13 =	sxor.u32 $0x80000000, s26  }
0xd2: {  	[tilespmem:$0x9850] =	vst v3;
	s28 =	sand.u32 $0xFFFFFFF0, s13  }
0xd3: {  	[tilespmem:$0x9560] =	vst v3;
	p0 =	slt.s32 s28, $0x7F800;
	s20 =	smov.u32 s28  }
0xd4: {  	[tilespmem:$0x9860] =	vst v3;
	s20 =	simm.s32 @!p0 $0x7F800  }
0xd5: {  	[tilespmem:$0x9570] =	vst v3;
	s21 =	sshrl.u32 s20, $0x3  }
0xd6: {  	s29 =	simm.s32 $0x80;
	[tilespmem:$0x9870] =	vst v3;
	s20 =	sadd.s32 s0, s21;
	s15 =	spop (v2sf)  }
0xd7: {  	[tilespmem:s29], [sflag:$0x1] =	stream.linear.gather [hbm4b:s20+s6], $0x800, $0x38;
	[tilespmem:$0x9880] =	vst v63  }
0xd8: {  	s14 =	simm.s32 $0x1080;
	s4 =	sadd.s32 s1, s21;
	s20 =	sxor.u32 $0x80000000, s15  }
0xd9: {  	[tilespmem:s14], [sflag:$0x1] =	stream.linear.gather [hbm4b:s4+s6], $0x800, $0x38;
	[tilespmem:$0x9880] =	vst v63  }
0xda: {  	s16 =	simm.s32 $0x2080;
	s22 =	sadd.s32 s3, s21;
	s24 =	ssub.s32 s20, s28  }
0xdb: {  	[tilespmem:s16], [sflag:$0x1] =	stream.linear.gather [hbm4b:s22+s6], $0x800, $0x38;
	[tilespmem:$0x9880] =	vst v63  }
0xdc: {  	s23 =	simm.s32 $0x3080;
	s22 =	sadd.s32 $0xF, s24  }
0xdd: {  	s25 =	simm.s32 $0x4080;
	s17 =	sadd.s32 s7, s21;
	s16 =	sshra.s32 s22, $0x4  }
0xde: {  	[tilespmem:s23], [sflag:$0x1] =	stream.linear.gather [hbm4b:s17+s6], $0x800, $0x38;
	[tilespmem:$0x9880] =	vst v63  }
0xdf: {  	s26 =	sadd.s32 s9, s21;
	s23 =	sadd.s32 s8, s21;
	s15 =	sadd.s32 $0x7F, s16  }
0xe0: {  	[tilespmem:s25], [sflag:$0x1] =	stream.linear.gather [hbm4b:s23+s6], $0x800, $0x38;
	[tilespmem:$0x9880] =	vst v63  }
0xe1: {  	s29 =	simm.s32 $0x5080;
	s4 =	sadd.s32 s10, s21;
	s25 =	sand.u32 $0x7F, s15  }
0xe2: {  	[tilespmem:s29], [sflag:$0x1] =	stream.linear.gather [hbm4b:s26+s6], $0x800, $0x38;
	[tilespmem:$0x9880] =	vst v63  }
0xe3: {  	p1 =	slt.s32 s16, $0xFFFFFF82;
	p6 =	sne.s32 s25, $0x0;
	s26 =	sshra.s32 s15, $0x1F  }
0xe4: {  	s14 =	simm.s32 $0x6080;
	p0 =	por !p1, !p6;
	s23 =	sshrl.u32 s26, $0x19  }
0xe5: {  	[tilespmem:s14], [sflag:$0x1] =	stream.linear.gather [hbm4b:s4+s6], $0x800, $0x38;
	[tilespmem:$0x9880] =	vst v63  }
0xe6: {  	p0 =	por !p0, !p0;
	s22 =	sadd.s32 s23, s15;
	s23 =	simm.s32 $0x1  }
0xe7: {  	s22 =	sshra.s32 s22, $0x7;
	s23 =	simm.s32 @!p0 $0x0  }
0xe8: {  	s22 =	ssub.s32 s22, s23  }
0xe9: {  	p0 =	slt.s32 s22, $0x1  }
.Ltmp2:
0xea: {  	_ = 	snop;
	(pc) =	sbr.rel @p0 .LBB2_7-.Ltmp2, $4  }
0xeb: {  	s24 =	simm.s32 $0x7080;
	s17 =	sadd.s32 s11, s21  }
0xec: {  	[tilespmem:s24], [sflag:$0x1] =	stream.linear.gather [hbm4b:s17+s6], $0x800, $0x38;
	[tilespmem:$0x9880] =	vst v63  }
0xed: {  	s21 =	sadd.s32 s12, s21;
	s29 =	simm.s32 $0x8080  }
0xee: {  	[tilespmem:s29], [sflag:$0x1] =	stream.linear.gather [hbm4b:s21+s6], $0x800, $0x38;
	[tilespmem:$0x9880] =	vst v63  }
.Ltmp3:
0xef: {  	(pc) =	sbr.rel .LBB2_4-.Ltmp3, $3  }
0xf0: {  	_ =	sdelay $0x1  }
0xf1: {  	v12 =	vmov s13;
	s23 =	simm.s32 $0x0  }
0xf2: {  	v13 =	vmov s20;
	v15 =	vimm.s32 $0xFFFFFFFF;
	v14 =	vimm.f32 $1.000000000e+00;
	p0 =	por $0x0, $0x0;
	s24 =	smov.u32 s28;
	s25 =	smov.u32 s16  }
.LBB2_3:
0xf3: {  	p1 =	seq.s32 s23, s22  }
.Ltmp4:
0xf4: {  	_ = 	snop;
	(pc) =	sbr.rel @p1 .LBB2_7-.Ltmp4, $2  }
0xf5: {  	_ =	sdelay $0x2  }
0xf6: {  	s25 =	sadd.s32 $0xFFFFFF80, s25;
	s24 =	sadd.s32 $0x800, s24;
	p0 =	por !p0, !p0  }
.LBB2_4:
0xf7: {  	_ =	swait.ge [sflag:s19], $0x800  }
0xf8: {  	[sflag:s19] =	ssyncset.done $0x0  }
0xf9: {  	[sflag:s19] =	ssyncadd.s32 $0xFFFFF800  }
0xfa: {  	_ =	swait.ge [sflag:s19], $0x800  }
0xfb: {  	[sflag:s19] =	ssyncset.done $0x0  }
0xfc: {  	[sflag:s19] =	ssyncadd.s32 $0xFFFFF800  }
0xfd: {  	_ =	swait.ge [sflag:s19], $0x800  }
0xfe: {  	[sflag:s19] =	ssyncset.done $0x0  }
0xff: {  	[sflag:s19] =	ssyncadd.s32 $0xFFFFF800  }
0x100: {  	_ =	swait.ge [sflag:s19], $0x800  }
0x101: {  	[sflag:s19] =	ssyncset.done $0x0  }
0x102: {  	[sflag:s19] =	ssyncadd.s32 $0xFFFFF800  }
0x103: {  	_ =	swait.ge [sflag:s19], $0x800  }
0x104: {  	[sflag:s19] =	ssyncset.done $0x0  }
0x105: {  	[sflag:s19] =	ssyncadd.s32 $0xFFFFF800  }
0x106: {  	_ =	swait.ge [sflag:s19], $0x800  }
0x107: {  	[sflag:s19] =	ssyncset.done $0x0  }
0x108: {  	[sflag:s19] =	ssyncadd.s32 $0xFFFFF800  }
0x109: {  	s13 =	smov.u32 s23;
	s23 =	sadd.s32 $0x1, s23;
	_ =	swait.ge [sflag:s19], $0x800  }
0x10a: {  	p1 =	sge.s32 s23, s22;
	[sflag:s19] =	ssyncset.done $0x0  }
0x10b: {  	s20 =	sshll.u32 @!p1 s23, $0xB;
	[sflag:s19] =	ssyncadd.s32 $0xFFFFF800  }
0x10c: {  	s26 =	sadd.s32 @!p1 s28, s20;
	_ =	swait.ge [sflag:s19], $0x800  }
0x10d: {  	p2 =	slt.s32 @!p1 s26, $0x7F800;
	[sflag:s19] =	ssyncset.done $0x0  }
0x10e: {  	p2 =	por !p2, p1;
	[sflag:s19] =	ssyncadd.s32 $0xFFFFF800  }
0x10f: {  	s15 =	simm.s32 @!p1 $0x0;
	s26 =	simm.s32 @p2 $0x7F800;
	_ =	swait.ge [sflag:s19], $0x800  }
0x110: {  	s20 =	sand.u32 @!p1 $0x800, s20;
	s26 =	sshrl.u32 @!p1 s26, $0x3;
	[sflag:s19] =	ssyncset.done $0x0  }
0x111: {  	s29 =	sor.u32 @!p1 $0x80, s20;
	s14 =	sadd.s32 @!p1 s0, s26;
	[sflag:s19] =	ssyncadd.s32 $0xFFFFF800  }
0x112: {  	[tilespmem:s29], [sflag:$0x1] =	stream.linear.gather @!p1 [hbm4b:s14+s15], $0x800, $0x38;
	[tilespmem:$0x9880] =	vst v63  }
0x113: {  	s14 =	sor.u32 @!p1 $0x1080, s20;
	s29 =	sadd.s32 @!p1 s1, s26  }
0x114: {  	[tilespmem:s14], [sflag:$0x1] =	stream.linear.gather @!p1 [hbm4b:s29+s15], $0x800, $0x38;
	[tilespmem:$0x9880] =	vst v63  }
0x115: {  	s14 =	sor.u32 @!p1 $0x2080, s20;
	s29 =	sadd.s32 @!p1 s3, s26  }
0x116: {  	[tilespmem:s14], [sflag:$0x1] =	stream.linear.gather @!p1 [hbm4b:s29+s15], $0x800, $0x38;
	[tilespmem:$0x9880] =	vst v63  }
0x117: {  	s14 =	sor.u32 @!p1 $0x3080, s20;
	s29 =	sadd.s32 @!p1 s7, s26  }
0x118: {  	[tilespmem:s14], [sflag:$0x1] =	stream.linear.gather @!p1 [hbm4b:s29+s15], $0x800, $0x38;
	[tilespmem:$0x9880] =	vst v63  }
0x119: {  	s14 =	sor.u32 @!p1 $0x4080, s20;
	s29 =	sadd.s32 @!p1 s8, s26  }
0x11a: {  	[tilespmem:s14], [sflag:$0x1] =	stream.linear.gather @!p1 [hbm4b:s29+s15], $0x800, $0x38;
	[tilespmem:$0x9880] =	vst v63  }
0x11b: {  	s14 =	sor.u32 @!p1 $0x5080, s20;
	s29 =	sadd.s32 @!p1 s9, s26  }
0x11c: {  	[tilespmem:s14], [sflag:$0x1] =	stream.linear.gather @!p1 [hbm4b:s29+s15], $0x800, $0x38;
	[tilespmem:$0x9880] =	vst v63  }
0x11d: {  	s14 =	sor.u32 @!p1 $0x6080, s20;
	s29 =	sadd.s32 @!p1 s10, s26  }
0x11e: {  	[tilespmem:s14], [sflag:$0x1] =	stream.linear.gather @!p1 [hbm4b:s29+s15], $0x800, $0x38;
	[tilespmem:$0x9880] =	vst v63  }
0x11f: {  	s14 =	sor.u32 @!p1 $0x7080, s20;
	s29 =	sadd.s32 @!p1 s11, s26  }
0x120: {  	[tilespmem:s14], [sflag:$0x1] =	stream.linear.gather @!p1 [hbm4b:s29+s15], $0x800, $0x38;
	[tilespmem:$0x9880] =	vst v63  }
0x121: {  	s13 =	sshll.u32 s13, $0x7;
	s14 =	sor.u32 @!p1 $0x8080, s20;
	s20 =	sadd.s32 @!p1 s12, s26  }
0x122: {  	[tilespmem:s14], [sflag:$0x1] =	stream.linear.gather @!p1 [hbm4b:s20+s15], $0x800, $0x38;
	[tilespmem:$0x9880] =	vst v63  }
0x123: {  	p1 =	sle.s32 s16, s13  }
.Ltmp5:
0x124: {  	_ = 	snop;
	(pc) =	sbr.rel @p1 .LBB2_3-.Ltmp5, $1  }
0x125: {  	_ =	sdelay $0x3  }
0x126: {  	s13 =	simm.s32 $0x1  }
0x127: {  	s13 =	simm.s32 @!p0 $0x0  }
0x128: {  	p1 =	slt.s32 s24, $0x7F800;
	s14 =	smov.u32 s24;
	s13 =	sshll.u32 s13, $0xB  }
0x129: {  	s14 =	simm.s32 @!p1 $0x7F800;
	s13 =	sadd.s32 s13, s24  }
0x12a: {  	s13 =	ssub.s32 s13, s14  }
0x12b: {  	s13 =	sshll.u32 s13, $0x2  }
0x12c: {  	s21 =	smov.u32 s25;
	p1 =	sgt.s32 s25, $0x1;
	s13 =	sshra.s32 s13, $0x2  }
0x12d: {  	s21 =	simm.s32 @!p1 $0x1;
	s14 =	sadd.s32 $0x80, s13  }
0x12e: {  	s21 =	smin.u32 s21, $0x80;
	s15 =	sadd.s32 $0x1080, s13;
	s20 =	sadd.s32 $0x2080, s13;
	v16 =	vmov s14  }
0x12f: {  	s26 =	sadd.s32 $0x3080, s13;
	s29 =	sadd.s32 $0x4080, s13;
	s17 =	sadd.s32 $0x5080, s13;
	v17 =	vmov s15;
	v18 =	vmov s20  }
0x130: {  	s4 =	sadd.s32 $0x6080, s13;
	s20 =	sadd.s32 $0x7080, s13;
	s13 =	sadd.s32 $0x8080, s13;
	v19 =	vmov s26;
	v20 =	vmov s29;
	v21 =	vmov s17  }
0x131: {  	s26 =	sshll.u32 s21, $0x6;
	v22 =	vmov s4;
	s29 =	simm.s32 $0x0;
	v23 =	vmov s20;
	v24 =	vmov s13;
	s20 =	smov.u32 s24  }
.LBB2_6:
0x132: {  	s13 =	sshra.s32 s29, $0x2  }
0x133: {  	v25 =	vld.idx.msk [tilespmem:v16+s13+$0x0 ss:$0x1], $0xffff;
	_ =	sdelay $0x1  }
0x134: {  	v26 =	vor.u32 s20, v4  }
0x135: {  	vm5 =	vge.s32 v26, v12;
	vm6 =	vlt.s32 v26, v13  }
0x136: {  	v26 =	vld.idx.msk [tilespmem:v18+s13+$0x0 ss:$0x1], $0xffff;
	vm5 =	vmand vm5, vm6  }
0x137: {  	v27 =	vnsel vm5, $0x0, v25  }
0x138: {  	v25 =	vsub.f32 $1.000000000e+00, v27;
	_ =	sdelay $0x1  }
0x139: {  	v28 =	vmax.f32 v25, $1.000000010e-10  }
0x13a: {  	v25 =	vnsel vm5, $0xFFFFFFFE, v26;
	v26 =	vmin.f32 v28, $1.000000000e+00  }
0x13b: {  	v30 =	vld.idx.msk [tilespmem:v23+s13+$0x0 ss:$0x1], $0xffff;
	v54 =	vperm.xlane v25, v5;
	v29 =	vperm.xlane v26, v5  }
0x13c: {  	v31 =	vld.idx.msk [tilespmem:v24+s13+$0x0 ss:$0x1], $0xffff;
	vm5 =	veq.s32 v4, $0x0  }
0x13d: {  	v56 =	vld.idx.msk [tilespmem:v22+s13+$0x0 ss:$0x1], $0xffff;
	v28 =	vsel vm0, v15, v54;
	v29 =	vsel vm5, $0x3F800000, v29  }
0x13e: {  	vm5 =	veq.s32 v25, v28;
	v55 =	vmul.f32 v29, v26  }
0x13f: {  	vm6 =	vmand vm5, vm1  }
0x140: {  	v26 =	vsel vm6, v55, v26  }
0x141: {  	v30 =	vmax.f32 v30, $-1.000000000e+00;
	v59 =	vmax.f32 v31, $-1.000000000e+00;
	v28 =	vperm.xlane v26, v6  }
0x142: {  	v58 =	vmin.f32 v30, $1.000000000e+00;
	v32 =	vperm.xlane v25, v6;
	v29 =	vmax.f32 v56, $-1.000000000e+00  }
0x143: {  	v61 =	vmul.f32 v58, v58;
	v57 =	vmin.f32 v29, $1.000000000e+00;
	v28 =	vsel vm2, $0x3F800000, v28  }
0x144: {  	v32 =	vsel vm2, $0xFFFFFFFD, v32;
	v60 =	vmul.f32 v57, v57;
	v28 =	vmul.f32 v26, v28  }
0x145: {  	v30 =	vmin.f32 v59, $1.000000000e+00;
	vm6 =	veq.s32 v25, v32  }
0x146: {  	v62 =	vmul.f32 v30, v30;
	v31 =	vadd.f32 v61, v60;
	v26 =	vsel vm6, v28, v26  }
0x147: {  	v33 =	vperm.xlane v26, v7  }
0x148: {  	v34 =	vperm.xlane v25, v7;
	v31 =	vadd.f32 v62, v31  }
0x149: {  	v33 =	vsel vm3, $0x3F800000, v33  }
0x14a: {  	v34 =	vsel vm3, $0xFFFFFFFD, v34;
	v31 =	vmax.f32 v31, $1.000000020e-24;
	v33 =	vmul.f32 v26, v33  }
0x14b: {  	vm6 =	veq.s32 v25, v34;
	v36 =	vshra.s32 v31, $0x1;
	v31 =	vmul.f32 $5.000000000e-01, v31  }
0x14c: {  	v26 =	vsel vm6, v33, v26;
	v33 =	vsub.s32 $0x5F3759DF, v36  }
0x14d: {  	v63 =	vperm.xlane v26, v8;
	v35 =	vmul.f32 v33, v31  }
0x14e: {  	v37 =	vperm.xlane v25, v8  }
0x14f: {  	v32 =	vsel vm4, $0x3F800000, v63;
	v38 =	vmul.f32 v33, v35  }
0x150: {  	v34 =	vsel vm4, $0xFFFFFFFD, v37;
	v32 =	vmul.f32 v26, v32  }
0x151: {  	vm6 =	veq.s32 v25, v34;
	v34 =	vsub.f32 $1.500000000e+00, v38  }
0x152: {  	v26 =	vsel vm6, v32, v26  }
0x153: {  	vm6 =	veq.s32 v25, v15;
	v32 =	vmul.f32 v26, v14;
	v15 =	vmul.f32 v33, v34;
	_ =	sdelay $0x1  }
0x154: {  	v26 =	vsel vm6, v32, v26;
	v31 =	vmul.f32 v15, v31  }
0x155: {  	v32 =	vperm.xlane v26, v5  }
0x156: {  	v39 =	vld.idx.msk [tilespmem:v17+s13+$0x0 ss:$0x1], $0xffff;
	v31 =	vmul.f32 v31, v15  }
0x157: {  	v40 =	vld.idx.msk [tilespmem:v19+s13+$0x0 ss:$0x1], $0xffff;
	v14 =	vsel vm0, v14, v32  }
0x158: {  	v41 =	vld.idx.msk [tilespmem:v20+s13+$0x0 ss:$0x1], $0xffff;
	v14 =	vnsel vm5, $0x3F800000, v14;
	v31 =	vsub.f32 $1.500000000e+00, v31  }
0x159: {  	v14 =	vmul.f32 v14, v27;
	v27 =	vld.idx.msk [tilespmem:v21+s13+$0x0 ss:$0x1], $0xffff  }
0x15a: {  	v42 =	vsel vm5, $0x80000000, v10;
	v15 =	vmul.f32 v31, v15  }
0x15b: {  	(xrf0) =	vmax.scan.msk.u32 $0xffff, v42  }
0x15c: {  	v33 =	vmul.f32 v14, v39;
	(xrf2) =	vadd.scan.msk.f32 $0xffff, v14;
	v15 =	vmul.f32 v15, v14  }
0x15d: {  	v43 =	vmul.f32 v14, v40;
	v44 =	vmul.f32 v14, v41  }
0x15e: {  	(xrf2) =	vadd.scan.msk.f32 $0xffff, v33;
	v14 =	vmul.f32 v14, v27;
	v27 =	vmul.f32 v15, v57  }
0x15f: {  	(xrf2) =	vadd.scan.msk.f32 $0xffff, v43  }
0x160: {  	(xrf2) =	vadd.scan.msk.f32 $0xffff, v44  }
0x161: {  	v45 =	vperm.xlane v25, v9;
	(xrf2) =	vadd.scan.msk.f32 $0xffff, v14;
	v14 =	vmul.f32 v15, v58  }
0x162: {  	vm5 =	veq.s32 v4, $0xF;
	v15 =	vmul.f32 v15, v30;
	(xrf2) =	vadd.scan.msk.f32 $0xffff, v27;
	v27, _, _ =	vpop (xrf0)  }
0x163: {  	(xrf2) =	vadd.scan.msk.f32 $0xffff, v14;
	v14 =	vsel vm5, $0xFFFFFFF7, v45;
	v46 =	vadd.s32 $0x7FFFFFFF, v27  }
0x164: {  	v47 =	vsub.s32 v25, v2;
	(xrf2) =	vadd.scan.msk.f32 $0xffff, v15;
	vm6 =	vgt.s32 v46, $0x0  }
0x165: {  	vm5 =	vne.s32 v25, v14;
	v15 =	vnsel vm6, $0x0, v46;
	vm6 =	vge.s32 v25, v2  }
0x166: {  	vm7 =	vgt.s32 v47, $0x0;
	v14, _, _ =	vpop (xrf2);
	vm5 =	vmand vm6, vm5  }
0x167: {  	v49 =	vperm.xlane v14, v15;
	vm6 =	vgt.u32 v27, $0x80000000;
	v27 =	vnsel vm7, $0x0, v47  }
0x168: {  	v48, _, _ =	vpop (xrf2);
	v51 =	vmul.u32 $0x3, v27  }
0x169: {  	v50 =	vperm.xlane v48, v15;
	v31, _, _ =	vpop (xrf2);
	v30 =	vnsel vm6, $0x0, v49  }
0x16a: {  	v52, _, _ =	vpop (xrf2);
	v14 =	vsub.f32 v14, v30;
	v53 =	vperm.xlane v31, v15;
	v55 =	vadd.s32 $0x1, v51  }
0x16b: {  	v37 =	vadd.s32 $0x2, v51;
	v28 =	vnsel vm6, $0x0, v50;
	v54, _, _ =	vpop (xrf2);
	v56 =	vperm.xlane v52, v15  }
0x16c: {  	v28 =	vsub.f32 v48, v28;
	v36, _, _ =	vpop (xrf2);
	v30 =	vnsel vm6, $0x0, v53;
	v38 =	vperm.xlane v54, v15  }
0x16d: {  	v39, _, _ =	vpop (xrf2);
	[tilespmem:v27+s30+$0x0] =	vst.idx.add.f32.msk vm5, v14;
	v14 =	vsub.f32 v31, v30;
	v57 =	vnsel vm6, $0x0, v56;
	v58 =	vperm.xlane v36, v15  }
0x16e: {  	s29 =	sadd.s32 $0x40, s29;
	[tilespmem:v27+s31+$0x0] =	vst.idx.add.f32.msk vm5, v28;
	v27 =	vsub.f32 v52, v57;
	v59 =	vnsel vm6, $0x0, v38;
	v60 =	vperm.xlane v39, v15;
	v61, _, _ =	vpop (xrf2)  }
0x16f: {  	p1 =	seq.s32 s26, s29;
	[tilespmem:v51+s5+$0x0] =	vst.idx.add.f32.msk vm5, v14;
	v14 =	vsub.f32 v54, v59;
	v62 =	vnsel vm6, $0x0, v58;
	v15 =	vperm.xlane v61, v15  }
.Ltmp6:
0x170: {  	[tilespmem:v55+s5+$0x0] =	vst.idx.add.f32.msk vm5, v27;
	v27 =	vsub.f32 v36, v62;
	v63 =	vnsel vm6, $0x0, v60;
	(pc) =	sbr.rel @!p1 .LBB2_6-.Ltmp6, $4  }
0x171: {  	[tilespmem:v37+s5+$0x0] =	vst.idx.add.f32.msk vm5, v14;
	v14 =	vsub.f32 v39, v63;
	v15 =	vnsel vm6, $0x0, v15  }
0x172: {  	[tilespmem:v51+s2+$0x0] =	vst.idx.add.f32.msk vm5, v27;
	v15 =	vsub.f32 v61, v15  }
0x173: {  	[tilespmem:v55+s2+$0x0] =	vst.idx.add.f32.msk vm5, v14  }
0x174: {  	s20 =	sadd.s32 $0x10, s20;
	v14 =	vperm.xlane v26, v11;
	[tilespmem:v37+s2+$0x0] =	vst.idx.add.f32.msk vm5, v15;
	v15 =	vperm.xlane v25, v11  }
.Ltmp7:
0x175: {  	_ = 	snop;
	(pc) =	sbr.rel .LBB2_3-.Ltmp7, $1  }
0x176: {  	_ =	sdelay $0x3  }
.LBB2_8:
0x177: {  	_ =	sfence.sel $0x180000  }
0x178: {  	[bflag:$0x0] =	sbarrier.arrive $0xFFFF  }
0x179: {  	_ =	strace $0x90000047  }
0x17a: {  	s0 =	stileid.u32;
	[bflag:$0x2] =	sbarrier.arrive $0xFFFF  }
0x17b: {  	p0 =	sne.s32 s0, $0x0;
	s0 =	rddreg [dreg:$0x8]  }
0x17c: {  	s0 =	sadd.s32 @!p0 $0x100000, s0  }
0x17d: {  	[sflag:s0] =	ssyncadd.tile.s32 @!p0 $0x1;
	_ =	shalt  }
.Lfunc_end2:
_tile_overlayer_lowered:
.L_overlay_start_2:
0x17e: {  	(tag) =	ssettag $0x2  }
0x17f: {  	s0 =	rddreg [dreg:$0x0];
	s2 =	stileid.u32  }
0x180: {  	s1 =	rddreg [dreg:$0x1];
	p0 =	sne.s32 s2, $0x0  }
0x181: {  	s3 =	rddreg [dreg:$0x2];
	[bflag:$0x3] =	sbarrier.arrive $0xFFFF;
	s2 =	simm.s32 @!p0 $0x1C02  }
0x182: {  	[timem:s3], [sflag:s2] =	dma.local @!p0 [hbm:s0], s1  }
0x183: {  	s0 =	simm.s32 @!p0 $0x2  }
0x184: {  	_ =	swait.ge @!p0 [sflag:s0], s1  }
0x185: {  	s1 =	ssub.s32 @!p0 $0x0, s1;
	[sflag:s0] =	ssyncset.done @!p0 $0x0  }
0x186: {  	[sflag:s0] =	ssyncadd.s32 @!p0 s1  }
0x187: {  	[bflag:$0x3] =	sbarrier.arrive $0xFFFF  }
0x188: {  	_ =	shalt  }

</sc_bundles>
